<compile_context>
chip_gen: v7x
topology: tpu7x:2x2x1
jax: 0.10.2.dev20260603
libtpu: 0.0.44.dev20260713+nightly
codegen_flags: <defaults>
</compile_context>

<pallas_src>
import functools

import jax
import jax.numpy as jnp
from jax import lax
from jax.experimental import pallas as pl
from jax.experimental.pallas import tpu as pltpu
from jax.experimental.pallas import tpu_sc as plsc

TCHUNK = 8192


def _n_pair_rows(V):
    full, tail = divmod(V, TCHUNK)
    return full * (TCHUNK // 2) + min(tail, TCHUNK // 2)


def _make_tc_transpose(V, D):
    grid = (V + TCHUNK - 1) // TCHUNK
    half = TCHUNK // 2
    vp = _n_pair_rows(V)

    def body(in_a, in_b, dst_in):
        ident = (lax.broadcasted_iota(jnp.int32, (D, D), 0)
                 == lax.broadcasted_iota(jnp.int32, (D, D), 1)).astype(jnp.float32)
        dn = (((0,), (0,)), ((), ()))
        ra = lax.dot_general(in_a[...], ident, dn, precision=lax.Precision.HIGHEST)
        rb = lax.dot_general(in_b[...], ident, dn, precision=lax.Precision.HIGHEST)
        dst_in[...] = jnp.concatenate([ra, rb], axis=1)

    n_cb = (V + half - 1) // half - 1
    spec_a = pl.BlockSpec((D, half), lambda j: (0, jnp.minimum(2 * j, n_cb)))
    spec_b = pl.BlockSpec((D, half), lambda j: (0, jnp.minimum(2 * j + 1, n_cb)))
    spec_o = pl.BlockSpec((half, 2 * D), lambda j: (j, 0))
    return pl.pallas_call(
        body,
        grid=(grid,),
        in_specs=[spec_a, spec_b],
        out_specs=spec_o,
        out_shape=jax.ShapeDtypeStruct((vp, 2 * D), jnp.float32),
    )


NC = 2
NS = 16
NW = NC * NS
L = 16

K = 20
CB = 64
NEG_SUB = 128
PD = 128


def _make_sc_call(B, V, D):
    assert D == 64
    assert B % (NW * CB) == 0
    b_per_w = B // NW
    n_chunks = b_per_w // CB
    negs_per_chunk = CB * K
    n_sub = negs_per_chunk // NEG_SUB
    assert n_sub * NEG_SUB == negs_per_chunk
    n_grp = CB // L
    VR = 2 * _n_pair_rows(V)

    mesh = plsc.VectorSubcoreMesh(
        core_axis_name="c", subcore_axis_name="s", num_cores=NC, num_subcores=NS
    )

    @functools.partial(
        pl.kernel,
        out_type=(
            jax.ShapeDtypeStruct((B,), jnp.float32),
            jax.ShapeDtypeStruct((B * K,), jnp.float32),
        ),
        mesh=mesh,
        scratch_types=[
            pltpu.VMEM((CB,), jnp.int32),
            pltpu.VMEM((CB,), jnp.int32),
            pltpu.VMEM((negs_per_chunk,), jnp.int32),
            pltpu.VMEM((CB, D), jnp.float32),
            pltpu.VMEM((CB, D), jnp.float32),
            pltpu.VMEM((negs_per_chunk, D), jnp.float32),
            pltpu.VMEM((CB,), jnp.float32),
            pltpu.VMEM((negs_per_chunk,), jnp.float32),
            pltpu.SemaphoreType.DMA,
        ],
        compiler_params=pltpu.CompilerParams(use_tc_tiling_on_sc=False),
    )
    def sc_call(in_p_hbm, out_p_hbm, cidx_hbm, xidx_hbm, nidx_hbm,
                pos_hbm, neg_hbm,
                cidx_v, xidx_v, nidx_v,
                crows_v, xrows_v, nrows_v, pos_v, neg_v, sem):
        wid = lax.axis_index("s") * NC + lax.axis_index("c")
        lane = lax.iota(jnp.int32, L)
        perms = [(lane ^ (1 << e))[:, None] for e in range(4)]
        gdims = lax.GatherDimensionNumbers(
            offset_dims=(), collapsed_slice_dims=(0,), start_index_map=(0,)
        )

        def lane_sum(p):
            for pm in perms:
                p = p + lax.gather(
                    p, pm, gdims, (1,),
                    mode=lax.GatherScatterMode.PROMISE_IN_BOUNDS,
                )
            return p

        def chunk_body(t, carry):
            base = wid * b_per_w + t * CB
            basek = base * K

            pltpu.sync_copy(cidx_hbm.at[pl.ds(base, CB)], cidx_v)
            pltpu.sync_copy(xidx_hbm.at[pl.ds(base, CB)], xidx_v)
            pltpu.sync_copy(nidx_hbm.at[pl.ds(basek, negs_per_chunk)], nidx_v)

            copies = [
                pltpu.async_copy(in_p_hbm.at[cidx_v], crows_v, sem),
                pltpu.async_copy(out_p_hbm.at[xidx_v], xrows_v, sem),
            ]
            for j in range(n_sub):
                copies.append(
                    pltpu.async_copy(
                        out_p_hbm.at[nidx_v.at[pl.ds(j * NEG_SUB, NEG_SUB)]],
                        nrows_v.at[pl.ds(j * NEG_SUB, NEG_SUB)],
                        sem,
                    )
                )
            for c in copies:
                c.wait()

            def dot4(rref, q, c0, c1, c2, c3):
                return (rref[q, pl.ds(0, L)] * c0
                        + rref[q, pl.ds(L, L)] * c1
                        + rref[q, pl.ds(2 * L, L)] * c2
                        + rref[q, pl.ds(3 * L, L)] * c3)

            def grp_body(g, carry2):
                pos_acc = jnp.zeros((L,), jnp.float32)

                def b_body(u, pacc):
                    bi = g * L + u
                    c0 = crows_v[bi, pl.ds(0, L)]
                    c1 = crows_v[bi, pl.ds(L, L)]
                    c2 = crows_v[bi, pl.ds(2 * L, L)]
                    c3 = crows_v[bi, pl.ds(3 * L, L)]
                    sp = lane_sum(dot4(xrows_v, bi, c0, c1, c2, c3))
                    pacc = jnp.where(lane == u, sp, pacc)
                    q0 = bi * K
                    acc0 = jnp.zeros((L,), jnp.float32)
                    acc1 = jnp.zeros((L,), jnp.float32)
                    for r in range(K):
                        s = lane_sum(dot4(nrows_v, q0 + r, c0, c1, c2, c3))
                        if r < L:
                            acc0 = jnp.where(lane == r, s, acc0)
                        if r >= K - L:
                            acc1 = jnp.where(lane == (r - (K - L)), s, acc1)
                    neg_v[pl.ds(q0, L)] = acc0
                    neg_v[pl.ds(q0 + (K - L), L)] = acc1
                    return pacc

                pos_acc = lax.fori_loop(0, L, b_body, pos_acc, unroll=2)
                pos_v[pl.ds(g * L, L)] = pos_acc
                return carry2

            lax.fori_loop(0, n_grp, grp_body, 0, unroll=False)

            pltpu.sync_copy(pos_v, pos_hbm.at[pl.ds(base, CB)])
            pltpu.sync_copy(neg_v, neg_hbm.at[pl.ds(basek, negs_per_chunk)])
            return carry

        lax.fori_loop(0, n_chunks, chunk_body, 0, unroll=False)

    return sc_call


def _perm_idx(v):
    v = v.astype(jnp.int32)
    return ((v >> 13) << 13) | ((v & 4095) << 1) | ((v >> 12) & 1)


def kernel(center_words, context_words, neg_samples, in_embed_w, out_embed_w):
    B = center_words.shape[0]
    V, D = in_embed_w.shape
    inT = in_embed_w.T
    in_p = _make_tc_transpose(V, D)(inT, inT)
    VR = 2 * _n_pair_rows(V)
    sc_call = _make_sc_call(B, V, D)
    pos, neg = sc_call(
        in_p.reshape(VR, D),
        out_embed_w,
        _perm_idx(center_words),
        context_words.astype(jnp.int32),
        neg_samples.astype(jnp.int32).reshape(-1),
    )
    return pos.reshape(B, 1), neg.reshape(B, K)

# --- scband reference (transcript-rebuilt; emitter-appended) ---
"""Pipeline reference for scband-skip-gram-negative-sampling-18811956756616 (READ-ONLY COPY).

The authoritative reference and input builder live on the scoring server;
editing this copy changes nothing except your own understanding.
"""

import jax, jax.numpy as jnp
import numpy as np

VOCAB = 1000000
EMBED_DIM = 64
BATCH = 16384
NEG_K = 20


def setup_inputs(seed: int = 0) -> dict:
    key = jax.random.key(seed)
    k1, k2, k3, k4, k5 = jax.random.split(key, 5)
    center_words = jax.random.randint(k1, (BATCH,), 0, VOCAB, dtype=jnp.int64 if jax.config.jax_enable_x64 else jnp.int32)
    context_words = jax.random.randint(k2, (BATCH,), 0, VOCAB, dtype=jnp.int64 if jax.config.jax_enable_x64 else jnp.int32)
    neg_samples = jax.random.randint(k3, (BATCH, NEG_K), 0, VOCAB, dtype=jnp.int64 if jax.config.jax_enable_x64 else jnp.int32)
    # learned parameters: nn.Embedding weights initialized uniform(-1, 1)
    in_embed_w = jax.random.uniform(k4, (VOCAB, EMBED_DIM), dtype=jnp.float32, minval=-1.0, maxval=1.0)
    out_embed_w = jax.random.uniform(k5, (VOCAB, EMBED_DIM), dtype=jnp.float32, minval=-1.0, maxval=1.0)
    return {
        "center_words": center_words,
        "context_words": context_words,
        "neg_samples": neg_samples,
        "in_embed_w": in_embed_w,
        "out_embed_w": out_embed_w,
    }


def reference(center_words, context_words, neg_samples, in_embed_w, out_embed_w):
    # center_embeds = in_embed(center_words).unsqueeze(2)  -> [B, D, 1]
    center_embeds = jnp.take(in_embed_w, center_words, axis=0)          # [B, D]
    # context_embeds = out_embed(context_words).unsqueeze(1) -> [B, 1, D]
    context_embeds = jnp.take(out_embed_w, context_words, axis=0)       # [B, D]
    # neg_embeds = out_embed(neg_samples) -> [B, K, D]
    neg_embeds = jnp.take(out_embed_w, neg_samples, axis=0)             # [B, K, D]
    # pos_scores = bmm([B,1,D],[B,D,1]).squeeze(2) -> [B, 1]
    pos_scores = jnp.sum(context_embeds * center_embeds, axis=1, keepdims=True)  # [B, 1]
    # neg_scores = bmm([B,K,D],[B,D,1]).squeeze(2) -> [B, K]
    neg_scores = jnp.einsum("bkd,bd->bk", neg_embeds, center_embeds)    # [B, K]
    return (pos_scores, neg_scores)

if __name__ == "__main__":
    import jax
    _d = setup_inputs()
    print(jax.jit(kernel)(*tuple(_d.values())))

</pallas_src>

<mosaic_0001>
#map = affine_map<(d0, d1) -> (0, 0)>
#map1 = affine_map<(d0, d1) -> (0)>
module attributes {stable_mosaic.version = 14 : i64} {
  func.func @sc_call(%arg0: i32, %arg1: i32, %arg2: memref<1000576x64xf32, #tpu.memory_space<hbm>>, %arg3: memref<1000000x64xf32, #tpu.memory_space<hbm>>, %arg4: memref<16384xi32, #tpu.memory_space<hbm>>, %arg5: memref<16384xi32, #tpu.memory_space<hbm>>, %arg6: memref<327680xi32, #tpu.memory_space<hbm>>, %arg7: memref<16384xf32, #tpu.memory_space<hbm>>, %arg8: memref<327680xf32, #tpu.memory_space<hbm>>, %arg9: memref<64xi32, #tpu.memory_space<vmem>>, %arg10: memref<64xi32, #tpu.memory_space<vmem>>, %arg11: memref<1280xi32, #tpu.memory_space<vmem>>, %arg12: memref<64x64xf32, #tpu.memory_space<vmem>>, %arg13: memref<64x64xf32, #tpu.memory_space<vmem>>, %arg14: memref<1280x64xf32, #tpu.memory_space<vmem>>, %arg15: memref<64xf32, #tpu.memory_space<vmem>>, %arg16: memref<1280xf32, #tpu.memory_space<vmem>>, %arg17: memref<!tpu.dma_semaphore, #tpu.memory_space<semaphore_mem>>) attributes {dimension_semantics = [#tpu.dimension_semantics<core_parallel>, #tpu.dimension_semantics<subcore_parallel>], iteration_bounds = array<i64: 2, 16>, scalar_prefetch = 0 : i64, scratch_operands = 9 : i64, tpu.core_type = #tpu.core_type<sc_vector_subcore>, window_params = [{transform_indices = #map}, {transform_indices = #map}, {transform_indices = #map1}, {transform_indices = #map1}, {transform_indices = #map1}, {transform_indices = #map1}, {transform_indices = #map1}]} {
    %mul3A = arith.constant 2 : i32
    %mul3A_0 = arith.muli %arg1, %mul3A : i32
    %add3A = arith.addi %mul3A_0, %arg0 : i32
    %iota3A = tpu.iota {dimensions = array<i32: 0>} : vector<16xi32>
    %xor3A = arith.constant 1 : i32
    %xor3A_1 = vector.broadcast %xor3A : i32 to vector<16xi32>
    %xor3A_2 = arith.xori %iota3A, %xor3A_1 : vector<16xi32>
    %broadcast_in_dim3A = vector.shape_cast %xor3A_2 : vector<16xi32> to vector<16x1xi32>
    %xor3A_3 = arith.constant 2 : i32
    %xor3A_4 = vector.broadcast %xor3A_3 : i32 to vector<16xi32>
    %xor3A_5 = arith.xori %iota3A, %xor3A_4 : vector<16xi32>
    %broadcast_in_dim3A_6 = vector.shape_cast %xor3A_5 : vector<16xi32> to vector<16x1xi32>
    %xor3A_7 = arith.constant 4 : i32
    %xor3A_8 = vector.broadcast %xor3A_7 : i32 to vector<16xi32>
    %xor3A_9 = arith.xori %iota3A, %xor3A_8 : vector<16xi32>
    %broadcast_in_dim3A_10 = vector.shape_cast %xor3A_9 : vector<16xi32> to vector<16x1xi32>
    %xor3A_11 = arith.constant 8 : i32
    %xor3A_12 = vector.broadcast %xor3A_11 : i32 to vector<16xi32>
    %xor3A_13 = arith.xori %iota3A, %xor3A_12 : vector<16xi32>
    %broadcast_in_dim3A_14 = vector.shape_cast %xor3A_13 : vector<16xi32> to vector<16x1xi32>
    %scan3A = arith.constant 0 : i32
    %scan3A_15 = arith.constant 0 : i32
    %scan3A_16 = arith.constant 8 : i32
    %scan3A_17 = arith.addi %scan3A_15, %scan3A_16 : i32
    %scan3A_18 = arith.constant 1 : i32
    scf.for %scan3A_20 = %scan3A_15 to %scan3A_17 step %scan3A_18  : i32 {
      %mul3A_21 = arith.constant 512 : i32
      %mul3A_22 = arith.muli %add3A, %mul3A_21 : i32
      %mul3A_23 = arith.constant 64 : i32
      %mul3A_24 = arith.muli %scan3A_20, %mul3A_23 : i32
      %add3A_25 = arith.addi %mul3A_22, %mul3A_24 : i32
      %mul3A_26 = arith.constant 20 : i32
      %mul3A_27 = arith.muli %add3A_25, %mul3A_26 : i32
      "tpu.region"() ({
        %run_scoped3A = tpu.sem_alloc : memref<!tpu.dma_semaphore, #tpu.memory_space<semaphore_mem>>
        %dma_start3A_204 = tpu.memref_slice %arg4[%add3A_25] : memref<16384xi32, #tpu.memory_space<hbm>> -> memref<64xi32, #tpu.memory_space<hbm>>
        %dma_start3A_205 = tpu.memref_slice %arg4[%add3A_25] : memref<16384xi32, #tpu.memory_space<hbm>> -> memref<64xi32, #tpu.memory_space<hbm>>
        tpu.enqueue_dma source(%dma_start3A_205 : memref<64xi32, #tpu.memory_space<hbm>>) target(%arg9 : memref<64xi32, #tpu.memory_space<vmem>>) target_semaphore(%run_scoped3A : memref<!tpu.dma_semaphore, #tpu.memory_space<semaphore_mem>>)
        %dma_wait3A_206 = tpu.memref_slice %arg4[%add3A_25] : memref<16384xi32, #tpu.memory_space<hbm>> -> memref<64xi32, #tpu.memory_space<hbm>>
        %dma_wait3A_207 = tpu.memref_slice %arg4[%add3A_25] : memref<16384xi32, #tpu.memory_space<hbm>> -> memref<64xi32, #tpu.memory_space<hbm>>
        tpu.wait_dma2 semaphore(%run_scoped3A : memref<!tpu.dma_semaphore, #tpu.memory_space<semaphore_mem>>) src(%dma_wait3A_207 : memref<64xi32, #tpu.memory_space<hbm>>) dst(%arg9 : memref<64xi32, #tpu.memory_space<vmem>>)
        tpu.yield
      }) : () -> ()
      "tpu.region"() ({
        %run_scoped3A = tpu.sem_alloc : memref<!tpu.dma_semaphore, #tpu.memory_space<semaphore_mem>>
        %dma_start3A_204 = tpu.memref_slice %arg5[%add3A_25] : memref<16384xi32, #tpu.memory_space<hbm>> -> memref<64xi32, #tpu.memory_space<hbm>>
        %dma_start3A_205 = tpu.memref_slice %arg5[%add3A_25] : memref<16384xi32, #tpu.memory_space<hbm>> -> memref<64xi32, #tpu.memory_space<hbm>>
        tpu.enqueue_dma source(%dma_start3A_205 : memref<64xi32, #tpu.memory_space<hbm>>) target(%arg10 : memref<64xi32, #tpu.memory_space<vmem>>) target_semaphore(%run_scoped3A : memref<!tpu.dma_semaphore, #tpu.memory_space<semaphore_mem>>)
        %dma_wait3A_206 = tpu.memref_slice %arg5[%add3A_25] : memref<16384xi32, #tpu.memory_space<hbm>> -> memref<64xi32, #tpu.memory_space<hbm>>
        %dma_wait3A_207 = tpu.memref_slice %arg5[%add3A_25] : memref<16384xi32, #tpu.memory_space<hbm>> -> memref<64xi32, #tpu.memory_space<hbm>>
        tpu.wait_dma2 semaphore(%run_scoped3A : memref<!tpu.dma_semaphore, #tpu.memory_space<semaphore_mem>>) src(%dma_wait3A_207 : memref<64xi32, #tpu.memory_space<hbm>>) dst(%arg10 : memref<64xi32, #tpu.memory_space<vmem>>)
        tpu.yield
      }) : () -> ()
      "tpu.region"() ({
        %run_scoped3A = tpu.sem_alloc : memref<!tpu.dma_semaphore, #tpu.memory_space<semaphore_mem>>
        %dma_start3A_204 = tpu.memref_slice %arg6[%mul3A_27] : memref<327680xi32, #tpu.memory_space<hbm>> -> memref<1280xi32, #tpu.memory_space<hbm>>
        %dma_start3A_205 = tpu.memref_slice %arg6[%mul3A_27] : memref<327680xi32, #tpu.memory_space<hbm>> -> memref<1280xi32, #tpu.memory_space<hbm>>
        tpu.enqueue_dma source(%dma_start3A_205 : memref<1280xi32, #tpu.memory_space<hbm>>) target(%arg11 : memref<1280xi32, #tpu.memory_space<vmem>>) target_semaphore(%run_scoped3A : memref<!tpu.dma_semaphore, #tpu.memory_space<semaphore_mem>>)
        %dma_wait3A_206 = tpu.memref_slice %arg6[%mul3A_27] : memref<327680xi32, #tpu.memory_space<hbm>> -> memref<1280xi32, #tpu.memory_space<hbm>>
        %dma_wait3A_207 = tpu.memref_slice %arg6[%mul3A_27] : memref<327680xi32, #tpu.memory_space<hbm>> -> memref<1280xi32, #tpu.memory_space<hbm>>
        tpu.wait_dma2 semaphore(%run_scoped3A : memref<!tpu.dma_semaphore, #tpu.memory_space<semaphore_mem>>) src(%dma_wait3A_207 : memref<1280xi32, #tpu.memory_space<hbm>>) dst(%arg11 : memref<1280xi32, #tpu.memory_space<vmem>>)
        tpu.yield
      }) : () -> ()
      %dma_start3A = arith.constant 0 : i32
      %dma_start3A_28 = arith.constant 0 : i32
      %dma_start3A_29 = tpu.memref_slice %arg2[%dma_start3A, %dma_start3A_28] : memref<1000576x64xf32, #tpu.memory_space<hbm>> -> memref<1000576x64xf32, #tpu.memory_space<hbm>>
      tpu.enqueue_indirect_dma source(%dma_start3A_29 : memref<1000576x64xf32, #tpu.memory_space<hbm>>) target(%arg12 : memref<64x64xf32, #tpu.memory_space<vmem>>) offsets(%arg9 : memref<64xi32, #tpu.memory_space<vmem>>) semaphore(%arg17 : memref<!tpu.dma_semaphore, #tpu.memory_space<semaphore_mem>>)
      %dma_start3A_30 = arith.constant 0 : i32
      %dma_start3A_31 = arith.constant 0 : i32
      %dma_start3A_32 = tpu.memref_slice %arg3[%dma_start3A_30, %dma_start3A_31] : memref<1000000x64xf32, #tpu.memory_space<hbm>> -> memref<1000000x64xf32, #tpu.memory_space<hbm>>
      tpu.enqueue_indirect_dma source(%dma_start3A_32 : memref<1000000x64xf32, #tpu.memory_space<hbm>>) target(%arg13 : memref<64x64xf32, #tpu.memory_space<vmem>>) offsets(%arg10 : memref<64xi32, #tpu.memory_space<vmem>>) semaphore(%arg17 : memref<!tpu.dma_semaphore, #tpu.memory_space<semaphore_mem>>)
      %dma_start3A_33 = arith.constant 0 : i32
      %dma_start3A_34 = arith.constant 0 : i32
      %dma_start3A_35 = tpu.memref_slice %arg14[%dma_start3A_33, %dma_start3A_34] : memref<1280x64xf32, #tpu.memory_space<vmem>> -> memref<128x64xf32, #tpu.memory_space<vmem>>
      %dma_start3A_36 = arith.constant 0 : i32
      %dma_start3A_37 = tpu.memref_slice %arg11[%dma_start3A_36] : memref<1280xi32, #tpu.memory_space<vmem>> -> memref<128xi32, #tpu.memory_space<vmem>>
      %dma_start3A_38 = arith.constant 0 : i32
      %dma_start3A_39 = arith.constant 0 : i32
      %dma_start3A_40 = tpu.memref_slice %arg3[%dma_start3A_38, %dma_start3A_39] : memref<1000000x64xf32, #tpu.memory_space<hbm>> -> memref<1000000x64xf32, #tpu.memory_space<hbm>>
      tpu.enqueue_indirect_dma source(%dma_start3A_40 : memref<1000000x64xf32, #tpu.memory_space<hbm>>) target(%dma_start3A_35 : memref<128x64xf32, #tpu.memory_space<vmem>>) offsets(%dma_start3A_37 : memref<128xi32, #tpu.memory_space<vmem>>) semaphore(%arg17 : memref<!tpu.dma_semaphore, #tpu.memory_space<semaphore_mem>>)
      %dma_start3A_41 = arith.constant 128 : i32
      %dma_start3A_42 = arith.constant 0 : i32
      %dma_start3A_43 = tpu.memref_slice %arg14[%dma_start3A_41, %dma_start3A_42] : memref<1280x64xf32, #tpu.memory_space<vmem>> -> memref<128x64xf32, #tpu.memory_space<vmem>>
      %dma_start3A_44 = arith.constant 128 : i32
      %dma_start3A_45 = tpu.memref_slice %arg11[%dma_start3A_44] : memref<1280xi32, #tpu.memory_space<vmem>> -> memref<128xi32, #tpu.memory_space<vmem>>
      %dma_start3A_46 = arith.constant 0 : i32
      %dma_start3A_47 = arith.constant 0 : i32
      %dma_start3A_48 = tpu.memref_slice %arg3[%dma_start3A_46, %dma_start3A_47] : memref<1000000x64xf32, #tpu.memory_space<hbm>> -> memref<1000000x64xf32, #tpu.memory_space<hbm>>
      tpu.enqueue_indirect_dma source(%dma_start3A_48 : memref<1000000x64xf32, #tpu.memory_space<hbm>>) target(%dma_start3A_43 : memref<128x64xf32, #tpu.memory_space<vmem>>) offsets(%dma_start3A_45 : memref<128xi32, #tpu.memory_space<vmem>>) semaphore(%arg17 : memref<!tpu.dma_semaphore, #tpu.memory_space<semaphore_mem>>)
      %dma_start3A_49 = arith.constant 256 : i32
      %dma_start3A_50 = arith.constant 0 : i32
      %dma_start3A_51 = tpu.memref_slice %arg14[%dma_start3A_49, %dma_start3A_50] : memref<1280x64xf32, #tpu.memory_space<vmem>> -> memref<128x64xf32, #tpu.memory_space<vmem>>
      %dma_start3A_52 = arith.constant 256 : i32
      %dma_start3A_53 = tpu.memref_slice %arg11[%dma_start3A_52] : memref<1280xi32, #tpu.memory_space<vmem>> -> memref<128xi32, #tpu.memory_space<vmem>>
      %dma_start3A_54 = arith.constant 0 : i32
      %dma_start3A_55 = arith.constant 0 : i32
      %dma_start3A_56 = tpu.memref_slice %arg3[%dma_start3A_54, %dma_start3A_55] : memref<1000000x64xf32, #tpu.memory_space<hbm>> -> memref<1000000x64xf32, #tpu.memory_space<hbm>>
      tpu.enqueue_indirect_dma source(%dma_start3A_56 : memref<1000000x64xf32, #tpu.memory_space<hbm>>) target(%dma_start3A_51 : memref<128x64xf32, #tpu.memory_space<vmem>>) offsets(%dma_start3A_53 : memref<128xi32, #tpu.memory_space<vmem>>) semaphore(%arg17 : memref<!tpu.dma_semaphore, #tpu.memory_space<semaphore_mem>>)
      %dma_start3A_57 = arith.constant 384 : i32
      %dma_start3A_58 = arith.constant 0 : i32
      %dma_start3A_59 = tpu.memref_slice %arg14[%dma_start3A_57, %dma_start3A_58] : memref<1280x64xf32, #tpu.memory_space<vmem>> -> memref<128x64xf32, #tpu.memory_space<vmem>>
      %dma_start3A_60 = arith.constant 384 : i32
      %dma_start3A_61 = tpu.memref_slice %arg11[%dma_start3A_60] : memref<1280xi32, #tpu.memory_space<vmem>> -> memref<128xi32, #tpu.memory_space<vmem>>
      %dma_start3A_62 = arith.constant 0 : i32
      %dma_start3A_63 = arith.constant 0 : i32
      %dma_start3A_64 = tpu.memref_slice %arg3[%dma_start3A_62, %dma_start3A_63] : memref<1000000x64xf32, #tpu.memory_space<hbm>> -> memref<1000000x64xf32, #tpu.memory_space<hbm>>
      tpu.enqueue_indirect_dma source(%dma_start3A_64 : memref<1000000x64xf32, #tpu.memory_space<hbm>>) target(%dma_start3A_59 : memref<128x64xf32, #tpu.memory_space<vmem>>) offsets(%dma_start3A_61 : memref<128xi32, #tpu.memory_space<vmem>>) semaphore(%arg17 : memref<!tpu.dma_semaphore, #tpu.memory_space<semaphore_mem>>)
      %dma_start3A_65 = arith.constant 512 : i32
      %dma_start3A_66 = arith.constant 0 : i32
      %dma_start3A_67 = tpu.memref_slice %arg14[%dma_start3A_65, %dma_start3A_66] : memref<1280x64xf32, #tpu.memory_space<vmem>> -> memref<128x64xf32, #tpu.memory_space<vmem>>
      %dma_start3A_68 = arith.constant 512 : i32
      %dma_start3A_69 = tpu.memref_slice %arg11[%dma_start3A_68] : memref<1280xi32, #tpu.memory_space<vmem>> -> memref<128xi32, #tpu.memory_space<vmem>>
      %dma_start3A_70 = arith.constant 0 : i32
      %dma_start3A_71 = arith.constant 0 : i32
      %dma_start3A_72 = tpu.memref_slice %arg3[%dma_start3A_70, %dma_start3A_71] : memref<1000000x64xf32, #tpu.memory_space<hbm>> -> memref<1000000x64xf32, #tpu.memory_space<hbm>>
      tpu.enqueue_indirect_dma source(%dma_start3A_72 : memref<1000000x64xf32, #tpu.memory_space<hbm>>) target(%dma_start3A_67 : memref<128x64xf32, #tpu.memory_space<vmem>>) offsets(%dma_start3A_69 : memref<128xi32, #tpu.memory_space<vmem>>) semaphore(%arg17 : memref<!tpu.dma_semaphore, #tpu.memory_space<semaphore_mem>>)
      %dma_start3A_73 = arith.constant 640 : i32
      %dma_start3A_74 = arith.constant 0 : i32
      %dma_start3A_75 = tpu.memref_slice %arg14[%dma_start3A_73, %dma_start3A_74] : memref<1280x64xf32, #tpu.memory_space<vmem>> -> memref<128x64xf32, #tpu.memory_space<vmem>>
      %dma_start3A_76 = arith.constant 640 : i32
      %dma_start3A_77 = tpu.memref_slice %arg11[%dma_start3A_76] : memref<1280xi32, #tpu.memory_space<vmem>> -> memref<128xi32, #tpu.memory_space<vmem>>
      %dma_start3A_78 = arith.constant 0 : i32
      %dma_start3A_79 = arith.constant 0 : i32
      %dma_start3A_80 = tpu.memref_slice %arg3[%dma_start3A_78, %dma_start3A_79] : memref<1000000x64xf32, #tpu.memory_space<hbm>> -> memref<1000000x64xf32, #tpu.memory_space<hbm>>
      tpu.enqueue_indirect_dma source(%dma_start3A_80 : memref<1000000x64xf32, #tpu.memory_space<hbm>>) target(%dma_start3A_75 : memref<128x64xf32, #tpu.memory_space<vmem>>) offsets(%dma_start3A_77 : memref<128xi32, #tpu.memory_space<vmem>>) semaphore(%arg17 : memref<!tpu.dma_semaphore, #tpu.memory_space<semaphore_mem>>)
      %dma_start3A_81 = arith.constant 768 : i32
      %dma_start3A_82 = arith.constant 0 : i32
      %dma_start3A_83 = tpu.memref_slice %arg14[%dma_start3A_81, %dma_start3A_82] : memref<1280x64xf32, #tpu.memory_space<vmem>> -> memref<128x64xf32, #tpu.memory_space<vmem>>
      %dma_start3A_84 = arith.constant 768 : i32
      %dma_start3A_85 = tpu.memref_slice %arg11[%dma_start3A_84] : memref<1280xi32, #tpu.memory_space<vmem>> -> memref<128xi32, #tpu.memory_space<vmem>>
      %dma_start3A_86 = arith.constant 0 : i32
      %dma_start3A_87 = arith.constant 0 : i32
      %dma_start3A_88 = tpu.memref_slice %arg3[%dma_start3A_86, %dma_start3A_87] : memref<1000000x64xf32, #tpu.memory_space<hbm>> -> memref<1000000x64xf32, #tpu.memory_space<hbm>>
      tpu.enqueue_indirect_dma source(%dma_start3A_88 : memref<1000000x64xf32, #tpu.memory_space<hbm>>) target(%dma_start3A_83 : memref<128x64xf32, #tpu.memory_space<vmem>>) offsets(%dma_start3A_85 : memref<128xi32, #tpu.memory_space<vmem>>) semaphore(%arg17 : memref<!tpu.dma_semaphore, #tpu.memory_space<semaphore_mem>>)
      %dma_start3A_89 = arith.constant 896 : i32
      %dma_start3A_90 = arith.constant 0 : i32
      %dma_start3A_91 = tpu.memref_slice %arg14[%dma_start3A_89, %dma_start3A_90] : memref<1280x64xf32, #tpu.memory_space<vmem>> -> memref<128x64xf32, #tpu.memory_space<vmem>>
      %dma_start3A_92 = arith.constant 896 : i32
      %dma_start3A_93 = tpu.memref_slice %arg11[%dma_start3A_92] : memref<1280xi32, #tpu.memory_space<vmem>> -> memref<128xi32, #tpu.memory_space<vmem>>
      %dma_start3A_94 = arith.constant 0 : i32
      %dma_start3A_95 = arith.constant 0 : i32
      %dma_start3A_96 = tpu.memref_slice %arg3[%dma_start3A_94, %dma_start3A_95] : memref<1000000x64xf32, #tpu.memory_space<hbm>> -> memref<1000000x64xf32, #tpu.memory_space<hbm>>
      tpu.enqueue_indirect_dma source(%dma_start3A_96 : memref<1000000x64xf32, #tpu.memory_space<hbm>>) target(%dma_start3A_91 : memref<128x64xf32, #tpu.memory_space<vmem>>) offsets(%dma_start3A_93 : memref<128xi32, #tpu.memory_space<vmem>>) semaphore(%arg17 : memref<!tpu.dma_semaphore, #tpu.memory_space<semaphore_mem>>)
      %dma_start3A_97 = arith.constant 1024 : i32
      %dma_start3A_98 = arith.constant 0 : i32
      %dma_start3A_99 = tpu.memref_slice %arg14[%dma_start3A_97, %dma_start3A_98] : memref<1280x64xf32, #tpu.memory_space<vmem>> -> memref<128x64xf32, #tpu.memory_space<vmem>>
      %dma_start3A_100 = arith.constant 1024 : i32
      %dma_start3A_101 = tpu.memref_slice %arg11[%dma_start3A_100] : memref<1280xi32, #tpu.memory_space<vmem>> -> memref<128xi32, #tpu.memory_space<vmem>>
      %dma_start3A_102 = arith.constant 0 : i32
      %dma_start3A_103 = arith.constant 0 : i32
      %dma_start3A_104 = tpu.memref_slice %arg3[%dma_start3A_102, %dma_start3A_103] : memref<1000000x64xf32, #tpu.memory_space<hbm>> -> memref<1000000x64xf32, #tpu.memory_space<hbm>>
      tpu.enqueue_indirect_dma source(%dma_start3A_104 : memref<1000000x64xf32, #tpu.memory_space<hbm>>) target(%dma_start3A_99 : memref<128x64xf32, #tpu.memory_space<vmem>>) offsets(%dma_start3A_101 : memref<128xi32, #tpu.memory_space<vmem>>) semaphore(%arg17 : memref<!tpu.dma_semaphore, #tpu.memory_space<semaphore_mem>>)
      %dma_start3A_105 = arith.constant 1152 : i32
      %dma_start3A_106 = arith.constant 0 : i32
      %dma_start3A_107 = tpu.memref_slice %arg14[%dma_start3A_105, %dma_start3A_106] : memref<1280x64xf32, #tpu.memory_space<vmem>> -> memref<128x64xf32, #tpu.memory_space<vmem>>
      %dma_start3A_108 = arith.constant 1152 : i32
      %dma_start3A_109 = tpu.memref_slice %arg11[%dma_start3A_108] : memref<1280xi32, #tpu.memory_space<vmem>> -> memref<128xi32, #tpu.memory_space<vmem>>
      %dma_start3A_110 = arith.constant 0 : i32
      %dma_start3A_111 = arith.constant 0 : i32
      %dma_start3A_112 = tpu.memref_slice %arg3[%dma_start3A_110, %dma_start3A_111] : memref<1000000x64xf32, #tpu.memory_space<hbm>> -> memref<1000000x64xf32, #tpu.memory_space<hbm>>
      tpu.enqueue_indirect_dma source(%dma_start3A_112 : memref<1000000x64xf32, #tpu.memory_space<hbm>>) target(%dma_start3A_107 : memref<128x64xf32, #tpu.memory_space<vmem>>) offsets(%dma_start3A_109 : memref<128xi32, #tpu.memory_space<vmem>>) semaphore(%arg17 : memref<!tpu.dma_semaphore, #tpu.memory_space<semaphore_mem>>)
      %dma_wait3A = arith.constant 0 : i32
      %dma_wait3A_113 = arith.constant 0 : i32
      %dma_wait3A_114 = tpu.memref_slice %arg2[%dma_wait3A, %dma_wait3A_113] : memref<1000576x64xf32, #tpu.memory_space<hbm>> -> memref<1000576x64xf32, #tpu.memory_space<hbm>>
      tpu.wait_indirect_dma semaphore(%arg17 : memref<!tpu.dma_semaphore, #tpu.memory_space<semaphore_mem>>) src(%dma_wait3A_114 : memref<1000576x64xf32, #tpu.memory_space<hbm>>) dst(%arg12 : memref<64x64xf32, #tpu.memory_space<vmem>>)
      %dma_wait3A_115 = arith.constant 0 : i32
      %dma_wait3A_116 = arith.constant 0 : i32
      %dma_wait3A_117 = tpu.memref_slice %arg3[%dma_wait3A_115, %dma_wait3A_116] : memref<1000000x64xf32, #tpu.memory_space<hbm>> -> memref<1000000x64xf32, #tpu.memory_space<hbm>>
      tpu.wait_indirect_dma semaphore(%arg17 : memref<!tpu.dma_semaphore, #tpu.memory_space<semaphore_mem>>) src(%dma_wait3A_117 : memref<1000000x64xf32, #tpu.memory_space<hbm>>) dst(%arg13 : memref<64x64xf32, #tpu.memory_space<vmem>>)
      %dma_wait3A_118 = arith.constant 0 : i32
      %dma_wait3A_119 = arith.constant 0 : i32
      %dma_wait3A_120 = tpu.memref_slice %arg14[%dma_wait3A_118, %dma_wait3A_119] : memref<1280x64xf32, #tpu.memory_space<vmem>> -> memref<128x64xf32, #tpu.memory_space<vmem>>
      %dma_wait3A_121 = arith.constant 0 : i32
      %dma_wait3A_122 = tpu.memref_slice %arg11[%dma_wait3A_121] : memref<1280xi32, #tpu.memory_space<vmem>> -> memref<128xi32, #tpu.memory_space<vmem>>
      %dma_wait3A_123 = arith.constant 0 : i32
      %dma_wait3A_124 = arith.constant 0 : i32
      %dma_wait3A_125 = tpu.memref_slice %arg3[%dma_wait3A_123, %dma_wait3A_124] : memref<1000000x64xf32, #tpu.memory_space<hbm>> -> memref<1000000x64xf32, #tpu.memory_space<hbm>>
      tpu.wait_indirect_dma semaphore(%arg17 : memref<!tpu.dma_semaphore, #tpu.memory_space<semaphore_mem>>) src(%dma_wait3A_125 : memref<1000000x64xf32, #tpu.memory_space<hbm>>) dst(%dma_wait3A_120 : memref<128x64xf32, #tpu.memory_space<vmem>>)
      %dma_wait3A_126 = arith.constant 128 : i32
      %dma_wait3A_127 = arith.constant 0 : i32
      %dma_wait3A_128 = tpu.memref_slice %arg14[%dma_wait3A_126, %dma_wait3A_127] : memref<1280x64xf32, #tpu.memory_space<vmem>> -> memref<128x64xf32, #tpu.memory_space<vmem>>
      %dma_wait3A_129 = arith.constant 128 : i32
      %dma_wait3A_130 = tpu.memref_slice %arg11[%dma_wait3A_129] : memref<1280xi32, #tpu.memory_space<vmem>> -> memref<128xi32, #tpu.memory_space<vmem>>
      %dma_wait3A_131 = arith.constant 0 : i32
      %dma_wait3A_132 = arith.constant 0 : i32
      %dma_wait3A_133 = tpu.memref_slice %arg3[%dma_wait3A_131, %dma_wait3A_132] : memref<1000000x64xf32, #tpu.memory_space<hbm>> -> memref<1000000x64xf32, #tpu.memory_space<hbm>>
      tpu.wait_indirect_dma semaphore(%arg17 : memref<!tpu.dma_semaphore, #tpu.memory_space<semaphore_mem>>) src(%dma_wait3A_133 : memref<1000000x64xf32, #tpu.memory_space<hbm>>) dst(%dma_wait3A_128 : memref<128x64xf32, #tpu.memory_space<vmem>>)
      %dma_wait3A_134 = arith.constant 256 : i32
      %dma_wait3A_135 = arith.constant 0 : i32
      %dma_wait3A_136 = tpu.memref_slice %arg14[%dma_wait3A_134, %dma_wait3A_135] : memref<1280x64xf32, #tpu.memory_space<vmem>> -> memref<128x64xf32, #tpu.memory_space<vmem>>
      %dma_wait3A_137 = arith.constant 256 : i32
      %dma_wait3A_138 = tpu.memref_slice %arg11[%dma_wait3A_137] : memref<1280xi32, #tpu.memory_space<vmem>> -> memref<128xi32, #tpu.memory_space<vmem>>
      %dma_wait3A_139 = arith.constant 0 : i32
      %dma_wait3A_140 = arith.constant 0 : i32
      %dma_wait3A_141 = tpu.memref_slice %arg3[%dma_wait3A_139, %dma_wait3A_140] : memref<1000000x64xf32, #tpu.memory_space<hbm>> -> memref<1000000x64xf32, #tpu.memory_space<hbm>>
      tpu.wait_indirect_dma semaphore(%arg17 : memref<!tpu.dma_semaphore, #tpu.memory_space<semaphore_mem>>) src(%dma_wait3A_141 : memref<1000000x64xf32, #tpu.memory_space<hbm>>) dst(%dma_wait3A_136 : memref<128x64xf32, #tpu.memory_space<vmem>>)
      %dma_wait3A_142 = arith.constant 384 : i32
      %dma_wait3A_143 = arith.constant 0 : i32
      %dma_wait3A_144 = tpu.memref_slice %arg14[%dma_wait3A_142, %dma_wait3A_143] : memref<1280x64xf32, #tpu.memory_space<vmem>> -> memref<128x64xf32, #tpu.memory_space<vmem>>
      %dma_wait3A_145 = arith.constant 384 : i32
      %dma_wait3A_146 = tpu.memref_slice %arg11[%dma_wait3A_145] : memref<1280xi32, #tpu.memory_space<vmem>> -> memref<128xi32, #tpu.memory_space<vmem>>
      %dma_wait3A_147 = arith.constant 0 : i32
      %dma_wait3A_148 = arith.constant 0 : i32
      %dma_wait3A_149 = tpu.memref_slice %arg3[%dma_wait3A_147, %dma_wait3A_148] : memref<1000000x64xf32, #tpu.memory_space<hbm>> -> memref<1000000x64xf32, #tpu.memory_space<hbm>>
      tpu.wait_indirect_dma semaphore(%arg17 : memref<!tpu.dma_semaphore, #tpu.memory_space<semaphore_mem>>) src(%dma_wait3A_149 : memref<1000000x64xf32, #tpu.memory_space<hbm>>) dst(%dma_wait3A_144 : memref<128x64xf32, #tpu.memory_space<vmem>>)
      %dma_wait3A_150 = arith.constant 512 : i32
      %dma_wait3A_151 = arith.constant 0 : i32
      %dma_wait3A_152 = tpu.memref_slice %arg14[%dma_wait3A_150, %dma_wait3A_151] : memref<1280x64xf32, #tpu.memory_space<vmem>> -> memref<128x64xf32, #tpu.memory_space<vmem>>
      %dma_wait3A_153 = arith.constant 512 : i32
      %dma_wait3A_154 = tpu.memref_slice %arg11[%dma_wait3A_153] : memref<1280xi32, #tpu.memory_space<vmem>> -> memref<128xi32, #tpu.memory_space<vmem>>
      %dma_wait3A_155 = arith.constant 0 : i32
      %dma_wait3A_156 = arith.constant 0 : i32
      %dma_wait3A_157 = tpu.memref_slice %arg3[%dma_wait3A_155, %dma_wait3A_156] : memref<1000000x64xf32, #tpu.memory_space<hbm>> -> memref<1000000x64xf32, #tpu.memory_space<hbm>>
      tpu.wait_indirect_dma semaphore(%arg17 : memref<!tpu.dma_semaphore, #tpu.memory_space<semaphore_mem>>) src(%dma_wait3A_157 : memref<1000000x64xf32, #tpu.memory_space<hbm>>) dst(%dma_wait3A_152 : memref<128x64xf32, #tpu.memory_space<vmem>>)
      %dma_wait3A_158 = arith.constant 640 : i32
      %dma_wait3A_159 = arith.constant 0 : i32
      %dma_wait3A_160 = tpu.memref_slice %arg14[%dma_wait3A_158, %dma_wait3A_159] : memref<1280x64xf32, #tpu.memory_space<vmem>> -> memref<128x64xf32, #tpu.memory_space<vmem>>
      %dma_wait3A_161 = arith.constant 640 : i32
      %dma_wait3A_162 = tpu.memref_slice %arg11[%dma_wait3A_161] : memref<1280xi32, #tpu.memory_space<vmem>> -> memref<128xi32, #tpu.memory_space<vmem>>
      %dma_wait3A_163 = arith.constant 0 : i32
      %dma_wait3A_164 = arith.constant 0 : i32
      %dma_wait3A_165 = tpu.memref_slice %arg3[%dma_wait3A_163, %dma_wait3A_164] : memref<1000000x64xf32, #tpu.memory_space<hbm>> -> memref<1000000x64xf32, #tpu.memory_space<hbm>>
      tpu.wait_indirect_dma semaphore(%arg17 : memref<!tpu.dma_semaphore, #tpu.memory_space<semaphore_mem>>) src(%dma_wait3A_165 : memref<1000000x64xf32, #tpu.memory_space<hbm>>) dst(%dma_wait3A_160 : memref<128x64xf32, #tpu.memory_space<vmem>>)
      %dma_wait3A_166 = arith.constant 768 : i32
      %dma_wait3A_167 = arith.constant 0 : i32
      %dma_wait3A_168 = tpu.memref_slice %arg14[%dma_wait3A_166, %dma_wait3A_167] : memref<1280x64xf32, #tpu.memory_space<vmem>> -> memref<128x64xf32, #tpu.memory_space<vmem>>
      %dma_wait3A_169 = arith.constant 768 : i32
      %dma_wait3A_170 = tpu.memref_slice %arg11[%dma_wait3A_169] : memref<1280xi32, #tpu.memory_space<vmem>> -> memref<128xi32, #tpu.memory_space<vmem>>
      %dma_wait3A_171 = arith.constant 0 : i32
      %dma_wait3A_172 = arith.constant 0 : i32
      %dma_wait3A_173 = tpu.memref_slice %arg3[%dma_wait3A_171, %dma_wait3A_172] : memref<1000000x64xf32, #tpu.memory_space<hbm>> -> memref<1000000x64xf32, #tpu.memory_space<hbm>>
      tpu.wait_indirect_dma semaphore(%arg17 : memref<!tpu.dma_semaphore, #tpu.memory_space<semaphore_mem>>) src(%dma_wait3A_173 : memref<1000000x64xf32, #tpu.memory_space<hbm>>) dst(%dma_wait3A_168 : memref<128x64xf32, #tpu.memory_space<vmem>>)
      %dma_wait3A_174 = arith.constant 896 : i32
      %dma_wait3A_175 = arith.constant 0 : i32
      %dma_wait3A_176 = tpu.memref_slice %arg14[%dma_wait3A_174, %dma_wait3A_175] : memref<1280x64xf32, #tpu.memory_space<vmem>> -> memref<128x64xf32, #tpu.memory_space<vmem>>
      %dma_wait3A_177 = arith.constant 896 : i32
      %dma_wait3A_178 = tpu.memref_slice %arg11[%dma_wait3A_177] : memref<1280xi32, #tpu.memory_space<vmem>> -> memref<128xi32, #tpu.memory_space<vmem>>
      %dma_wait3A_179 = arith.constant 0 : i32
      %dma_wait3A_180 = arith.constant 0 : i32
      %dma_wait3A_181 = tpu.memref_slice %arg3[%dma_wait3A_179, %dma_wait3A_180] : memref<1000000x64xf32, #tpu.memory_space<hbm>> -> memref<1000000x64xf32, #tpu.memory_space<hbm>>
      tpu.wait_indirect_dma semaphore(%arg17 : memref<!tpu.dma_semaphore, #tpu.memory_space<semaphore_mem>>) src(%dma_wait3A_181 : memref<1000000x64xf32, #tpu.memory_space<hbm>>) dst(%dma_wait3A_176 : memref<128x64xf32, #tpu.memory_space<vmem>>)
      %dma_wait3A_182 = arith.constant 1024 : i32
      %dma_wait3A_183 = arith.constant 0 : i32
      %dma_wait3A_184 = tpu.memref_slice %arg14[%dma_wait3A_182, %dma_wait3A_183] : memref<1280x64xf32, #tpu.memory_space<vmem>> -> memref<128x64xf32, #tpu.memory_space<vmem>>
      %dma_wait3A_185 = arith.constant 1024 : i32
      %dma_wait3A_186 = tpu.memref_slice %arg11[%dma_wait3A_185] : memref<1280xi32, #tpu.memory_space<vmem>> -> memref<128xi32, #tpu.memory_space<vmem>>
      %dma_wait3A_187 = arith.constant 0 : i32
      %dma_wait3A_188 = arith.constant 0 : i32
      %dma_wait3A_189 = tpu.memref_slice %arg3[%dma_wait3A_187, %dma_wait3A_188] : memref<1000000x64xf32, #tpu.memory_space<hbm>> -> memref<1000000x64xf32, #tpu.memory_space<hbm>>
      tpu.wait_indirect_dma semaphore(%arg17 : memref<!tpu.dma_semaphore, #tpu.memory_space<semaphore_mem>>) src(%dma_wait3A_189 : memref<1000000x64xf32, #tpu.memory_space<hbm>>) dst(%dma_wait3A_184 : memref<128x64xf32, #tpu.memory_space<vmem>>)
      %dma_wait3A_190 = arith.constant 1152 : i32
      %dma_wait3A_191 = arith.constant 0 : i32
      %dma_wait3A_192 = tpu.memref_slice %arg14[%dma_wait3A_190, %dma_wait3A_191] : memref<1280x64xf32, #tpu.memory_space<vmem>> -> memref<128x64xf32, #tpu.memory_space<vmem>>
      %dma_wait3A_193 = arith.constant 1152 : i32
      %dma_wait3A_194 = tpu.memref_slice %arg11[%dma_wait3A_193] : memref<1280xi32, #tpu.memory_space<vmem>> -> memref<128xi32, #tpu.memory_space<vmem>>
      %dma_wait3A_195 = arith.constant 0 : i32
      %dma_wait3A_196 = arith.constant 0 : i32
      %dma_wait3A_197 = tpu.memref_slice %arg3[%dma_wait3A_195, %dma_wait3A_196] : memref<1000000x64xf32, #tpu.memory_space<hbm>> -> memref<1000000x64xf32, #tpu.memory_space<hbm>>
      tpu.wait_indirect_dma semaphore(%arg17 : memref<!tpu.dma_semaphore, #tpu.memory_space<semaphore_mem>>) src(%dma_wait3A_197 : memref<1000000x64xf32, #tpu.memory_space<hbm>>) dst(%dma_wait3A_192 : memref<128x64xf32, #tpu.memory_space<vmem>>)
      %scan3A_198 = arith.constant 0 : i32
      %scan3A_199 = arith.constant 0 : i32
      %scan3A_200 = arith.constant 4 : i32
      %scan3A_201 = arith.addi %scan3A_199, %scan3A_200 : i32
      %scan3A_202 = arith.constant 1 : i32
      scf.for %scan3A_204 = %scan3A_199 to %scan3A_201 step %scan3A_202  : i32 {
        %broadcast_in_dim3A_205 = arith.constant 0.000000e+00 : f32
        %broadcast_in_dim3A_206 = vector.broadcast %broadcast_in_dim3A_205 : f32 to vector<16xf32>
        %scan3A_207 = arith.constant 0 : i32
        %scan3A_208 = arith.constant 16 : i32
        %scan3A_209 = arith.addi %scan3A_207, %scan3A_208 : i32
        %scan3A_210 = arith.constant 2 : i32
        %scan3A_211 = scf.for %scan3A_218 = %scan3A_207 to %scan3A_209 step %scan3A_210 iter_args(%scan3A_219 = %broadcast_in_dim3A_206) -> (vector<16xf32>)  : i32 {
          %mul3A_220 = arith.constant 16 : i32
          %mul3A_221 = arith.muli %scan3A_204, %mul3A_220 : i32
          %add3A_222 = arith.addi %mul3A_221, %scan3A_218 : i32
          %get3A = arith.index_cast %add3A_222 : i32 to index
          %get3A_223 = arith.constant 0 : index
          %get3A_224 = tpu.vector_load %arg12[%get3A, %get3A_223] {strides = array<i32>} : memref<64x64xf32, #tpu.memory_space<vmem>>, vector<1x16xf32>,
          %get3A_225 = vector.shape_cast %get3A_224 : vector<1x16xf32> to vector<16xf32>
          %get3A_226 = arith.index_cast %add3A_222 : i32 to index
          %get3A_227 = arith.constant 16 : index
          %get3A_228 = tpu.vector_load %arg12[%get3A_226, %get3A_227] {strides = array<i32>} : memref<64x64xf32, #tpu.memory_space<vmem>>, vector<1x16xf32>,
          %get3A_229 = vector.shape_cast %get3A_228 : vector<1x16xf32> to vector<16xf32>
          %get3A_230 = arith.index_cast %add3A_222 : i32 to index
          %get3A_231 = arith.constant 32 : index
          %get3A_232 = tpu.vector_load %arg12[%get3A_230, %get3A_231] {strides = array<i32>} : memref<64x64xf32, #tpu.memory_space<vmem>>, vector<1x16xf32>,
          %get3A_233 = vector.shape_cast %get3A_232 : vector<1x16xf32> to vector<16xf32>
          %get3A_234 = arith.index_cast %add3A_222 : i32 to index
          %get3A_235 = arith.constant 48 : index
          %get3A_236 = tpu.vector_load %arg12[%get3A_234, %get3A_235] {strides = array<i32>} : memref<64x64xf32, #tpu.memory_space<vmem>>, vector<1x16xf32>,
          %get3A_237 = vector.shape_cast %get3A_236 : vector<1x16xf32> to vector<16xf32>
          %get3A_238 = arith.index_cast %add3A_222 : i32 to index
          %get3A_239 = arith.constant 0 : index
          %get3A_240 = tpu.vector_load %arg13[%get3A_238, %get3A_239] {strides = array<i32>} : memref<64x64xf32, #tpu.memory_space<vmem>>, vector<1x16xf32>,
          %get3A_241 = vector.shape_cast %get3A_240 : vector<1x16xf32> to vector<16xf32>
          %mul3A_242 = arith.mulf %get3A_241, %get3A_225 : vector<16xf32>
          %get3A_243 = arith.index_cast %add3A_222 : i32 to index
          %get3A_244 = arith.constant 16 : index
          %get3A_245 = tpu.vector_load %arg13[%get3A_243, %get3A_244] {strides = array<i32>} : memref<64x64xf32, #tpu.memory_space<vmem>>, vector<1x16xf32>,
          %get3A_246 = vector.shape_cast %get3A_245 : vector<1x16xf32> to vector<16xf32>
          %mul3A_247 = arith.mulf %get3A_246, %get3A_229 : vector<16xf32>
          %add3A_248 = arith.addf %mul3A_242, %mul3A_247 : vector<16xf32>
          %get3A_249 = arith.index_cast %add3A_222 : i32 to index
          %get3A_250 = arith.constant 32 : index
          %get3A_251 = tpu.vector_load %arg13[%get3A_249, %get3A_250] {strides = array<i32>} : memref<64x64xf32, #tpu.memory_space<vmem>>, vector<1x16xf32>,
          %get3A_252 = vector.shape_cast %get3A_251 : vector<1x16xf32> to vector<16xf32>
          %mul3A_253 = arith.mulf %get3A_252, %get3A_233 : vector<16xf32>
          %add3A_254 = arith.addf %add3A_248, %mul3A_253 : vector<16xf32>
          %get3A_255 = arith.index_cast %add3A_222 : i32 to index
          %get3A_256 = arith.constant 48 : index
          %get3A_257 = tpu.vector_load %arg13[%get3A_255, %get3A_256] {strides = array<i32>} : memref<64x64xf32, #tpu.memory_space<vmem>>, vector<1x16xf32>,
          %get3A_258 = vector.shape_cast %get3A_257 : vector<1x16xf32> to vector<16xf32>
          %mul3A_259 = arith.mulf %get3A_258, %get3A_237 : vector<16xf32>
          %add3A_260 = arith.addf %add3A_254, %mul3A_259 : vector<16xf32>
          %gather3A = vector.shape_cast %broadcast_in_dim3A : vector<16x1xi32> to vector<16xi32>
          %gather3A_261 = tpu.dynamic_gather %add3A_260[%gather3A] in [0] : vector<16xf32>, vector<16xi32> -> vector<16xf32>
          %add3A_262 = arith.addf %add3A_260, %gather3A_261 : vector<16xf32>
          %gather3A_263 = vector.shape_cast %broadcast_in_dim3A_6 : vector<16x1xi32> to vector<16xi32>
          %gather3A_264 = tpu.dynamic_gather %add3A_262[%gather3A_263] in [0] : vector<16xf32>, vector<16xi32> -> vector<16xf32>
          %add3A_265 = arith.addf %add3A_262, %gather3A_264 : vector<16xf32>
          %gather3A_266 = vector.shape_cast %broadcast_in_dim3A_10 : vector<16x1xi32> to vector<16xi32>
          %gather3A_267 = tpu.dynamic_gather %add3A_265[%gather3A_266] in [0] : vector<16xf32>, vector<16xi32> -> vector<16xf32>
          %add3A_268 = arith.addf %add3A_265, %gather3A_267 : vector<16xf32>
          %gather3A_269 = vector.shape_cast %broadcast_in_dim3A_14 : vector<16x1xi32> to vector<16xi32>
          %gather3A_270 = tpu.dynamic_gather %add3A_268[%gather3A_269] in [0] : vector<16xf32>, vector<16xi32> -> vector<16xf32>
          %add3A_271 = arith.addf %add3A_268, %gather3A_270 : vector<16xf32>
          %eq3A = vector.broadcast %scan3A_218 : i32 to vector<16xi32>
          %eq3A_272 = arith.cmpi eq, %iota3A, %eq3A : vector<16xi32>
          %select_n3A = arith.select %eq3A_272, %add3A_271, %scan3A_219 : vector<16xi1>, vector<16xf32>
          %mul3A_273 = arith.constant 20 : i32
          %mul3A_274 = arith.muli %add3A_222, %mul3A_273 : i32
          %broadcast_in_dim3A_275 = arith.constant 0.000000e+00 : f32
          %broadcast_in_dim3A_276 = vector.broadcast %broadcast_in_dim3A_275 : f32 to vector<16xf32>
          %broadcast_in_dim3A_277 = arith.constant 0.000000e+00 : f32
          %broadcast_in_dim3A_278 = vector.broadcast %broadcast_in_dim3A_277 : f32 to vector<16xf32>
          %add3A_279 = arith.constant 0 : i32
          %add3A_280 = arith.addi %mul3A_274, %add3A_279 : i32
          %get3A_281 = arith.index_cast %add3A_280 : i32 to index
          %get3A_282 = arith.constant 0 : index
          %get3A_283 = tpu.vector_load %arg14[%get3A_281, %get3A_282] {strides = array<i32>} : memref<1280x64xf32, #tpu.memory_space<vmem>>, vector<1x16xf32>,
          %get3A_284 = vector.shape_cast %get3A_283 : vector<1x16xf32> to vector<16xf32>
          %mul3A_285 = arith.mulf %get3A_284, %get3A_225 : vector<16xf32>
          %get3A_286 = arith.index_cast %add3A_280 : i32 to index
          %get3A_287 = arith.constant 16 : index
          %get3A_288 = tpu.vector_load %arg14[%get3A_286, %get3A_287] {strides = array<i32>} : memref<1280x64xf32, #tpu.memory_space<vmem>>, vector<1x16xf32>,
          %get3A_289 = vector.shape_cast %get3A_288 : vector<1x16xf32> to vector<16xf32>
          %mul3A_290 = arith.mulf %get3A_289, %get3A_229 : vector<16xf32>
          %add3A_291 = arith.addf %mul3A_285, %mul3A_290 : vector<16xf32>
          %get3A_292 = arith.index_cast %add3A_280 : i32 to index
          %get3A_293 = arith.constant 32 : index
          %get3A_294 = tpu.vector_load %arg14[%get3A_292, %get3A_293] {strides = array<i32>} : memref<1280x64xf32, #tpu.memory_space<vmem>>, vector<1x16xf32>,
          %get3A_295 = vector.shape_cast %get3A_294 : vector<1x16xf32> to vector<16xf32>
          %mul3A_296 = arith.mulf %get3A_295, %get3A_233 : vector<16xf32>
          %add3A_297 = arith.addf %add3A_291, %mul3A_296 : vector<16xf32>
          %get3A_298 = arith.index_cast %add3A_280 : i32 to index
          %get3A_299 = arith.constant 48 : index
          %get3A_300 = tpu.vector_load %arg14[%get3A_298, %get3A_299] {strides = array<i32>} : memref<1280x64xf32, #tpu.memory_space<vmem>>, vector<1x16xf32>,
          %get3A_301 = vector.shape_cast %get3A_300 : vector<1x16xf32> to vector<16xf32>
          %mul3A_302 = arith.mulf %get3A_301, %get3A_237 : vector<16xf32>
          %add3A_303 = arith.addf %add3A_297, %mul3A_302 : vector<16xf32>
          %gather3A_304 = vector.shape_cast %broadcast_in_dim3A : vector<16x1xi32> to vector<16xi32>
          %gather3A_305 = tpu.dynamic_gather %add3A_303[%gather3A_304] in [0] : vector<16xf32>, vector<16xi32> -> vector<16xf32>
          %add3A_306 = arith.addf %add3A_303, %gather3A_305 : vector<16xf32>
          %gather3A_307 = vector.shape_cast %broadcast_in_dim3A_6 : vector<16x1xi32> to vector<16xi32>
          %gather3A_308 = tpu.dynamic_gather %add3A_306[%gather3A_307] in [0] : vector<16xf32>, vector<16xi32> -> vector<16xf32>
          %add3A_309 = arith.addf %add3A_306, %gather3A_308 : vector<16xf32>
          %gather3A_310 = vector.shape_cast %broadcast_in_dim3A_10 : vector<16x1xi32> to vector<16xi32>
          %gather3A_311 = tpu.dynamic_gather %add3A_309[%gather3A_310] in [0] : vector<16xf32>, vector<16xi32> -> vector<16xf32>
          %add3A_312 = arith.addf %add3A_309, %gather3A_311 : vector<16xf32>
          %gather3A_313 = vector.shape_cast %broadcast_in_dim3A_14 : vector<16x1xi32> to vector<16xi32>
          %gather3A_314 = tpu.dynamic_gather %add3A_312[%gather3A_313] in [0] : vector<16xf32>, vector<16xi32> -> vector<16xf32>
          %add3A_315 = arith.addf %add3A_312, %gather3A_314 : vector<16xf32>
          %eq3A_316 = arith.constant 0 : i32
          %eq3A_317 = vector.broadcast %eq3A_316 : i32 to vector<16xi32>
          %eq3A_318 = arith.cmpi eq, %iota3A, %eq3A_317 : vector<16xi32>
          %select_n3A_319 = arith.select %eq3A_318, %add3A_315, %broadcast_in_dim3A_276 : vector<16xi1>, vector<16xf32>
          %add3A_320 = arith.constant 1 : i32
          %add3A_321 = arith.addi %mul3A_274, %add3A_320 : i32
          %get3A_322 = arith.index_cast %add3A_321 : i32 to index
          %get3A_323 = arith.constant 0 : index
          %get3A_324 = tpu.vector_load %arg14[%get3A_322, %get3A_323] {strides = array<i32>} : memref<1280x64xf32, #tpu.memory_space<vmem>>, vector<1x16xf32>,
          %get3A_325 = vector.shape_cast %get3A_324 : vector<1x16xf32> to vector<16xf32>
          %mul3A_326 = arith.mulf %get3A_325, %get3A_225 : vector<16xf32>
          %get3A_327 = arith.index_cast %add3A_321 : i32 to index
          %get3A_328 = arith.constant 16 : index
          %get3A_329 = tpu.vector_load %arg14[%get3A_327, %get3A_328] {strides = array<i32>} : memref<1280x64xf32, #tpu.memory_space<vmem>>, vector<1x16xf32>,
          %get3A_330 = vector.shape_cast %get3A_329 : vector<1x16xf32> to vector<16xf32>
          %mul3A_331 = arith.mulf %get3A_330, %get3A_229 : vector<16xf32>
          %add3A_332 = arith.addf %mul3A_326, %mul3A_331 : vector<16xf32>
          %get3A_333 = arith.index_cast %add3A_321 : i32 to index
          %get3A_334 = arith.constant 32 : index
          %get3A_335 = tpu.vector_load %arg14[%get3A_333, %get3A_334] {strides = array<i32>} : memref<1280x64xf32, #tpu.memory_space<vmem>>, vector<1x16xf32>,
          %get3A_336 = vector.shape_cast %get3A_335 : vector<1x16xf32> to vector<16xf32>
          %mul3A_337 = arith.mulf %get3A_336, %get3A_233 : vector<16xf32>
          %add3A_338 = arith.addf %add3A_332, %mul3A_337 : vector<16xf32>
          %get3A_339 = arith.index_cast %add3A_321 : i32 to index
          %get3A_340 = arith.constant 48 : index
          %get3A_341 = tpu.vector_load %arg14[%get3A_339, %get3A_340] {strides = array<i32>} : memref<1280x64xf32, #tpu.memory_space<vmem>>, vector<1x16xf32>,
          %get3A_342 = vector.shape_cast %get3A_341 : vector<1x16xf32> to vector<16xf32>
          %mul3A_343 = arith.mulf %get3A_342, %get3A_237 : vector<16xf32>
          %add3A_344 = arith.addf %add3A_338, %mul3A_343 : vector<16xf32>
          %gather3A_345 = vector.shape_cast %broadcast_in_dim3A : vector<16x1xi32> to vector<16xi32>
          %gather3A_346 = tpu.dynamic_gather %add3A_344[%gather3A_345] in [0] : vector<16xf32>, vector<16xi32> -> vector<16xf32>
          %add3A_347 = arith.addf %add3A_344, %gather3A_346 : vector<16xf32>
          %gather3A_348 = vector.shape_cast %broadcast_in_dim3A_6 : vector<16x1xi32> to vector<16xi32>
          %gather3A_349 = tpu.dynamic_gather %add3A_347[%gather3A_348] in [0] : vector<16xf32>, vector<16xi32> -> vector<16xf32>
          %add3A_350 = arith.addf %add3A_347, %gather3A_349 : vector<16xf32>
          %gather3A_351 = vector.shape_cast %broadcast_in_dim3A_10 : vector<16x1xi32> to vector<16xi32>
          %gather3A_352 = tpu.dynamic_gather %add3A_350[%gather3A_351] in [0] : vector<16xf32>, vector<16xi32> -> vector<16xf32>
          %add3A_353 = arith.addf %add3A_350, %gather3A_352 : vector<16xf32>
          %gather3A_354 = vector.shape_cast %broadcast_in_dim3A_14 : vector<16x1xi32> to vector<16xi32>
          %gather3A_355 = tpu.dynamic_gather %add3A_353[%gather3A_354] in [0] : vector<16xf32>, vector<16xi32> -> vector<16xf32>
          %add3A_356 = arith.addf %add3A_353, %gather3A_355 : vector<16xf32>
          %eq3A_357 = arith.constant 1 : i32
          %eq3A_358 = vector.broadcast %eq3A_357 : i32 to vector<16xi32>
          %eq3A_359 = arith.cmpi eq, %iota3A, %eq3A_358 : vector<16xi32>
          %select_n3A_360 = arith.select %eq3A_359, %add3A_356, %select_n3A_319 : vector<16xi1>, vector<16xf32>
          %add3A_361 = arith.constant 2 : i32
          %add3A_362 = arith.addi %mul3A_274, %add3A_361 : i32
          %get3A_363 = arith.index_cast %add3A_362 : i32 to index
          %get3A_364 = arith.constant 0 : index
          %get3A_365 = tpu.vector_load %arg14[%get3A_363, %get3A_364] {strides = array<i32>} : memref<1280x64xf32, #tpu.memory_space<vmem>>, vector<1x16xf32>,
          %get3A_366 = vector.shape_cast %get3A_365 : vector<1x16xf32> to vector<16xf32>
          %mul3A_367 = arith.mulf %get3A_366, %get3A_225 : vector<16xf32>
          %get3A_368 = arith.index_cast %add3A_362 : i32 to index
          %get3A_369 = arith.constant 16 : index
          %get3A_370 = tpu.vector_load %arg14[%get3A_368, %get3A_369] {strides = array<i32>} : memref<1280x64xf32, #tpu.memory_space<vmem>>, vector<1x16xf32>,
          %get3A_371 = vector.shape_cast %get3A_370 : vector<1x16xf32> to vector<16xf32>
          %mul3A_372 = arith.mulf %get3A_371, %get3A_229 : vector<16xf32>
          %add3A_373 = arith.addf %mul3A_367, %mul3A_372 : vector<16xf32>
          %get3A_374 = arith.index_cast %add3A_362 : i32 to index
          %get3A_375 = arith.constant 32 : index
          %get3A_376 = tpu.vector_load %arg14[%get3A_374, %get3A_375] {strides = array<i32>} : memref<1280x64xf32, #tpu.memory_space<vmem>>, vector<1x16xf32>,
          %get3A_377 = vector.shape_cast %get3A_376 : vector<1x16xf32> to vector<16xf32>
          %mul3A_378 = arith.mulf %get3A_377, %get3A_233 : vector<16xf32>
          %add3A_379 = arith.addf %add3A_373, %mul3A_378 : vector<16xf32>
          %get3A_380 = arith.index_cast %add3A_362 : i32 to index
          %get3A_381 = arith.constant 48 : index
          %get3A_382 = tpu.vector_load %arg14[%get3A_380, %get3A_381] {strides = array<i32>} : memref<1280x64xf32, #tpu.memory_space<vmem>>, vector<1x16xf32>,
          %get3A_383 = vector.shape_cast %get3A_382 : vector<1x16xf32> to vector<16xf32>
          %mul3A_384 = arith.mulf %get3A_383, %get3A_237 : vector<16xf32>
          %add3A_385 = arith.addf %add3A_379, %mul3A_384 : vector<16xf32>
          %gather3A_386 = vector.shape_cast %broadcast_in_dim3A : vector<16x1xi32> to vector<16xi32>
          %gather3A_387 = tpu.dynamic_gather %add3A_385[%gather3A_386] in [0] : vector<16xf32>, vector<16xi32> -> vector<16xf32>
          %add3A_388 = arith.addf %add3A_385, %gather3A_387 : vector<16xf32>
          %gather3A_389 = vector.shape_cast %broadcast_in_dim3A_6 : vector<16x1xi32> to vector<16xi32>
          %gather3A_390 = tpu.dynamic_gather %add3A_388[%gather3A_389] in [0] : vector<16xf32>, vector<16xi32> -> vector<16xf32>
          %add3A_391 = arith.addf %add3A_388, %gather3A_390 : vector<16xf32>
          %gather3A_392 = vector.shape_cast %broadcast_in_dim3A_10 : vector<16x1xi32> to vector<16xi32>
          %gather3A_393 = tpu.dynamic_gather %add3A_391[%gather3A_392] in [0] : vector<16xf32>, vector<16xi32> -> vector<16xf32>
          %add3A_394 = arith.addf %add3A_391, %gather3A_393 : vector<16xf32>
          %gather3A_395 = vector.shape_cast %broadcast_in_dim3A_14 : vector<16x1xi32> to vector<16xi32>
          %gather3A_396 = tpu.dynamic_gather %add3A_394[%gather3A_395] in [0] : vector<16xf32>, vector<16xi32> -> vector<16xf32>
          %add3A_397 = arith.addf %add3A_394, %gather3A_396 : vector<16xf32>
          %eq3A_398 = arith.constant 2 : i32
          %eq3A_399 = vector.broadcast %eq3A_398 : i32 to vector<16xi32>
          %eq3A_400 = arith.cmpi eq, %iota3A, %eq3A_399 : vector<16xi32>
          %select_n3A_401 = arith.select %eq3A_400, %add3A_397, %select_n3A_360 : vector<16xi1>, vector<16xf32>
          %add3A_402 = arith.constant 3 : i32
          %add3A_403 = arith.addi %mul3A_274, %add3A_402 : i32
          %get3A_404 = arith.index_cast %add3A_403 : i32 to index
          %get3A_405 = arith.constant 0 : index
          %get3A_406 = tpu.vector_load %arg14[%get3A_404, %get3A_405] {strides = array<i32>} : memref<1280x64xf32, #tpu.memory_space<vmem>>, vector<1x16xf32>,
          %get3A_407 = vector.shape_cast %get3A_406 : vector<1x16xf32> to vector<16xf32>
          %mul3A_408 = arith.mulf %get3A_407, %get3A_225 : vector<16xf32>
          %get3A_409 = arith.index_cast %add3A_403 : i32 to index
          %get3A_410 = arith.constant 16 : index
          %get3A_411 = tpu.vector_load %arg14[%get3A_409, %get3A_410] {strides = array<i32>} : memref<1280x64xf32, #tpu.memory_space<vmem>>, vector<1x16xf32>,
          %get3A_412 = vector.shape_cast %get3A_411 : vector<1x16xf32> to vector<16xf32>
          %mul3A_413 = arith.mulf %get3A_412, %get3A_229 : vector<16xf32>
          %add3A_414 = arith.addf %mul3A_408, %mul3A_413 : vector<16xf32>
          %get3A_415 = arith.index_cast %add3A_403 : i32 to index
          %get3A_416 = arith.constant 32 : index
          %get3A_417 = tpu.vector_load %arg14[%get3A_415, %get3A_416] {strides = array<i32>} : memref<1280x64xf32, #tpu.memory_space<vmem>>, vector<1x16xf32>,
          %get3A_418 = vector.shape_cast %get3A_417 : vector<1x16xf32> to vector<16xf32>
          %mul3A_419 = arith.mulf %get3A_418, %get3A_233 : vector<16xf32>
          %add3A_420 = arith.addf %add3A_414, %mul3A_419 : vector<16xf32>
          %get3A_421 = arith.index_cast %add3A_403 : i32 to index
          %get3A_422 = arith.constant 48 : index
          %get3A_423 = tpu.vector_load %arg14[%get3A_421, %get3A_422] {strides = array<i32>} : memref<1280x64xf32, #tpu.memory_space<vmem>>, vector<1x16xf32>,
          %get3A_424 = vector.shape_cast %get3A_423 : vector<1x16xf32> to vector<16xf32>
          %mul3A_425 = arith.mulf %get3A_424, %get3A_237 : vector<16xf32>
          %add3A_426 = arith.addf %add3A_420, %mul3A_425 : vector<16xf32>
          %gather3A_427 = vector.shape_cast %broadcast_in_dim3A : vector<16x1xi32> to vector<16xi32>
          %gather3A_428 = tpu.dynamic_gather %add3A_426[%gather3A_427] in [0] : vector<16xf32>, vector<16xi32> -> vector<16xf32>
          %add3A_429 = arith.addf %add3A_426, %gather3A_428 : vector<16xf32>
          %gather3A_430 = vector.shape_cast %broadcast_in_dim3A_6 : vector<16x1xi32> to vector<16xi32>
          %gather3A_431 = tpu.dynamic_gather %add3A_429[%gather3A_430] in [0] : vector<16xf32>, vector<16xi32> -> vector<16xf32>
          %add3A_432 = arith.addf %add3A_429, %gather3A_431 : vector<16xf32>
          %gather3A_433 = vector.shape_cast %broadcast_in_dim3A_10 : vector<16x1xi32> to vector<16xi32>
          %gather3A_434 = tpu.dynamic_gather %add3A_432[%gather3A_433] in [0] : vector<16xf32>, vector<16xi32> -> vector<16xf32>
          %add3A_435 = arith.addf %add3A_432, %gather3A_434 : vector<16xf32>
          %gather3A_436 = vector.shape_cast %broadcast_in_dim3A_14 : vector<16x1xi32> to vector<16xi32>
          %gather3A_437 = tpu.dynamic_gather %add3A_435[%gather3A_436] in [0] : vector<16xf32>, vector<16xi32> -> vector<16xf32>
          %add3A_438 = arith.addf %add3A_435, %gather3A_437 : vector<16xf32>
          %eq3A_439 = arith.constant 3 : i32
          %eq3A_440 = vector.broadcast %eq3A_439 : i32 to vector<16xi32>
          %eq3A_441 = arith.cmpi eq, %iota3A, %eq3A_440 : vector<16xi32>
          %select_n3A_442 = arith.select %eq3A_441, %add3A_438, %select_n3A_401 : vector<16xi1>, vector<16xf32>
          %add3A_443 = arith.constant 4 : i32
          %add3A_444 = arith.addi %mul3A_274, %add3A_443 : i32
          %get3A_445 = arith.index_cast %add3A_444 : i32 to index
          %get3A_446 = arith.constant 0 : index
          %get3A_447 = tpu.vector_load %arg14[%get3A_445, %get3A_446] {strides = array<i32>} : memref<1280x64xf32, #tpu.memory_space<vmem>>, vector<1x16xf32>,
          %get3A_448 = vector.shape_cast %get3A_447 : vector<1x16xf32> to vector<16xf32>
          %mul3A_449 = arith.mulf %get3A_448, %get3A_225 : vector<16xf32>
          %get3A_450 = arith.index_cast %add3A_444 : i32 to index
          %get3A_451 = arith.constant 16 : index
          %get3A_452 = tpu.vector_load %arg14[%get3A_450, %get3A_451] {strides = array<i32>} : memref<1280x64xf32, #tpu.memory_space<vmem>>, vector<1x16xf32>,
          %get3A_453 = vector.shape_cast %get3A_452 : vector<1x16xf32> to vector<16xf32>
          %mul3A_454 = arith.mulf %get3A_453, %get3A_229 : vector<16xf32>
          %add3A_455 = arith.addf %mul3A_449, %mul3A_454 : vector<16xf32>
          %get3A_456 = arith.index_cast %add3A_444 : i32 to index
          %get3A_457 = arith.constant 32 : index
          %get3A_458 = tpu.vector_load %arg14[%get3A_456, %get3A_457] {strides = array<i32>} : memref<1280x64xf32, #tpu.memory_space<vmem>>, vector<1x16xf32>,
          %get3A_459 = vector.shape_cast %get3A_458 : vector<1x16xf32> to vector<16xf32>
          %mul3A_460 = arith.mulf %get3A_459, %get3A_233 : vector<16xf32>
          %add3A_461 = arith.addf %add3A_455, %mul3A_460 : vector<16xf32>
          %get3A_462 = arith.index_cast %add3A_444 : i32 to index
          %get3A_463 = arith.constant 48 : index
          %get3A_464 = tpu.vector_load %arg14[%get3A_462, %get3A_463] {strides = array<i32>} : memref<1280x64xf32, #tpu.memory_space<vmem>>, vector<1x16xf32>,
          %get3A_465 = vector.shape_cast %get3A_464 : vector<1x16xf32> to vector<16xf32>
          %mul3A_466 = arith.mulf %get3A_465, %get3A_237 : vector<16xf32>
          %add3A_467 = arith.addf %add3A_461, %mul3A_466 : vector<16xf32>
          %gather3A_468 = vector.shape_cast %broadcast_in_dim3A : vector<16x1xi32> to vector<16xi32>
          %gather3A_469 = tpu.dynamic_gather %add3A_467[%gather3A_468] in [0] : vector<16xf32>, vector<16xi32> -> vector<16xf32>
          %add3A_470 = arith.addf %add3A_467, %gather3A_469 : vector<16xf32>
          %gather3A_471 = vector.shape_cast %broadcast_in_dim3A_6 : vector<16x1xi32> to vector<16xi32>
          %gather3A_472 = tpu.dynamic_gather %add3A_470[%gather3A_471] in [0] : vector<16xf32>, vector<16xi32> -> vector<16xf32>
          %add3A_473 = arith.addf %add3A_470, %gather3A_472 : vector<16xf32>
          %gather3A_474 = vector.shape_cast %broadcast_in_dim3A_10 : vector<16x1xi32> to vector<16xi32>
          %gather3A_475 = tpu.dynamic_gather %add3A_473[%gather3A_474] in [0] : vector<16xf32>, vector<16xi32> -> vector<16xf32>
          %add3A_476 = arith.addf %add3A_473, %gather3A_475 : vector<16xf32>
          %gather3A_477 = vector.shape_cast %broadcast_in_dim3A_14 : vector<16x1xi32> to vector<16xi32>
          %gather3A_478 = tpu.dynamic_gather %add3A_476[%gather3A_477] in [0] : vector<16xf32>, vector<16xi32> -> vector<16xf32>
          %add3A_479 = arith.addf %add3A_476, %gather3A_478 : vector<16xf32>
          %eq3A_480 = arith.constant 4 : i32
          %eq3A_481 = vector.broadcast %eq3A_480 : i32 to vector<16xi32>
          %eq3A_482 = arith.cmpi eq, %iota3A, %eq3A_481 : vector<16xi32>
          %select_n3A_483 = arith.select %eq3A_482, %add3A_479, %select_n3A_442 : vector<16xi1>, vector<16xf32>
          %eq3A_484 = arith.constant 0 : i32
          %eq3A_485 = vector.broadcast %eq3A_484 : i32 to vector<16xi32>
          %eq3A_486 = arith.cmpi eq, %iota3A, %eq3A_485 : vector<16xi32>
          %select_n3A_487 = arith.select %eq3A_486, %add3A_479, %broadcast_in_dim3A_278 : vector<16xi1>, vector<16xf32>
          %add3A_488 = arith.constant 5 : i32
          %add3A_489 = arith.addi %mul3A_274, %add3A_488 : i32
          %get3A_490 = arith.index_cast %add3A_489 : i32 to index
          %get3A_491 = arith.constant 0 : index
          %get3A_492 = tpu.vector_load %arg14[%get3A_490, %get3A_491] {strides = array<i32>} : memref<1280x64xf32, #tpu.memory_space<vmem>>, vector<1x16xf32>,
          %get3A_493 = vector.shape_cast %get3A_492 : vector<1x16xf32> to vector<16xf32>
          %mul3A_494 = arith.mulf %get3A_493, %get3A_225 : vector<16xf32>
          %get3A_495 = arith.index_cast %add3A_489 : i32 to index
          %get3A_496 = arith.constant 16 : index
          %get3A_497 = tpu.vector_load %arg14[%get3A_495, %get3A_496] {strides = array<i32>} : memref<1280x64xf32, #tpu.memory_space<vmem>>, vector<1x16xf32>,
          %get3A_498 = vector.shape_cast %get3A_497 : vector<1x16xf32> to vector<16xf32>
          %mul3A_499 = arith.mulf %get3A_498, %get3A_229 : vector<16xf32>
          %add3A_500 = arith.addf %mul3A_494, %mul3A_499 : vector<16xf32>
          %get3A_501 = arith.index_cast %add3A_489 : i32 to index
          %get3A_502 = arith.constant 32 : index
          %get3A_503 = tpu.vector_load %arg14[%get3A_501, %get3A_502] {strides = array<i32>} : memref<1280x64xf32, #tpu.memory_space<vmem>>, vector<1x16xf32>,
          %get3A_504 = vector.shape_cast %get3A_503 : vector<1x16xf32> to vector<16xf32>
          %mul3A_505 = arith.mulf %get3A_504, %get3A_233 : vector<16xf32>
          %add3A_506 = arith.addf %add3A_500, %mul3A_505 : vector<16xf32>
          %get3A_507 = arith.index_cast %add3A_489 : i32 to index
          %get3A_508 = arith.constant 48 : index
          %get3A_509 = tpu.vector_load %arg14[%get3A_507, %get3A_508] {strides = array<i32>} : memref<1280x64xf32, #tpu.memory_space<vmem>>, vector<1x16xf32>,
          %get3A_510 = vector.shape_cast %get3A_509 : vector<1x16xf32> to vector<16xf32>
          %mul3A_511 = arith.mulf %get3A_510, %get3A_237 : vector<16xf32>
          %add3A_512 = arith.addf %add3A_506, %mul3A_511 : vector<16xf32>
          %gather3A_513 = vector.shape_cast %broadcast_in_dim3A : vector<16x1xi32> to vector<16xi32>
          %gather3A_514 = tpu.dynamic_gather %add3A_512[%gather3A_513] in [0] : vector<16xf32>, vector<16xi32> -> vector<16xf32>
          %add3A_515 = arith.addf %add3A_512, %gather3A_514 : vector<16xf32>
          %gather3A_516 = vector.shape_cast %broadcast_in_dim3A_6 : vector<16x1xi32> to vector<16xi32>
          %gather3A_517 = tpu.dynamic_gather %add3A_515[%gather3A_516] in [0] : vector<16xf32>, vector<16xi32> -> vector<16xf32>
          %add3A_518 = arith.addf %add3A_515, %gather3A_517 : vector<16xf32>
          %gather3A_519 = vector.shape_cast %broadcast_in_dim3A_10 : vector<16x1xi32> to vector<16xi32>
          %gather3A_520 = tpu.dynamic_gather %add3A_518[%gather3A_519] in [0] : vector<16xf32>, vector<16xi32> -> vector<16xf32>
          %add3A_521 = arith.addf %add3A_518, %gather3A_520 : vector<16xf32>
          %gather3A_522 = vector.shape_cast %broadcast_in_dim3A_14 : vector<16x1xi32> to vector<16xi32>
          %gather3A_523 = tpu.dynamic_gather %add3A_521[%gather3A_522] in [0] : vector<16xf32>, vector<16xi32> -> vector<16xf32>
          %add3A_524 = arith.addf %add3A_521, %gather3A_523 : vector<16xf32>
          %eq3A_525 = arith.constant 5 : i32
          %eq3A_526 = vector.broadcast %eq3A_525 : i32 to vector<16xi32>
          %eq3A_527 = arith.cmpi eq, %iota3A, %eq3A_526 : vector<16xi32>
          %select_n3A_528 = arith.select %eq3A_527, %add3A_524, %select_n3A_483 : vector<16xi1>, vector<16xf32>
          %eq3A_529 = arith.constant 1 : i32
          %eq3A_530 = vector.broadcast %eq3A_529 : i32 to vector<16xi32>
          %eq3A_531 = arith.cmpi eq, %iota3A, %eq3A_530 : vector<16xi32>
          %select_n3A_532 = arith.select %eq3A_531, %add3A_524, %select_n3A_487 : vector<16xi1>, vector<16xf32>
          %add3A_533 = arith.constant 6 : i32
          %add3A_534 = arith.addi %mul3A_274, %add3A_533 : i32
          %get3A_535 = arith.index_cast %add3A_534 : i32 to index
          %get3A_536 = arith.constant 0 : index
          %get3A_537 = tpu.vector_load %arg14[%get3A_535, %get3A_536] {strides = array<i32>} : memref<1280x64xf32, #tpu.memory_space<vmem>>, vector<1x16xf32>,
          %get3A_538 = vector.shape_cast %get3A_537 : vector<1x16xf32> to vector<16xf32>
          %mul3A_539 = arith.mulf %get3A_538, %get3A_225 : vector<16xf32>
          %get3A_540 = arith.index_cast %add3A_534 : i32 to index
          %get3A_541 = arith.constant 16 : index
          %get3A_542 = tpu.vector_load %arg14[%get3A_540, %get3A_541] {strides = array<i32>} : memref<1280x64xf32, #tpu.memory_space<vmem>>, vector<1x16xf32>,
          %get3A_543 = vector.shape_cast %get3A_542 : vector<1x16xf32> to vector<16xf32>
          %mul3A_544 = arith.mulf %get3A_543, %get3A_229 : vector<16xf32>
          %add3A_545 = arith.addf %mul3A_539, %mul3A_544 : vector<16xf32>
          %get3A_546 = arith.index_cast %add3A_534 : i32 to index
          %get3A_547 = arith.constant 32 : index
          %get3A_548 = tpu.vector_load %arg14[%get3A_546, %get3A_547] {strides = array<i32>} : memref<1280x64xf32, #tpu.memory_space<vmem>>, vector<1x16xf32>,
          %get3A_549 = vector.shape_cast %get3A_548 : vector<1x16xf32> to vector<16xf32>
          %mul3A_550 = arith.mulf %get3A_549, %get3A_233 : vector<16xf32>
          %add3A_551 = arith.addf %add3A_545, %mul3A_550 : vector<16xf32>
          %get3A_552 = arith.index_cast %add3A_534 : i32 to index
          %get3A_553 = arith.constant 48 : index
          %get3A_554 = tpu.vector_load %arg14[%get3A_552, %get3A_553] {strides = array<i32>} : memref<1280x64xf32, #tpu.memory_space<vmem>>, vector<1x16xf32>,
          %get3A_555 = vector.shape_cast %get3A_554 : vector<1x16xf32> to vector<16xf32>
          %mul3A_556 = arith.mulf %get3A_555, %get3A_237 : vector<16xf32>
          %add3A_557 = arith.addf %add3A_551, %mul3A_556 : vector<16xf32>
          %gather3A_558 = vector.shape_cast %broadcast_in_dim3A : vector<16x1xi32> to vector<16xi32>
          %gather3A_559 = tpu.dynamic_gather %add3A_557[%gather3A_558] in [0] : vector<16xf32>, vector<16xi32> -> vector<16xf32>
          %add3A_560 = arith.addf %add3A_557, %gather3A_559 : vector<16xf32>
          %gather3A_561 = vector.shape_cast %broadcast_in_dim3A_6 : vector<16x1xi32> to vector<16xi32>
          %gather3A_562 = tpu.dynamic_gather %add3A_560[%gather3A_561] in [0] : vector<16xf32>, vector<16xi32> -> vector<16xf32>
          %add3A_563 = arith.addf %add3A_560, %gather3A_562 : vector<16xf32>
          %gather3A_564 = vector.shape_cast %broadcast_in_dim3A_10 : vector<16x1xi32> to vector<16xi32>
          %gather3A_565 = tpu.dynamic_gather %add3A_563[%gather3A_564] in [0] : vector<16xf32>, vector<16xi32> -> vector<16xf32>
          %add3A_566 = arith.addf %add3A_563, %gather3A_565 : vector<16xf32>
          %gather3A_567 = vector.shape_cast %broadcast_in_dim3A_14 : vector<16x1xi32> to vector<16xi32>
          %gather3A_568 = tpu.dynamic_gather %add3A_566[%gather3A_567] in [0] : vector<16xf32>, vector<16xi32> -> vector<16xf32>
          %add3A_569 = arith.addf %add3A_566, %gather3A_568 : vector<16xf32>
          %eq3A_570 = arith.constant 6 : i32
          %eq3A_571 = vector.broadcast %eq3A_570 : i32 to vector<16xi32>
          %eq3A_572 = arith.cmpi eq, %iota3A, %eq3A_571 : vector<16xi32>
          %select_n3A_573 = arith.select %eq3A_572, %add3A_569, %select_n3A_528 : vector<16xi1>, vector<16xf32>
          %eq3A_574 = arith.constant 2 : i32
          %eq3A_575 = vector.broadcast %eq3A_574 : i32 to vector<16xi32>
          %eq3A_576 = arith.cmpi eq, %iota3A, %eq3A_575 : vector<16xi32>
          %select_n3A_577 = arith.select %eq3A_576, %add3A_569, %select_n3A_532 : vector<16xi1>, vector<16xf32>
          %add3A_578 = arith.constant 7 : i32
          %add3A_579 = arith.addi %mul3A_274, %add3A_578 : i32
          %get3A_580 = arith.index_cast %add3A_579 : i32 to index
          %get3A_581 = arith.constant 0 : index
          %get3A_582 = tpu.vector_load %arg14[%get3A_580, %get3A_581] {strides = array<i32>} : memref<1280x64xf32, #tpu.memory_space<vmem>>, vector<1x16xf32>,
          %get3A_583 = vector.shape_cast %get3A_582 : vector<1x16xf32> to vector<16xf32>
          %mul3A_584 = arith.mulf %get3A_583, %get3A_225 : vector<16xf32>
          %get3A_585 = arith.index_cast %add3A_579 : i32 to index
          %get3A_586 = arith.constant 16 : index
          %get3A_587 = tpu.vector_load %arg14[%get3A_585, %get3A_586] {strides = array<i32>} : memref<1280x64xf32, #tpu.memory_space<vmem>>, vector<1x16xf32>,
          %get3A_588 = vector.shape_cast %get3A_587 : vector<1x16xf32> to vector<16xf32>
          %mul3A_589 = arith.mulf %get3A_588, %get3A_229 : vector<16xf32>
          %add3A_590 = arith.addf %mul3A_584, %mul3A_589 : vector<16xf32>
          %get3A_591 = arith.index_cast %add3A_579 : i32 to index
          %get3A_592 = arith.constant 32 : index
          %get3A_593 = tpu.vector_load %arg14[%get3A_591, %get3A_592] {strides = array<i32>} : memref<1280x64xf32, #tpu.memory_space<vmem>>, vector<1x16xf32>,
          %get3A_594 = vector.shape_cast %get3A_593 : vector<1x16xf32> to vector<16xf32>
          %mul3A_595 = arith.mulf %get3A_594, %get3A_233 : vector<16xf32>
          %add3A_596 = arith.addf %add3A_590, %mul3A_595 : vector<16xf32>
          %get3A_597 = arith.index_cast %add3A_579 : i32 to index
          %get3A_598 = arith.constant 48 : index
          %get3A_599 = tpu.vector_load %arg14[%get3A_597, %get3A_598] {strides = array<i32>} : memref<1280x64xf32, #tpu.memory_space<vmem>>, vector<1x16xf32>,
          %get3A_600 = vector.shape_cast %get3A_599 : vector<1x16xf32> to vector<16xf32>
          %mul3A_601 = arith.mulf %get3A_600, %get3A_237 : vector<16xf32>
          %add3A_602 = arith.addf %add3A_596, %mul3A_601 : vector<16xf32>
          %gather3A_603 = vector.shape_cast %broadcast_in_dim3A : vector<16x1xi32> to vector<16xi32>
          %gather3A_604 = tpu.dynamic_gather %add3A_602[%gather3A_603] in [0] : vector<16xf32>, vector<16xi32> -> vector<16xf32>
          %add3A_605 = arith.addf %add3A_602, %gather3A_604 : vector<16xf32>
          %gather3A_606 = vector.shape_cast %broadcast_in_dim3A_6 : vector<16x1xi32> to vector<16xi32>
          %gather3A_607 = tpu.dynamic_gather %add3A_605[%gather3A_606] in [0] : vector<16xf32>, vector<16xi32> -> vector<16xf32>
          %add3A_608 = arith.addf %add3A_605, %gather3A_607 : vector<16xf32>
          %gather3A_609 = vector.shape_cast %broadcast_in_dim3A_10 : vector<16x1xi32> to vector<16xi32>
          %gather3A_610 = tpu.dynamic_gather %add3A_608[%gather3A_609] in [0] : vector<16xf32>, vector<16xi32> -> vector<16xf32>
          %add3A_611 = arith.addf %add3A_608, %gather3A_610 : vector<16xf32>
          %gather3A_612 = vector.shape_cast %broadcast_in_dim3A_14 : vector<16x1xi32> to vector<16xi32>
          %gather3A_613 = tpu.dynamic_gather %add3A_611[%gather3A_612] in [0] : vector<16xf32>, vector<16xi32> -> vector<16xf32>
          %add3A_614 = arith.addf %add3A_611, %gather3A_613 : vector<16xf32>
          %eq3A_615 = arith.constant 7 : i32
          %eq3A_616 = vector.broadcast %eq3A_615 : i32 to vector<16xi32>
          %eq3A_617 = arith.cmpi eq, %iota3A, %eq3A_616 : vector<16xi32>
          %select_n3A_618 = arith.select %eq3A_617, %add3A_614, %select_n3A_573 : vector<16xi1>, vector<16xf32>
          %eq3A_619 = arith.constant 3 : i32
          %eq3A_620 = vector.broadcast %eq3A_619 : i32 to vector<16xi32>
          %eq3A_621 = arith.cmpi eq, %iota3A, %eq3A_620 : vector<16xi32>
          %select_n3A_622 = arith.select %eq3A_621, %add3A_614, %select_n3A_577 : vector<16xi1>, vector<16xf32>
          %add3A_623 = arith.constant 8 : i32
          %add3A_624 = arith.addi %mul3A_274, %add3A_623 : i32
          %get3A_625 = arith.index_cast %add3A_624 : i32 to index
          %get3A_626 = arith.constant 0 : index
          %get3A_627 = tpu.vector_load %arg14[%get3A_625, %get3A_626] {strides = array<i32>} : memref<1280x64xf32, #tpu.memory_space<vmem>>, vector<1x16xf32>,
          %get3A_628 = vector.shape_cast %get3A_627 : vector<1x16xf32> to vector<16xf32>
          %mul3A_629 = arith.mulf %get3A_628, %get3A_225 : vector<16xf32>
          %get3A_630 = arith.index_cast %add3A_624 : i32 to index
          %get3A_631 = arith.constant 16 : index
          %get3A_632 = tpu.vector_load %arg14[%get3A_630, %get3A_631] {strides = array<i32>} : memref<1280x64xf32, #tpu.memory_space<vmem>>, vector<1x16xf32>,
          %get3A_633 = vector.shape_cast %get3A_632 : vector<1x16xf32> to vector<16xf32>
          %mul3A_634 = arith.mulf %get3A_633, %get3A_229 : vector<16xf32>
          %add3A_635 = arith.addf %mul3A_629, %mul3A_634 : vector<16xf32>
          %get3A_636 = arith.index_cast %add3A_624 : i32 to index
          %get3A_637 = arith.constant 32 : index
          %get3A_638 = tpu.vector_load %arg14[%get3A_636, %get3A_637] {strides = array<i32>} : memref<1280x64xf32, #tpu.memory_space<vmem>>, vector<1x16xf32>,
          %get3A_639 = vector.shape_cast %get3A_638 : vector<1x16xf32> to vector<16xf32>
          %mul3A_640 = arith.mulf %get3A_639, %get3A_233 : vector<16xf32>
          %add3A_641 = arith.addf %add3A_635, %mul3A_640 : vector<16xf32>
          %get3A_642 = arith.index_cast %add3A_624 : i32 to index
          %get3A_643 = arith.constant 48 : index
          %get3A_644 = tpu.vector_load %arg14[%get3A_642, %get3A_643] {strides = array<i32>} : memref<1280x64xf32, #tpu.memory_space<vmem>>, vector<1x16xf32>,
          %get3A_645 = vector.shape_cast %get3A_644 : vector<1x16xf32> to vector<16xf32>
          %mul3A_646 = arith.mulf %get3A_645, %get3A_237 : vector<16xf32>
          %add3A_647 = arith.addf %add3A_641, %mul3A_646 : vector<16xf32>
          %gather3A_648 = vector.shape_cast %broadcast_in_dim3A : vector<16x1xi32> to vector<16xi32>
          %gather3A_649 = tpu.dynamic_gather %add3A_647[%gather3A_648] in [0] : vector<16xf32>, vector<16xi32> -> vector<16xf32>
          %add3A_650 = arith.addf %add3A_647, %gather3A_649 : vector<16xf32>
          %gather3A_651 = vector.shape_cast %broadcast_in_dim3A_6 : vector<16x1xi32> to vector<16xi32>
          %gather3A_652 = tpu.dynamic_gather %add3A_650[%gather3A_651] in [0] : vector<16xf32>, vector<16xi32> -> vector<16xf32>
          %add3A_653 = arith.addf %add3A_650, %gather3A_652 : vector<16xf32>
          %gather3A_654 = vector.shape_cast %broadcast_in_dim3A_10 : vector<16x1xi32> to vector<16xi32>
          %gather3A_655 = tpu.dynamic_gather %add3A_653[%gather3A_654] in [0] : vector<16xf32>, vector<16xi32> -> vector<16xf32>
          %add3A_656 = arith.addf %add3A_653, %gather3A_655 : vector<16xf32>
          %gather3A_657 = vector.shape_cast %broadcast_in_dim3A_14 : vector<16x1xi32> to vector<16xi32>
          %gather3A_658 = tpu.dynamic_gather %add3A_656[%gather3A_657] in [0] : vector<16xf32>, vector<16xi32> -> vector<16xf32>
          %add3A_659 = arith.addf %add3A_656, %gather3A_658 : vector<16xf32>
          %eq3A_660 = arith.constant 8 : i32
          %eq3A_661 = vector.broadcast %eq3A_660 : i32 to vector<16xi32>
          %eq3A_662 = arith.cmpi eq, %iota3A, %eq3A_661 : vector<16xi32>
          %select_n3A_663 = arith.select %eq3A_662, %add3A_659, %select_n3A_618 : vector<16xi1>, vector<16xf32>
          %eq3A_664 = arith.constant 4 : i32
          %eq3A_665 = vector.broadcast %eq3A_664 : i32 to vector<16xi32>
          %eq3A_666 = arith.cmpi eq, %iota3A, %eq3A_665 : vector<16xi32>
          %select_n3A_667 = arith.select %eq3A_666, %add3A_659, %select_n3A_622 : vector<16xi1>, vector<16xf32>
          %add3A_668 = arith.constant 9 : i32
          %add3A_669 = arith.addi %mul3A_274, %add3A_668 : i32
          %get3A_670 = arith.index_cast %add3A_669 : i32 to index
          %get3A_671 = arith.constant 0 : index
          %get3A_672 = tpu.vector_load %arg14[%get3A_670, %get3A_671] {strides = array<i32>} : memref<1280x64xf32, #tpu.memory_space<vmem>>, vector<1x16xf32>,
          %get3A_673 = vector.shape_cast %get3A_672 : vector<1x16xf32> to vector<16xf32>
          %mul3A_674 = arith.mulf %get3A_673, %get3A_225 : vector<16xf32>
          %get3A_675 = arith.index_cast %add3A_669 : i32 to index
          %get3A_676 = arith.constant 16 : index
          %get3A_677 = tpu.vector_load %arg14[%get3A_675, %get3A_676] {strides = array<i32>} : memref<1280x64xf32, #tpu.memory_space<vmem>>, vector<1x16xf32>,
          %get3A_678 = vector.shape_cast %get3A_677 : vector<1x16xf32> to vector<16xf32>
          %mul3A_679 = arith.mulf %get3A_678, %get3A_229 : vector<16xf32>
          %add3A_680 = arith.addf %mul3A_674, %mul3A_679 : vector<16xf32>
          %get3A_681 = arith.index_cast %add3A_669 : i32 to index
          %get3A_682 = arith.constant 32 : index
          %get3A_683 = tpu.vector_load %arg14[%get3A_681, %get3A_682] {strides = array<i32>} : memref<1280x64xf32, #tpu.memory_space<vmem>>, vector<1x16xf32>,
          %get3A_684 = vector.shape_cast %get3A_683 : vector<1x16xf32> to vector<16xf32>
          %mul3A_685 = arith.mulf %get3A_684, %get3A_233 : vector<16xf32>
          %add3A_686 = arith.addf %add3A_680, %mul3A_685 : vector<16xf32>
          %get3A_687 = arith.index_cast %add3A_669 : i32 to index
          %get3A_688 = arith.constant 48 : index
          %get3A_689 = tpu.vector_load %arg14[%get3A_687, %get3A_688] {strides = array<i32>} : memref<1280x64xf32, #tpu.memory_space<vmem>>, vector<1x16xf32>,
          %get3A_690 = vector.shape_cast %get3A_689 : vector<1x16xf32> to vector<16xf32>
          %mul3A_691 = arith.mulf %get3A_690, %get3A_237 : vector<16xf32>
          %add3A_692 = arith.addf %add3A_686, %mul3A_691 : vector<16xf32>
          %gather3A_693 = vector.shape_cast %broadcast_in_dim3A : vector<16x1xi32> to vector<16xi32>
          %gather3A_694 = tpu.dynamic_gather %add3A_692[%gather3A_693] in [0] : vector<16xf32>, vector<16xi32> -> vector<16xf32>
          %add3A_695 = arith.addf %add3A_692, %gather3A_694 : vector<16xf32>
          %gather3A_696 = vector.shape_cast %broadcast_in_dim3A_6 : vector<16x1xi32> to vector<16xi32>
          %gather3A_697 = tpu.dynamic_gather %add3A_695[%gather3A_696] in [0] : vector<16xf32>, vector<16xi32> -> vector<16xf32>
          %add3A_698 = arith.addf %add3A_695, %gather3A_697 : vector<16xf32>
          %gather3A_699 = vector.shape_cast %broadcast_in_dim3A_10 : vector<16x1xi32> to vector<16xi32>
          %gather3A_700 = tpu.dynamic_gather %add3A_698[%gather3A_699] in [0] : vector<16xf32>, vector<16xi32> -> vector<16xf32>
          %add3A_701 = arith.addf %add3A_698, %gather3A_700 : vector<16xf32>
          %gather3A_702 = vector.shape_cast %broadcast_in_dim3A_14 : vector<16x1xi32> to vector<16xi32>
          %gather3A_703 = tpu.dynamic_gather %add3A_701[%gather3A_702] in [0] : vector<16xf32>, vector<16xi32> -> vector<16xf32>
          %add3A_704 = arith.addf %add3A_701, %gather3A_703 : vector<16xf32>
          %eq3A_705 = arith.constant 9 : i32
          %eq3A_706 = vector.broadcast %eq3A_705 : i32 to vector<16xi32>
          %eq3A_707 = arith.cmpi eq, %iota3A, %eq3A_706 : vector<16xi32>
          %select_n3A_708 = arith.select %eq3A_707, %add3A_704, %select_n3A_663 : vector<16xi1>, vector<16xf32>
          %eq3A_709 = arith.constant 5 : i32
          %eq3A_710 = vector.broadcast %eq3A_709 : i32 to vector<16xi32>
          %eq3A_711 = arith.cmpi eq, %iota3A, %eq3A_710 : vector<16xi32>
          %select_n3A_712 = arith.select %eq3A_711, %add3A_704, %select_n3A_667 : vector<16xi1>, vector<16xf32>
          %add3A_713 = arith.constant 10 : i32
          %add3A_714 = arith.addi %mul3A_274, %add3A_713 : i32
          %get3A_715 = arith.index_cast %add3A_714 : i32 to index
          %get3A_716 = arith.constant 0 : index
          %get3A_717 = tpu.vector_load %arg14[%get3A_715, %get3A_716] {strides = array<i32>} : memref<1280x64xf32, #tpu.memory_space<vmem>>, vector<1x16xf32>,
          %get3A_718 = vector.shape_cast %get3A_717 : vector<1x16xf32> to vector<16xf32>
          %mul3A_719 = arith.mulf %get3A_718, %get3A_225 : vector<16xf32>
          %get3A_720 = arith.index_cast %add3A_714 : i32 to index
          %get3A_721 = arith.constant 16 : index
          %get3A_722 = tpu.vector_load %arg14[%get3A_720, %get3A_721] {strides = array<i32>} : memref<1280x64xf32, #tpu.memory_space<vmem>>, vector<1x16xf32>,
          %get3A_723 = vector.shape_cast %get3A_722 : vector<1x16xf32> to vector<16xf32>
          %mul3A_724 = arith.mulf %get3A_723, %get3A_229 : vector<16xf32>
          %add3A_725 = arith.addf %mul3A_719, %mul3A_724 : vector<16xf32>
          %get3A_726 = arith.index_cast %add3A_714 : i32 to index
          %get3A_727 = arith.constant 32 : index
          %get3A_728 = tpu.vector_load %arg14[%get3A_726, %get3A_727] {strides = array<i32>} : memref<1280x64xf32, #tpu.memory_space<vmem>>, vector<1x16xf32>,
          %get3A_729 = vector.shape_cast %get3A_728 : vector<1x16xf32> to vector<16xf32>
          %mul3A_730 = arith.mulf %get3A_729, %get3A_233 : vector<16xf32>
          %add3A_731 = arith.addf %add3A_725, %mul3A_730 : vector<16xf32>
          %get3A_732 = arith.index_cast %add3A_714 : i32 to index
          %get3A_733 = arith.constant 48 : index
          %get3A_734 = tpu.vector_load %arg14[%get3A_732, %get3A_733] {strides = array<i32>} : memref<1280x64xf32, #tpu.memory_space<vmem>>, vector<1x16xf32>,
          %get3A_735 = vector.shape_cast %get3A_734 : vector<1x16xf32> to vector<16xf32>
          %mul3A_736 = arith.mulf %get3A_735, %get3A_237 : vector<16xf32>
          %add3A_737 = arith.addf %add3A_731, %mul3A_736 : vector<16xf32>
          %gather3A_738 = vector.shape_cast %broadcast_in_dim3A : vector<16x1xi32> to vector<16xi32>
          %gather3A_739 = tpu.dynamic_gather %add3A_737[%gather3A_738] in [0] : vector<16xf32>, vector<16xi32> -> vector<16xf32>
          %add3A_740 = arith.addf %add3A_737, %gather3A_739 : vector<16xf32>
          %gather3A_741 = vector.shape_cast %broadcast_in_dim3A_6 : vector<16x1xi32> to vector<16xi32>
          %gather3A_742 = tpu.dynamic_gather %add3A_740[%gather3A_741] in [0] : vector<16xf32>, vector<16xi32> -> vector<16xf32>
          %add3A_743 = arith.addf %add3A_740, %gather3A_742 : vector<16xf32>
          %gather3A_744 = vector.shape_cast %broadcast_in_dim3A_10 : vector<16x1xi32> to vector<16xi32>
          %gather3A_745 = tpu.dynamic_gather %add3A_743[%gather3A_744] in [0] : vector<16xf32>, vector<16xi32> -> vector<16xf32>
          %add3A_746 = arith.addf %add3A_743, %gather3A_745 : vector<16xf32>
          %gather3A_747 = vector.shape_cast %broadcast_in_dim3A_14 : vector<16x1xi32> to vector<16xi32>
          %gather3A_748 = tpu.dynamic_gather %add3A_746[%gather3A_747] in [0] : vector<16xf32>, vector<16xi32> -> vector<16xf32>
          %add3A_749 = arith.addf %add3A_746, %gather3A_748 : vector<16xf32>
          %eq3A_750 = arith.constant 10 : i32
          %eq3A_751 = vector.broadcast %eq3A_750 : i32 to vector<16xi32>
          %eq3A_752 = arith.cmpi eq, %iota3A, %eq3A_751 : vector<16xi32>
          %select_n3A_753 = arith.select %eq3A_752, %add3A_749, %select_n3A_708 : vector<16xi1>, vector<16xf32>
          %eq3A_754 = arith.constant 6 : i32
          %eq3A_755 = vector.broadcast %eq3A_754 : i32 to vector<16xi32>
          %eq3A_756 = arith.cmpi eq, %iota3A, %eq3A_755 : vector<16xi32>
          %select_n3A_757 = arith.select %eq3A_756, %add3A_749, %select_n3A_712 : vector<16xi1>, vector<16xf32>
          %add3A_758 = arith.constant 11 : i32
          %add3A_759 = arith.addi %mul3A_274, %add3A_758 : i32
          %get3A_760 = arith.index_cast %add3A_759 : i32 to index
          %get3A_761 = arith.constant 0 : index
          %get3A_762 = tpu.vector_load %arg14[%get3A_760, %get3A_761] {strides = array<i32>} : memref<1280x64xf32, #tpu.memory_space<vmem>>, vector<1x16xf32>,
          %get3A_763 = vector.shape_cast %get3A_762 : vector<1x16xf32> to vector<16xf32>
          %mul3A_764 = arith.mulf %get3A_763, %get3A_225 : vector<16xf32>
          %get3A_765 = arith.index_cast %add3A_759 : i32 to index
          %get3A_766 = arith.constant 16 : index
          %get3A_767 = tpu.vector_load %arg14[%get3A_765, %get3A_766] {strides = array<i32>} : memref<1280x64xf32, #tpu.memory_space<vmem>>, vector<1x16xf32>,
          %get3A_768 = vector.shape_cast %get3A_767 : vector<1x16xf32> to vector<16xf32>
          %mul3A_769 = arith.mulf %get3A_768, %get3A_229 : vector<16xf32>
          %add3A_770 = arith.addf %mul3A_764, %mul3A_769 : vector<16xf32>
          %get3A_771 = arith.index_cast %add3A_759 : i32 to index
          %get3A_772 = arith.constant 32 : index
          %get3A_773 = tpu.vector_load %arg14[%get3A_771, %get3A_772] {strides = array<i32>} : memref<1280x64xf32, #tpu.memory_space<vmem>>, vector<1x16xf32>,
          %get3A_774 = vector.shape_cast %get3A_773 : vector<1x16xf32> to vector<16xf32>
          %mul3A_775 = arith.mulf %get3A_774, %get3A_233 : vector<16xf32>
          %add3A_776 = arith.addf %add3A_770, %mul3A_775 : vector<16xf32>
          %get3A_777 = arith.index_cast %add3A_759 : i32 to index
          %get3A_778 = arith.constant 48 : index
          %get3A_779 = tpu.vector_load %arg14[%get3A_777, %get3A_778] {strides = array<i32>} : memref<1280x64xf32, #tpu.memory_space<vmem>>, vector<1x16xf32>,
          %get3A_780 = vector.shape_cast %get3A_779 : vector<1x16xf32> to vector<16xf32>
          %mul3A_781 = arith.mulf %get3A_780, %get3A_237 : vector<16xf32>
          %add3A_782 = arith.addf %add3A_776, %mul3A_781 : vector<16xf32>
          %gather3A_783 = vector.shape_cast %broadcast_in_dim3A : vector<16x1xi32> to vector<16xi32>
          %gather3A_784 = tpu.dynamic_gather %add3A_782[%gather3A_783] in [0] : vector<16xf32>, vector<16xi32> -> vector<16xf32>
          %add3A_785 = arith.addf %add3A_782, %gather3A_784 : vector<16xf32>
          %gather3A_786 = vector.shape_cast %broadcast_in_dim3A_6 : vector<16x1xi32> to vector<16xi32>
          %gather3A_787 = tpu.dynamic_gather %add3A_785[%gather3A_786] in [0] : vector<16xf32>, vector<16xi32> -> vector<16xf32>
          %add3A_788 = arith.addf %add3A_785, %gather3A_787 : vector<16xf32>
          %gather3A_789 = vector.shape_cast %broadcast_in_dim3A_10 : vector<16x1xi32> to vector<16xi32>
          %gather3A_790 = tpu.dynamic_gather %add3A_788[%gather3A_789] in [0] : vector<16xf32>, vector<16xi32> -> vector<16xf32>
          %add3A_791 = arith.addf %add3A_788, %gather3A_790 : vector<16xf32>
          %gather3A_792 = vector.shape_cast %broadcast_in_dim3A_14 : vector<16x1xi32> to vector<16xi32>
          %gather3A_793 = tpu.dynamic_gather %add3A_791[%gather3A_792] in [0] : vector<16xf32>, vector<16xi32> -> vector<16xf32>
          %add3A_794 = arith.addf %add3A_791, %gather3A_793 : vector<16xf32>
          %eq3A_795 = arith.constant 11 : i32
          %eq3A_796 = vector.broadcast %eq3A_795 : i32 to vector<16xi32>
          %eq3A_797 = arith.cmpi eq, %iota3A, %eq3A_796 : vector<16xi32>
          %select_n3A_798 = arith.select %eq3A_797, %add3A_794, %select_n3A_753 : vector<16xi1>, vector<16xf32>
          %eq3A_799 = arith.constant 7 : i32
          %eq3A_800 = vector.broadcast %eq3A_799 : i32 to vector<16xi32>
          %eq3A_801 = arith.cmpi eq, %iota3A, %eq3A_800 : vector<16xi32>
          %select_n3A_802 = arith.select %eq3A_801, %add3A_794, %select_n3A_757 : vector<16xi1>, vector<16xf32>
          %add3A_803 = arith.constant 12 : i32
          %add3A_804 = arith.addi %mul3A_274, %add3A_803 : i32
          %get3A_805 = arith.index_cast %add3A_804 : i32 to index
          %get3A_806 = arith.constant 0 : index
          %get3A_807 = tpu.vector_load %arg14[%get3A_805, %get3A_806] {strides = array<i32>} : memref<1280x64xf32, #tpu.memory_space<vmem>>, vector<1x16xf32>,
          %get3A_808 = vector.shape_cast %get3A_807 : vector<1x16xf32> to vector<16xf32>
          %mul3A_809 = arith.mulf %get3A_808, %get3A_225 : vector<16xf32>
          %get3A_810 = arith.index_cast %add3A_804 : i32 to index
          %get3A_811 = arith.constant 16 : index
          %get3A_812 = tpu.vector_load %arg14[%get3A_810, %get3A_811] {strides = array<i32>} : memref<1280x64xf32, #tpu.memory_space<vmem>>, vector<1x16xf32>,
          %get3A_813 = vector.shape_cast %get3A_812 : vector<1x16xf32> to vector<16xf32>
          %mul3A_814 = arith.mulf %get3A_813, %get3A_229 : vector<16xf32>
          %add3A_815 = arith.addf %mul3A_809, %mul3A_814 : vector<16xf32>
          %get3A_816 = arith.index_cast %add3A_804 : i32 to index
          %get3A_817 = arith.constant 32 : index
          %get3A_818 = tpu.vector_load %arg14[%get3A_816, %get3A_817] {strides = array<i32>} : memref<1280x64xf32, #tpu.memory_space<vmem>>, vector<1x16xf32>,
          %get3A_819 = vector.shape_cast %get3A_818 : vector<1x16xf32> to vector<16xf32>
          %mul3A_820 = arith.mulf %get3A_819, %get3A_233 : vector<16xf32>
          %add3A_821 = arith.addf %add3A_815, %mul3A_820 : vector<16xf32>
          %get3A_822 = arith.index_cast %add3A_804 : i32 to index
          %get3A_823 = arith.constant 48 : index
          %get3A_824 = tpu.vector_load %arg14[%get3A_822, %get3A_823] {strides = array<i32>} : memref<1280x64xf32, #tpu.memory_space<vmem>>, vector<1x16xf32>,
          %get3A_825 = vector.shape_cast %get3A_824 : vector<1x16xf32> to vector<16xf32>
          %mul3A_826 = arith.mulf %get3A_825, %get3A_237 : vector<16xf32>
          %add3A_827 = arith.addf %add3A_821, %mul3A_826 : vector<16xf32>
          %gather3A_828 = vector.shape_cast %broadcast_in_dim3A : vector<16x1xi32> to vector<16xi32>
          %gather3A_829 = tpu.dynamic_gather %add3A_827[%gather3A_828] in [0] : vector<16xf32>, vector<16xi32> -> vector<16xf32>
          %add3A_830 = arith.addf %add3A_827, %gather3A_829 : vector<16xf32>
          %gather3A_831 = vector.shape_cast %broadcast_in_dim3A_6 : vector<16x1xi32> to vector<16xi32>
          %gather3A_832 = tpu.dynamic_gather %add3A_830[%gather3A_831] in [0] : vector<16xf32>, vector<16xi32> -> vector<16xf32>
          %add3A_833 = arith.addf %add3A_830, %gather3A_832 : vector<16xf32>
          %gather3A_834 = vector.shape_cast %broadcast_in_dim3A_10 : vector<16x1xi32> to vector<16xi32>
          %gather3A_835 = tpu.dynamic_gather %add3A_833[%gather3A_834] in [0] : vector<16xf32>, vector<16xi32> -> vector<16xf32>
          %add3A_836 = arith.addf %add3A_833, %gather3A_835 : vector<16xf32>
          %gather3A_837 = vector.shape_cast %broadcast_in_dim3A_14 : vector<16x1xi32> to vector<16xi32>
          %gather3A_838 = tpu.dynamic_gather %add3A_836[%gather3A_837] in [0] : vector<16xf32>, vector<16xi32> -> vector<16xf32>
          %add3A_839 = arith.addf %add3A_836, %gather3A_838 : vector<16xf32>
          %eq3A_840 = arith.constant 12 : i32
          %eq3A_841 = vector.broadcast %eq3A_840 : i32 to vector<16xi32>
          %eq3A_842 = arith.cmpi eq, %iota3A, %eq3A_841 : vector<16xi32>
          %select_n3A_843 = arith.select %eq3A_842, %add3A_839, %select_n3A_798 : vector<16xi1>, vector<16xf32>
          %eq3A_844 = arith.constant 8 : i32
          %eq3A_845 = vector.broadcast %eq3A_844 : i32 to vector<16xi32>
          %eq3A_846 = arith.cmpi eq, %iota3A, %eq3A_845 : vector<16xi32>
          %select_n3A_847 = arith.select %eq3A_846, %add3A_839, %select_n3A_802 : vector<16xi1>, vector<16xf32>
          %add3A_848 = arith.constant 13 : i32
          %add3A_849 = arith.addi %mul3A_274, %add3A_848 : i32
          %get3A_850 = arith.index_cast %add3A_849 : i32 to index
          %get3A_851 = arith.constant 0 : index
          %get3A_852 = tpu.vector_load %arg14[%get3A_850, %get3A_851] {strides = array<i32>} : memref<1280x64xf32, #tpu.memory_space<vmem>>, vector<1x16xf32>,
          %get3A_853 = vector.shape_cast %get3A_852 : vector<1x16xf32> to vector<16xf32>
          %mul3A_854 = arith.mulf %get3A_853, %get3A_225 : vector<16xf32>
          %get3A_855 = arith.index_cast %add3A_849 : i32 to index
          %get3A_856 = arith.constant 16 : index
          %get3A_857 = tpu.vector_load %arg14[%get3A_855, %get3A_856] {strides = array<i32>} : memref<1280x64xf32, #tpu.memory_space<vmem>>, vector<1x16xf32>,
          %get3A_858 = vector.shape_cast %get3A_857 : vector<1x16xf32> to vector<16xf32>
          %mul3A_859 = arith.mulf %get3A_858, %get3A_229 : vector<16xf32>
          %add3A_860 = arith.addf %mul3A_854, %mul3A_859 : vector<16xf32>
          %get3A_861 = arith.index_cast %add3A_849 : i32 to index
          %get3A_862 = arith.constant 32 : index
          %get3A_863 = tpu.vector_load %arg14[%get3A_861, %get3A_862] {strides = array<i32>} : memref<1280x64xf32, #tpu.memory_space<vmem>>, vector<1x16xf32>,
          %get3A_864 = vector.shape_cast %get3A_863 : vector<1x16xf32> to vector<16xf32>
          %mul3A_865 = arith.mulf %get3A_864, %get3A_233 : vector<16xf32>
          %add3A_866 = arith.addf %add3A_860, %mul3A_865 : vector<16xf32>
          %get3A_867 = arith.index_cast %add3A_849 : i32 to index
          %get3A_868 = arith.constant 48 : index
          %get3A_869 = tpu.vector_load %arg14[%get3A_867, %get3A_868] {strides = array<i32>} : memref<1280x64xf32, #tpu.memory_space<vmem>>, vector<1x16xf32>,
          %get3A_870 = vector.shape_cast %get3A_869 : vector<1x16xf32> to vector<16xf32>
          %mul3A_871 = arith.mulf %get3A_870, %get3A_237 : vector<16xf32>
          %add3A_872 = arith.addf %add3A_866, %mul3A_871 : vector<16xf32>
          %gather3A_873 = vector.shape_cast %broadcast_in_dim3A : vector<16x1xi32> to vector<16xi32>
          %gather3A_874 = tpu.dynamic_gather %add3A_872[%gather3A_873] in [0] : vector<16xf32>, vector<16xi32> -> vector<16xf32>
          %add3A_875 = arith.addf %add3A_872, %gather3A_874 : vector<16xf32>
          %gather3A_876 = vector.shape_cast %broadcast_in_dim3A_6 : vector<16x1xi32> to vector<16xi32>
          %gather3A_877 = tpu.dynamic_gather %add3A_875[%gather3A_876] in [0] : vector<16xf32>, vector<16xi32> -> vector<16xf32>
          %add3A_878 = arith.addf %add3A_875, %gather3A_877 : vector<16xf32>
          %gather3A_879 = vector.shape_cast %broadcast_in_dim3A_10 : vector<16x1xi32> to vector<16xi32>
          %gather3A_880 = tpu.dynamic_gather %add3A_878[%gather3A_879] in [0] : vector<16xf32>, vector<16xi32> -> vector<16xf32>
          %add3A_881 = arith.addf %add3A_878, %gather3A_880 : vector<16xf32>
          %gather3A_882 = vector.shape_cast %broadcast_in_dim3A_14 : vector<16x1xi32> to vector<16xi32>
          %gather3A_883 = tpu.dynamic_gather %add3A_881[%gather3A_882] in [0] : vector<16xf32>, vector<16xi32> -> vector<16xf32>
          %add3A_884 = arith.addf %add3A_881, %gather3A_883 : vector<16xf32>
          %eq3A_885 = arith.constant 13 : i32
          %eq3A_886 = vector.broadcast %eq3A_885 : i32 to vector<16xi32>
          %eq3A_887 = arith.cmpi eq, %iota3A, %eq3A_886 : vector<16xi32>
          %select_n3A_888 = arith.select %eq3A_887, %add3A_884, %select_n3A_843 : vector<16xi1>, vector<16xf32>
          %eq3A_889 = arith.constant 9 : i32
          %eq3A_890 = vector.broadcast %eq3A_889 : i32 to vector<16xi32>
          %eq3A_891 = arith.cmpi eq, %iota3A, %eq3A_890 : vector<16xi32>
          %select_n3A_892 = arith.select %eq3A_891, %add3A_884, %select_n3A_847 : vector<16xi1>, vector<16xf32>
          %add3A_893 = arith.constant 14 : i32
          %add3A_894 = arith.addi %mul3A_274, %add3A_893 : i32
          %get3A_895 = arith.index_cast %add3A_894 : i32 to index
          %get3A_896 = arith.constant 0 : index
          %get3A_897 = tpu.vector_load %arg14[%get3A_895, %get3A_896] {strides = array<i32>} : memref<1280x64xf32, #tpu.memory_space<vmem>>, vector<1x16xf32>,
          %get3A_898 = vector.shape_cast %get3A_897 : vector<1x16xf32> to vector<16xf32>
          %mul3A_899 = arith.mulf %get3A_898, %get3A_225 : vector<16xf32>
          %get3A_900 = arith.index_cast %add3A_894 : i32 to index
          %get3A_901 = arith.constant 16 : index
          %get3A_902 = tpu.vector_load %arg14[%get3A_900, %get3A_901] {strides = array<i32>} : memref<1280x64xf32, #tpu.memory_space<vmem>>, vector<1x16xf32>,
          %get3A_903 = vector.shape_cast %get3A_902 : vector<1x16xf32> to vector<16xf32>
          %mul3A_904 = arith.mulf %get3A_903, %get3A_229 : vector<16xf32>
          %add3A_905 = arith.addf %mul3A_899, %mul3A_904 : vector<16xf32>
          %get3A_906 = arith.index_cast %add3A_894 : i32 to index
          %get3A_907 = arith.constant 32 : index
          %get3A_908 = tpu.vector_load %arg14[%get3A_906, %get3A_907] {strides = array<i32>} : memref<1280x64xf32, #tpu.memory_space<vmem>>, vector<1x16xf32>,
          %get3A_909 = vector.shape_cast %get3A_908 : vector<1x16xf32> to vector<16xf32>
          %mul3A_910 = arith.mulf %get3A_909, %get3A_233 : vector<16xf32>
          %add3A_911 = arith.addf %add3A_905, %mul3A_910 : vector<16xf32>
          %get3A_912 = arith.index_cast %add3A_894 : i32 to index
          %get3A_913 = arith.constant 48 : index
          %get3A_914 = tpu.vector_load %arg14[%get3A_912, %get3A_913] {strides = array<i32>} : memref<1280x64xf32, #tpu.memory_space<vmem>>, vector<1x16xf32>,
          %get3A_915 = vector.shape_cast %get3A_914 : vector<1x16xf32> to vector<16xf32>
          %mul3A_916 = arith.mulf %get3A_915, %get3A_237 : vector<16xf32>
          %add3A_917 = arith.addf %add3A_911, %mul3A_916 : vector<16xf32>
          %gather3A_918 = vector.shape_cast %broadcast_in_dim3A : vector<16x1xi32> to vector<16xi32>
          %gather3A_919 = tpu.dynamic_gather %add3A_917[%gather3A_918] in [0] : vector<16xf32>, vector<16xi32> -> vector<16xf32>
          %add3A_920 = arith.addf %add3A_917, %gather3A_919 : vector<16xf32>
          %gather3A_921 = vector.shape_cast %broadcast_in_dim3A_6 : vector<16x1xi32> to vector<16xi32>
          %gather3A_922 = tpu.dynamic_gather %add3A_920[%gather3A_921] in [0] : vector<16xf32>, vector<16xi32> -> vector<16xf32>
          %add3A_923 = arith.addf %add3A_920, %gather3A_922 : vector<16xf32>
          %gather3A_924 = vector.shape_cast %broadcast_in_dim3A_10 : vector<16x1xi32> to vector<16xi32>
          %gather3A_925 = tpu.dynamic_gather %add3A_923[%gather3A_924] in [0] : vector<16xf32>, vector<16xi32> -> vector<16xf32>
          %add3A_926 = arith.addf %add3A_923, %gather3A_925 : vector<16xf32>
          %gather3A_927 = vector.shape_cast %broadcast_in_dim3A_14 : vector<16x1xi32> to vector<16xi32>
          %gather3A_928 = tpu.dynamic_gather %add3A_926[%gather3A_927] in [0] : vector<16xf32>, vector<16xi32> -> vector<16xf32>
          %add3A_929 = arith.addf %add3A_926, %gather3A_928 : vector<16xf32>
          %eq3A_930 = arith.constant 14 : i32
          %eq3A_931 = vector.broadcast %eq3A_930 : i32 to vector<16xi32>
          %eq3A_932 = arith.cmpi eq, %iota3A, %eq3A_931 : vector<16xi32>
          %select_n3A_933 = arith.select %eq3A_932, %add3A_929, %select_n3A_888 : vector<16xi1>, vector<16xf32>
          %eq3A_934 = arith.constant 10 : i32
          %eq3A_935 = vector.broadcast %eq3A_934 : i32 to vector<16xi32>
          %eq3A_936 = arith.cmpi eq, %iota3A, %eq3A_935 : vector<16xi32>
          %select_n3A_937 = arith.select %eq3A_936, %add3A_929, %select_n3A_892 : vector<16xi1>, vector<16xf32>
          %add3A_938 = arith.constant 15 : i32
          %add3A_939 = arith.addi %mul3A_274, %add3A_938 : i32
          %get3A_940 = arith.index_cast %add3A_939 : i32 to index
          %get3A_941 = arith.constant 0 : index
          %get3A_942 = tpu.vector_load %arg14[%get3A_940, %get3A_941] {strides = array<i32>} : memref<1280x64xf32, #tpu.memory_space<vmem>>, vector<1x16xf32>,
          %get3A_943 = vector.shape_cast %get3A_942 : vector<1x16xf32> to vector<16xf32>
          %mul3A_944 = arith.mulf %get3A_943, %get3A_225 : vector<16xf32>
          %get3A_945 = arith.index_cast %add3A_939 : i32 to index
          %get3A_946 = arith.constant 16 : index
          %get3A_947 = tpu.vector_load %arg14[%get3A_945, %get3A_946] {strides = array<i32>} : memref<1280x64xf32, #tpu.memory_space<vmem>>, vector<1x16xf32>,
          %get3A_948 = vector.shape_cast %get3A_947 : vector<1x16xf32> to vector<16xf32>
          %mul3A_949 = arith.mulf %get3A_948, %get3A_229 : vector<16xf32>
          %add3A_950 = arith.addf %mul3A_944, %mul3A_949 : vector<16xf32>
          %get3A_951 = arith.index_cast %add3A_939 : i32 to index
          %get3A_952 = arith.constant 32 : index
          %get3A_953 = tpu.vector_load %arg14[%get3A_951, %get3A_952] {strides = array<i32>} : memref<1280x64xf32, #tpu.memory_space<vmem>>, vector<1x16xf32>,
          %get3A_954 = vector.shape_cast %get3A_953 : vector<1x16xf32> to vector<16xf32>
          %mul3A_955 = arith.mulf %get3A_954, %get3A_233 : vector<16xf32>
          %add3A_956 = arith.addf %add3A_950, %mul3A_955 : vector<16xf32>
          %get3A_957 = arith.index_cast %add3A_939 : i32 to index
          %get3A_958 = arith.constant 48 : index
          %get3A_959 = tpu.vector_load %arg14[%get3A_957, %get3A_958] {strides = array<i32>} : memref<1280x64xf32, #tpu.memory_space<vmem>>, vector<1x16xf32>,
          %get3A_960 = vector.shape_cast %get3A_959 : vector<1x16xf32> to vector<16xf32>
          %mul3A_961 = arith.mulf %get3A_960, %get3A_237 : vector<16xf32>
          %add3A_962 = arith.addf %add3A_956, %mul3A_961 : vector<16xf32>
          %gather3A_963 = vector.shape_cast %broadcast_in_dim3A : vector<16x1xi32> to vector<16xi32>
          %gather3A_964 = tpu.dynamic_gather %add3A_962[%gather3A_963] in [0] : vector<16xf32>, vector<16xi32> -> vector<16xf32>
          %add3A_965 = arith.addf %add3A_962, %gather3A_964 : vector<16xf32>
          %gather3A_966 = vector.shape_cast %broadcast_in_dim3A_6 : vector<16x1xi32> to vector<16xi32>
          %gather3A_967 = tpu.dynamic_gather %add3A_965[%gather3A_966] in [0] : vector<16xf32>, vector<16xi32> -> vector<16xf32>
          %add3A_968 = arith.addf %add3A_965, %gather3A_967 : vector<16xf32>
          %gather3A_969 = vector.shape_cast %broadcast_in_dim3A_10 : vector<16x1xi32> to vector<16xi32>
          %gather3A_970 = tpu.dynamic_gather %add3A_968[%gather3A_969] in [0] : vector<16xf32>, vector<16xi32> -> vector<16xf32>
          %add3A_971 = arith.addf %add3A_968, %gather3A_970 : vector<16xf32>
          %gather3A_972 = vector.shape_cast %broadcast_in_dim3A_14 : vector<16x1xi32> to vector<16xi32>
          %gather3A_973 = tpu.dynamic_gather %add3A_971[%gather3A_972] in [0] : vector<16xf32>, vector<16xi32> -> vector<16xf32>
          %add3A_974 = arith.addf %add3A_971, %gather3A_973 : vector<16xf32>
          %eq3A_975 = arith.constant 15 : i32
          %eq3A_976 = vector.broadcast %eq3A_975 : i32 to vector<16xi32>
          %eq3A_977 = arith.cmpi eq, %iota3A, %eq3A_976 : vector<16xi32>
          %select_n3A_978 = arith.select %eq3A_977, %add3A_974, %select_n3A_933 : vector<16xi1>, vector<16xf32>
          %eq3A_979 = arith.constant 11 : i32
          %eq3A_980 = vector.broadcast %eq3A_979 : i32 to vector<16xi32>
          %eq3A_981 = arith.cmpi eq, %iota3A, %eq3A_980 : vector<16xi32>
          %select_n3A_982 = arith.select %eq3A_981, %add3A_974, %select_n3A_937 : vector<16xi1>, vector<16xf32>
          %add3A_983 = arith.constant 16 : i32
          %add3A_984 = arith.addi %mul3A_274, %add3A_983 : i32
          %get3A_985 = arith.index_cast %add3A_984 : i32 to index
          %get3A_986 = arith.constant 0 : index
          %get3A_987 = tpu.vector_load %arg14[%get3A_985, %get3A_986] {strides = array<i32>} : memref<1280x64xf32, #tpu.memory_space<vmem>>, vector<1x16xf32>,
          %get3A_988 = vector.shape_cast %get3A_987 : vector<1x16xf32> to vector<16xf32>
          %mul3A_989 = arith.mulf %get3A_988, %get3A_225 : vector<16xf32>
          %get3A_990 = arith.index_cast %add3A_984 : i32 to index
          %get3A_991 = arith.constant 16 : index
          %get3A_992 = tpu.vector_load %arg14[%get3A_990, %get3A_991] {strides = array<i32>} : memref<1280x64xf32, #tpu.memory_space<vmem>>, vector<1x16xf32>,
          %get3A_993 = vector.shape_cast %get3A_992 : vector<1x16xf32> to vector<16xf32>
          %mul3A_994 = arith.mulf %get3A_993, %get3A_229 : vector<16xf32>
          %add3A_995 = arith.addf %mul3A_989, %mul3A_994 : vector<16xf32>
          %get3A_996 = arith.index_cast %add3A_984 : i32 to index
          %get3A_997 = arith.constant 32 : index
          %get3A_998 = tpu.vector_load %arg14[%get3A_996, %get3A_997] {strides = array<i32>} : memref<1280x64xf32, #tpu.memory_space<vmem>>, vector<1x16xf32>,
          %get3A_999 = vector.shape_cast %get3A_998 : vector<1x16xf32> to vector<16xf32>
          %mul3A_1000 = arith.mulf %get3A_999, %get3A_233 : vector<16xf32>
          %add3A_1001 = arith.addf %add3A_995, %mul3A_1000 : vector<16xf32>
          %get3A_1002 = arith.index_cast %add3A_984 : i32 to index
          %get3A_1003 = arith.constant 48 : index
          %get3A_1004 = tpu.vector_load %arg14[%get3A_1002, %get3A_1003] {strides = array<i32>} : memref<1280x64xf32, #tpu.memory_space<vmem>>, vector<1x16xf32>,
          %get3A_1005 = vector.shape_cast %get3A_1004 : vector<1x16xf32> to vector<16xf32>
          %mul3A_1006 = arith.mulf %get3A_1005, %get3A_237 : vector<16xf32>
          %add3A_1007 = arith.addf %add3A_1001, %mul3A_1006 : vector<16xf32>
          %gather3A_1008 = vector.shape_cast %broadcast_in_dim3A : vector<16x1xi32> to vector<16xi32>
          %gather3A_1009 = tpu.dynamic_gather %add3A_1007[%gather3A_1008] in [0] : vector<16xf32>, vector<16xi32> -> vector<16xf32>
          %add3A_1010 = arith.addf %add3A_1007, %gather3A_1009 : vector<16xf32>
          %gather3A_1011 = vector.shape_cast %broadcast_in_dim3A_6 : vector<16x1xi32> to vector<16xi32>
          %gather3A_1012 = tpu.dynamic_gather %add3A_1010[%gather3A_1011] in [0] : vector<16xf32>, vector<16xi32> -> vector<16xf32>
          %add3A_1013 = arith.addf %add3A_1010, %gather3A_1012 : vector<16xf32>
          %gather3A_1014 = vector.shape_cast %broadcast_in_dim3A_10 : vector<16x1xi32> to vector<16xi32>
          %gather3A_1015 = tpu.dynamic_gather %add3A_1013[%gather3A_1014] in [0] : vector<16xf32>, vector<16xi32> -> vector<16xf32>
          %add3A_1016 = arith.addf %add3A_1013, %gather3A_1015 : vector<16xf32>
          %gather3A_1017 = vector.shape_cast %broadcast_in_dim3A_14 : vector<16x1xi32> to vector<16xi32>
          %gather3A_1018 = tpu.dynamic_gather %add3A_1016[%gather3A_1017] in [0] : vector<16xf32>, vector<16xi32> -> vector<16xf32>
          %add3A_1019 = arith.addf %add3A_1016, %gather3A_1018 : vector<16xf32>
          %eq3A_1020 = arith.constant 12 : i32
          %eq3A_1021 = vector.broadcast %eq3A_1020 : i32 to vector<16xi32>
          %eq3A_1022 = arith.cmpi eq, %iota3A, %eq3A_1021 : vector<16xi32>
          %select_n3A_1023 = arith.select %eq3A_1022, %add3A_1019, %select_n3A_982 : vector<16xi1>, vector<16xf32>
          %add3A_1024 = arith.constant 17 : i32
          %add3A_1025 = arith.addi %mul3A_274, %add3A_1024 : i32
          %get3A_1026 = arith.index_cast %add3A_1025 : i32 to index
          %get3A_1027 = arith.constant 0 : index
          %get3A_1028 = tpu.vector_load %arg14[%get3A_1026, %get3A_1027] {strides = array<i32>} : memref<1280x64xf32, #tpu.memory_space<vmem>>, vector<1x16xf32>,
          %get3A_1029 = vector.shape_cast %get3A_1028 : vector<1x16xf32> to vector<16xf32>
          %mul3A_1030 = arith.mulf %get3A_1029, %get3A_225 : vector<16xf32>
          %get3A_1031 = arith.index_cast %add3A_1025 : i32 to index
          %get3A_1032 = arith.constant 16 : index
          %get3A_1033 = tpu.vector_load %arg14[%get3A_1031, %get3A_1032] {strides = array<i32>} : memref<1280x64xf32, #tpu.memory_space<vmem>>, vector<1x16xf32>,
          %get3A_1034 = vector.shape_cast %get3A_1033 : vector<1x16xf32> to vector<16xf32>
          %mul3A_1035 = arith.mulf %get3A_1034, %get3A_229 : vector<16xf32>
          %add3A_1036 = arith.addf %mul3A_1030, %mul3A_1035 : vector<16xf32>
          %get3A_1037 = arith.index_cast %add3A_1025 : i32 to index
          %get3A_1038 = arith.constant 32 : index
          %get3A_1039 = tpu.vector_load %arg14[%get3A_1037, %get3A_1038] {strides = array<i32>} : memref<1280x64xf32, #tpu.memory_space<vmem>>, vector<1x16xf32>,
          %get3A_1040 = vector.shape_cast %get3A_1039 : vector<1x16xf32> to vector<16xf32>
          %mul3A_1041 = arith.mulf %get3A_1040, %get3A_233 : vector<16xf32>
          %add3A_1042 = arith.addf %add3A_1036, %mul3A_1041 : vector<16xf32>
          %get3A_1043 = arith.index_cast %add3A_1025 : i32 to index
          %get3A_1044 = arith.constant 48 : index
          %get3A_1045 = tpu.vector_load %arg14[%get3A_1043, %get3A_1044] {strides = array<i32>} : memref<1280x64xf32, #tpu.memory_space<vmem>>, vector<1x16xf32>,
          %get3A_1046 = vector.shape_cast %get3A_1045 : vector<1x16xf32> to vector<16xf32>
          %mul3A_1047 = arith.mulf %get3A_1046, %get3A_237 : vector<16xf32>
          %add3A_1048 = arith.addf %add3A_1042, %mul3A_1047 : vector<16xf32>
          %gather3A_1049 = vector.shape_cast %broadcast_in_dim3A : vector<16x1xi32> to vector<16xi32>
          %gather3A_1050 = tpu.dynamic_gather %add3A_1048[%gather3A_1049] in [0] : vector<16xf32>, vector<16xi32> -> vector<16xf32>
          %add3A_1051 = arith.addf %add3A_1048, %gather3A_1050 : vector<16xf32>
          %gather3A_1052 = vector.shape_cast %broadcast_in_dim3A_6 : vector<16x1xi32> to vector<16xi32>
          %gather3A_1053 = tpu.dynamic_gather %add3A_1051[%gather3A_1052] in [0] : vector<16xf32>, vector<16xi32> -> vector<16xf32>
          %add3A_1054 = arith.addf %add3A_1051, %gather3A_1053 : vector<16xf32>
          %gather3A_1055 = vector.shape_cast %broadcast_in_dim3A_10 : vector<16x1xi32> to vector<16xi32>
          %gather3A_1056 = tpu.dynamic_gather %add3A_1054[%gather3A_1055] in [0] : vector<16xf32>, vector<16xi32> -> vector<16xf32>
          %add3A_1057 = arith.addf %add3A_1054, %gather3A_1056 : vector<16xf32>
          %gather3A_1058 = vector.shape_cast %broadcast_in_dim3A_14 : vector<16x1xi32> to vector<16xi32>
          %gather3A_1059 = tpu.dynamic_gather %add3A_1057[%gather3A_1058] in [0] : vector<16xf32>, vector<16xi32> -> vector<16xf32>
          %add3A_1060 = arith.addf %add3A_1057, %gather3A_1059 : vector<16xf32>
          %eq3A_1061 = arith.constant 13 : i32
          %eq3A_1062 = vector.broadcast %eq3A_1061 : i32 to vector<16xi32>
          %eq3A_1063 = arith.cmpi eq, %iota3A, %eq3A_1062 : vector<16xi32>
          %select_n3A_1064 = arith.select %eq3A_1063, %add3A_1060, %select_n3A_1023 : vector<16xi1>, vector<16xf32>
          %add3A_1065 = arith.constant 18 : i32
          %add3A_1066 = arith.addi %mul3A_274, %add3A_1065 : i32
          %get3A_1067 = arith.index_cast %add3A_1066 : i32 to index
          %get3A_1068 = arith.constant 0 : index
          %get3A_1069 = tpu.vector_load %arg14[%get3A_1067, %get3A_1068] {strides = array<i32>} : memref<1280x64xf32, #tpu.memory_space<vmem>>, vector<1x16xf32>,
          %get3A_1070 = vector.shape_cast %get3A_1069 : vector<1x16xf32> to vector<16xf32>
          %mul3A_1071 = arith.mulf %get3A_1070, %get3A_225 : vector<16xf32>
          %get3A_1072 = arith.index_cast %add3A_1066 : i32 to index
          %get3A_1073 = arith.constant 16 : index
          %get3A_1074 = tpu.vector_load %arg14[%get3A_1072, %get3A_1073] {strides = array<i32>} : memref<1280x64xf32, #tpu.memory_space<vmem>>, vector<1x16xf32>,
          %get3A_1075 = vector.shape_cast %get3A_1074 : vector<1x16xf32> to vector<16xf32>
          %mul3A_1076 = arith.mulf %get3A_1075, %get3A_229 : vector<16xf32>
          %add3A_1077 = arith.addf %mul3A_1071, %mul3A_1076 : vector<16xf32>
          %get3A_1078 = arith.index_cast %add3A_1066 : i32 to index
          %get3A_1079 = arith.constant 32 : index
          %get3A_1080 = tpu.vector_load %arg14[%get3A_1078, %get3A_1079] {strides = array<i32>} : memref<1280x64xf32, #tpu.memory_space<vmem>>, vector<1x16xf32>,
          %get3A_1081 = vector.shape_cast %get3A_1080 : vector<1x16xf32> to vector<16xf32>
          %mul3A_1082 = arith.mulf %get3A_1081, %get3A_233 : vector<16xf32>
          %add3A_1083 = arith.addf %add3A_1077, %mul3A_1082 : vector<16xf32>
          %get3A_1084 = arith.index_cast %add3A_1066 : i32 to index
          %get3A_1085 = arith.constant 48 : index
          %get3A_1086 = tpu.vector_load %arg14[%get3A_1084, %get3A_1085] {strides = array<i32>} : memref<1280x64xf32, #tpu.memory_space<vmem>>, vector<1x16xf32>,
          %get3A_1087 = vector.shape_cast %get3A_1086 : vector<1x16xf32> to vector<16xf32>
          %mul3A_1088 = arith.mulf %get3A_1087, %get3A_237 : vector<16xf32>
          %add3A_1089 = arith.addf %add3A_1083, %mul3A_1088 : vector<16xf32>
          %gather3A_1090 = vector.shape_cast %broadcast_in_dim3A : vector<16x1xi32> to vector<16xi32>
          %gather3A_1091 = tpu.dynamic_gather %add3A_1089[%gather3A_1090] in [0] : vector<16xf32>, vector<16xi32> -> vector<16xf32>
          %add3A_1092 = arith.addf %add3A_1089, %gather3A_1091 : vector<16xf32>
          %gather3A_1093 = vector.shape_cast %broadcast_in_dim3A_6 : vector<16x1xi32> to vector<16xi32>
          %gather3A_1094 = tpu.dynamic_gather %add3A_1092[%gather3A_1093] in [0] : vector<16xf32>, vector<16xi32> -> vector<16xf32>
          %add3A_1095 = arith.addf %add3A_1092, %gather3A_1094 : vector<16xf32>
          %gather3A_1096 = vector.shape_cast %broadcast_in_dim3A_10 : vector<16x1xi32> to vector<16xi32>
          %gather3A_1097 = tpu.dynamic_gather %add3A_1095[%gather3A_1096] in [0] : vector<16xf32>, vector<16xi32> -> vector<16xf32>
          %add3A_1098 = arith.addf %add3A_1095, %gather3A_1097 : vector<16xf32>
          %gather3A_1099 = vector.shape_cast %broadcast_in_dim3A_14 : vector<16x1xi32> to vector<16xi32>
          %gather3A_1100 = tpu.dynamic_gather %add3A_1098[%gather3A_1099] in [0] : vector<16xf32>, vector<16xi32> -> vector<16xf32>
          %add3A_1101 = arith.addf %add3A_1098, %gather3A_1100 : vector<16xf32>
          %eq3A_1102 = arith.constant 14 : i32
          %eq3A_1103 = vector.broadcast %eq3A_1102 : i32 to vector<16xi32>
          %eq3A_1104 = arith.cmpi eq, %iota3A, %eq3A_1103 : vector<16xi32>
          %select_n3A_1105 = arith.select %eq3A_1104, %add3A_1101, %select_n3A_1064 : vector<16xi1>, vector<16xf32>
          %add3A_1106 = arith.constant 19 : i32
          %add3A_1107 = arith.addi %mul3A_274, %add3A_1106 : i32
          %get3A_1108 = arith.index_cast %add3A_1107 : i32 to index
          %get3A_1109 = arith.constant 0 : index
          %get3A_1110 = tpu.vector_load %arg14[%get3A_1108, %get3A_1109] {strides = array<i32>} : memref<1280x64xf32, #tpu.memory_space<vmem>>, vector<1x16xf32>,
          %get3A_1111 = vector.shape_cast %get3A_1110 : vector<1x16xf32> to vector<16xf32>
          %mul3A_1112 = arith.mulf %get3A_1111, %get3A_225 : vector<16xf32>
          %get3A_1113 = arith.index_cast %add3A_1107 : i32 to index
          %get3A_1114 = arith.constant 16 : index
          %get3A_1115 = tpu.vector_load %arg14[%get3A_1113, %get3A_1114] {strides = array<i32>} : memref<1280x64xf32, #tpu.memory_space<vmem>>, vector<1x16xf32>,
          %get3A_1116 = vector.shape_cast %get3A_1115 : vector<1x16xf32> to vector<16xf32>
          %mul3A_1117 = arith.mulf %get3A_1116, %get3A_229 : vector<16xf32>
          %add3A_1118 = arith.addf %mul3A_1112, %mul3A_1117 : vector<16xf32>
          %get3A_1119 = arith.index_cast %add3A_1107 : i32 to index
          %get3A_1120 = arith.constant 32 : index
          %get3A_1121 = tpu.vector_load %arg14[%get3A_1119, %get3A_1120] {strides = array<i32>} : memref<1280x64xf32, #tpu.memory_space<vmem>>, vector<1x16xf32>,
          %get3A_1122 = vector.shape_cast %get3A_1121 : vector<1x16xf32> to vector<16xf32>
          %mul3A_1123 = arith.mulf %get3A_1122, %get3A_233 : vector<16xf32>
          %add3A_1124 = arith.addf %add3A_1118, %mul3A_1123 : vector<16xf32>
          %get3A_1125 = arith.index_cast %add3A_1107 : i32 to index
          %get3A_1126 = arith.constant 48 : index
          %get3A_1127 = tpu.vector_load %arg14[%get3A_1125, %get3A_1126] {strides = array<i32>} : memref<1280x64xf32, #tpu.memory_space<vmem>>, vector<1x16xf32>,
          %get3A_1128 = vector.shape_cast %get3A_1127 : vector<1x16xf32> to vector<16xf32>
          %mul3A_1129 = arith.mulf %get3A_1128, %get3A_237 : vector<16xf32>
          %add3A_1130 = arith.addf %add3A_1124, %mul3A_1129 : vector<16xf32>
          %gather3A_1131 = vector.shape_cast %broadcast_in_dim3A : vector<16x1xi32> to vector<16xi32>
          %gather3A_1132 = tpu.dynamic_gather %add3A_1130[%gather3A_1131] in [0] : vector<16xf32>, vector<16xi32> -> vector<16xf32>
          %add3A_1133 = arith.addf %add3A_1130, %gather3A_1132 : vector<16xf32>
          %gather3A_1134 = vector.shape_cast %broadcast_in_dim3A_6 : vector<16x1xi32> to vector<16xi32>
          %gather3A_1135 = tpu.dynamic_gather %add3A_1133[%gather3A_1134] in [0] : vector<16xf32>, vector<16xi32> -> vector<16xf32>
          %add3A_1136 = arith.addf %add3A_1133, %gather3A_1135 : vector<16xf32>
          %gather3A_1137 = vector.shape_cast %broadcast_in_dim3A_10 : vector<16x1xi32> to vector<16xi32>
          %gather3A_1138 = tpu.dynamic_gather %add3A_1136[%gather3A_1137] in [0] : vector<16xf32>, vector<16xi32> -> vector<16xf32>
          %add3A_1139 = arith.addf %add3A_1136, %gather3A_1138 : vector<16xf32>
          %gather3A_1140 = vector.shape_cast %broadcast_in_dim3A_14 : vector<16x1xi32> to vector<16xi32>
          %gather3A_1141 = tpu.dynamic_gather %add3A_1139[%gather3A_1140] in [0] : vector<16xf32>, vector<16xi32> -> vector<16xf32>
          %add3A_1142 = arith.addf %add3A_1139, %gather3A_1141 : vector<16xf32>
          %eq3A_1143 = arith.constant 15 : i32
          %eq3A_1144 = vector.broadcast %eq3A_1143 : i32 to vector<16xi32>
          %eq3A_1145 = arith.cmpi eq, %iota3A, %eq3A_1144 : vector<16xi32>
          %select_n3A_1146 = arith.select %eq3A_1145, %add3A_1142, %select_n3A_1105 : vector<16xi1>, vector<16xf32>
          %swap3A_1147 = arith.index_cast %mul3A_274 : i32 to index
          %swap3A_1148 = tpu.vector_load %arg16[%swap3A_1147] {strides = array<i32>} : memref<1280xf32, #tpu.memory_space<vmem>>, vector<16xf32>,
          %swap3A_1149 = vector.shape_cast %swap3A_1148 : vector<16xf32> to vector<16xf32>
          %swap3A_1150 = vector.shape_cast %select_n3A_978 : vector<16xf32> to vector<16xf32>
          tpu.vector_store %arg16[%swap3A_1147], %swap3A_1150 {strides = array<i32>} : memref<1280xf32, #tpu.memory_space<vmem>>, vector<16xf32>,
          %add3A_1151 = arith.constant 4 : i32
          %add3A_1152 = arith.addi %mul3A_274, %add3A_1151 : i32
          %swap3A_1153 = arith.index_cast %add3A_1152 : i32 to index
          %swap3A_1154 = tpu.vector_load %arg16[%swap3A_1153] {strides = array<i32>} : memref<1280xf32, #tpu.memory_space<vmem>>, vector<16xf32>,
          %swap3A_1155 = vector.shape_cast %swap3A_1154 : vector<16xf32> to vector<16xf32>
          %swap3A_1156 = vector.shape_cast %select_n3A_1146 : vector<16xf32> to vector<16xf32>
          tpu.vector_store %arg16[%swap3A_1153], %swap3A_1156 {strides = array<i32>} : memref<1280xf32, #tpu.memory_space<vmem>>, vector<16xf32>,
          %scan3A_1157 = arith.constant 1 : i32
          %scan3A_1158 = arith.addi %scan3A_218, %scan3A_1157 : i32
          %mul3A_1159 = arith.constant 16 : i32
          %mul3A_1160 = arith.muli %scan3A_204, %mul3A_1159 : i32
          %add3A_1161 = arith.addi %mul3A_1160, %scan3A_1158 : i32
          %get3A_1162 = arith.index_cast %add3A_1161 : i32 to index
          %get3A_1163 = arith.constant 0 : index
          %get3A_1164 = tpu.vector_load %arg12[%get3A_1162, %get3A_1163] {strides = array<i32>} : memref<64x64xf32, #tpu.memory_space<vmem>>, vector<1x16xf32>,
          %get3A_1165 = vector.shape_cast %get3A_1164 : vector<1x16xf32> to vector<16xf32>
          %get3A_1166 = arith.index_cast %add3A_1161 : i32 to index
          %get3A_1167 = arith.constant 16 : index
          %get3A_1168 = tpu.vector_load %arg12[%get3A_1166, %get3A_1167] {strides = array<i32>} : memref<64x64xf32, #tpu.memory_space<vmem>>, vector<1x16xf32>,
          %get3A_1169 = vector.shape_cast %get3A_1168 : vector<1x16xf32> to vector<16xf32>
          %get3A_1170 = arith.index_cast %add3A_1161 : i32 to index
          %get3A_1171 = arith.constant 32 : index
          %get3A_1172 = tpu.vector_load %arg12[%get3A_1170, %get3A_1171] {strides = array<i32>} : memref<64x64xf32, #tpu.memory_space<vmem>>, vector<1x16xf32>,
          %get3A_1173 = vector.shape_cast %get3A_1172 : vector<1x16xf32> to vector<16xf32>
          %get3A_1174 = arith.index_cast %add3A_1161 : i32 to index
          %get3A_1175 = arith.constant 48 : index
          %get3A_1176 = tpu.vector_load %arg12[%get3A_1174, %get3A_1175] {strides = array<i32>} : memref<64x64xf32, #tpu.memory_space<vmem>>, vector<1x16xf32>,
          %get3A_1177 = vector.shape_cast %get3A_1176 : vector<1x16xf32> to vector<16xf32>
          %get3A_1178 = arith.index_cast %add3A_1161 : i32 to index
          %get3A_1179 = arith.constant 0 : index
          %get3A_1180 = tpu.vector_load %arg13[%get3A_1178, %get3A_1179] {strides = array<i32>} : memref<64x64xf32, #tpu.memory_space<vmem>>, vector<1x16xf32>,
          %get3A_1181 = vector.shape_cast %get3A_1180 : vector<1x16xf32> to vector<16xf32>
          %mul3A_1182 = arith.mulf %get3A_1181, %get3A_1165 : vector<16xf32>
          %get3A_1183 = arith.index_cast %add3A_1161 : i32 to index
          %get3A_1184 = arith.constant 16 : index
          %get3A_1185 = tpu.vector_load %arg13[%get3A_1183, %get3A_1184] {strides = array<i32>} : memref<64x64xf32, #tpu.memory_space<vmem>>, vector<1x16xf32>,
          %get3A_1186 = vector.shape_cast %get3A_1185 : vector<1x16xf32> to vector<16xf32>
          %mul3A_1187 = arith.mulf %get3A_1186, %get3A_1169 : vector<16xf32>
          %add3A_1188 = arith.addf %mul3A_1182, %mul3A_1187 : vector<16xf32>
          %get3A_1189 = arith.index_cast %add3A_1161 : i32 to index
          %get3A_1190 = arith.constant 32 : index
          %get3A_1191 = tpu.vector_load %arg13[%get3A_1189, %get3A_1190] {strides = array<i32>} : memref<64x64xf32, #tpu.memory_space<vmem>>, vector<1x16xf32>,
          %get3A_1192 = vector.shape_cast %get3A_1191 : vector<1x16xf32> to vector<16xf32>
          %mul3A_1193 = arith.mulf %get3A_1192, %get3A_1173 : vector<16xf32>
          %add3A_1194 = arith.addf %add3A_1188, %mul3A_1193 : vector<16xf32>
          %get3A_1195 = arith.index_cast %add3A_1161 : i32 to index
          %get3A_1196 = arith.constant 48 : index
          %get3A_1197 = tpu.vector_load %arg13[%get3A_1195, %get3A_1196] {strides = array<i32>} : memref<64x64xf32, #tpu.memory_space<vmem>>, vector<1x16xf32>,
          %get3A_1198 = vector.shape_cast %get3A_1197 : vector<1x16xf32> to vector<16xf32>
          %mul3A_1199 = arith.mulf %get3A_1198, %get3A_1177 : vector<16xf32>
          %add3A_1200 = arith.addf %add3A_1194, %mul3A_1199 : vector<16xf32>
          %gather3A_1201 = vector.shape_cast %broadcast_in_dim3A : vector<16x1xi32> to vector<16xi32>
          %gather3A_1202 = tpu.dynamic_gather %add3A_1200[%gather3A_1201] in [0] : vector<16xf32>, vector<16xi32> -> vector<16xf32>
          %add3A_1203 = arith.addf %add3A_1200, %gather3A_1202 : vector<16xf32>
          %gather3A_1204 = vector.shape_cast %broadcast_in_dim3A_6 : vector<16x1xi32> to vector<16xi32>
          %gather3A_1205 = tpu.dynamic_gather %add3A_1203[%gather3A_1204] in [0] : vector<16xf32>, vector<16xi32> -> vector<16xf32>
          %add3A_1206 = arith.addf %add3A_1203, %gather3A_1205 : vector<16xf32>
          %gather3A_1207 = vector.shape_cast %broadcast_in_dim3A_10 : vector<16x1xi32> to vector<16xi32>
          %gather3A_1208 = tpu.dynamic_gather %add3A_1206[%gather3A_1207] in [0] : vector<16xf32>, vector<16xi32> -> vector<16xf32>
          %add3A_1209 = arith.addf %add3A_1206, %gather3A_1208 : vector<16xf32>
          %gather3A_1210 = vector.shape_cast %broadcast_in_dim3A_14 : vector<16x1xi32> to vector<16xi32>
          %gather3A_1211 = tpu.dynamic_gather %add3A_1209[%gather3A_1210] in [0] : vector<16xf32>, vector<16xi32> -> vector<16xf32>
          %add3A_1212 = arith.addf %add3A_1209, %gather3A_1211 : vector<16xf32>
          %eq3A_1213 = vector.broadcast %scan3A_1158 : i32 to vector<16xi32>
          %eq3A_1214 = arith.cmpi eq, %iota3A, %eq3A_1213 : vector<16xi32>
          %select_n3A_1215 = arith.select %eq3A_1214, %add3A_1212, %select_n3A : vector<16xi1>, vector<16xf32>
          %mul3A_1216 = arith.constant 20 : i32
          %mul3A_1217 = arith.muli %add3A_1161, %mul3A_1216 : i32
          %broadcast_in_dim3A_1218 = arith.constant 0.000000e+00 : f32
          %broadcast_in_dim3A_1219 = vector.broadcast %broadcast_in_dim3A_1218 : f32 to vector<16xf32>
          %broadcast_in_dim3A_1220 = arith.constant 0.000000e+00 : f32
          %broadcast_in_dim3A_1221 = vector.broadcast %broadcast_in_dim3A_1220 : f32 to vector<16xf32>
          %add3A_1222 = arith.constant 0 : i32
          %add3A_1223 = arith.addi %mul3A_1217, %add3A_1222 : i32
          %get3A_1224 = arith.index_cast %add3A_1223 : i32 to index
          %get3A_1225 = arith.constant 0 : index
          %get3A_1226 = tpu.vector_load %arg14[%get3A_1224, %get3A_1225] {strides = array<i32>} : memref<1280x64xf32, #tpu.memory_space<vmem>>, vector<1x16xf32>,
          %get3A_1227 = vector.shape_cast %get3A_1226 : vector<1x16xf32> to vector<16xf32>
          %mul3A_1228 = arith.mulf %get3A_1227, %get3A_1165 : vector<16xf32>
          %get3A_1229 = arith.index_cast %add3A_1223 : i32 to index
          %get3A_1230 = arith.constant 16 : index
          %get3A_1231 = tpu.vector_load %arg14[%get3A_1229, %get3A_1230] {strides = array<i32>} : memref<1280x64xf32, #tpu.memory_space<vmem>>, vector<1x16xf32>,
          %get3A_1232 = vector.shape_cast %get3A_1231 : vector<1x16xf32> to vector<16xf32>
          %mul3A_1233 = arith.mulf %get3A_1232, %get3A_1169 : vector<16xf32>
          %add3A_1234 = arith.addf %mul3A_1228, %mul3A_1233 : vector<16xf32>
          %get3A_1235 = arith.index_cast %add3A_1223 : i32 to index
          %get3A_1236 = arith.constant 32 : index
          %get3A_1237 = tpu.vector_load %arg14[%get3A_1235, %get3A_1236] {strides = array<i32>} : memref<1280x64xf32, #tpu.memory_space<vmem>>, vector<1x16xf32>,
          %get3A_1238 = vector.shape_cast %get3A_1237 : vector<1x16xf32> to vector<16xf32>
          %mul3A_1239 = arith.mulf %get3A_1238, %get3A_1173 : vector<16xf32>
          %add3A_1240 = arith.addf %add3A_1234, %mul3A_1239 : vector<16xf32>
          %get3A_1241 = arith.index_cast %add3A_1223 : i32 to index
          %get3A_1242 = arith.constant 48 : index
          %get3A_1243 = tpu.vector_load %arg14[%get3A_1241, %get3A_1242] {strides = array<i32>} : memref<1280x64xf32, #tpu.memory_space<vmem>>, vector<1x16xf32>,
          %get3A_1244 = vector.shape_cast %get3A_1243 : vector<1x16xf32> to vector<16xf32>
          %mul3A_1245 = arith.mulf %get3A_1244, %get3A_1177 : vector<16xf32>
          %add3A_1246 = arith.addf %add3A_1240, %mul3A_1245 : vector<16xf32>
          %gather3A_1247 = vector.shape_cast %broadcast_in_dim3A : vector<16x1xi32> to vector<16xi32>
          %gather3A_1248 = tpu.dynamic_gather %add3A_1246[%gather3A_1247] in [0] : vector<16xf32>, vector<16xi32> -> vector<16xf32>
          %add3A_1249 = arith.addf %add3A_1246, %gather3A_1248 : vector<16xf32>
          %gather3A_1250 = vector.shape_cast %broadcast_in_dim3A_6 : vector<16x1xi32> to vector<16xi32>
          %gather3A_1251 = tpu.dynamic_gather %add3A_1249[%gather3A_1250] in [0] : vector<16xf32>, vector<16xi32> -> vector<16xf32>
          %add3A_1252 = arith.addf %add3A_1249, %gather3A_1251 : vector<16xf32>
          %gather3A_1253 = vector.shape_cast %broadcast_in_dim3A_10 : vector<16x1xi32> to vector<16xi32>
          %gather3A_1254 = tpu.dynamic_gather %add3A_1252[%gather3A_1253] in [0] : vector<16xf32>, vector<16xi32> -> vector<16xf32>
          %add3A_1255 = arith.addf %add3A_1252, %gather3A_1254 : vector<16xf32>
          %gather3A_1256 = vector.shape_cast %broadcast_in_dim3A_14 : vector<16x1xi32> to vector<16xi32>
          %gather3A_1257 = tpu.dynamic_gather %add3A_1255[%gather3A_1256] in [0] : vector<16xf32>, vector<16xi32> -> vector<16xf32>
          %add3A_1258 = arith.addf %add3A_1255, %gather3A_1257 : vector<16xf32>
          %eq3A_1259 = arith.constant 0 : i32
          %eq3A_1260 = vector.broadcast %eq3A_1259 : i32 to vector<16xi32>
          %eq3A_1261 = arith.cmpi eq, %iota3A, %eq3A_1260 : vector<16xi32>
          %select_n3A_1262 = arith.select %eq3A_1261, %add3A_1258, %broadcast_in_dim3A_1219 : vector<16xi1>, vector<16xf32>
          %add3A_1263 = arith.constant 1 : i32
          %add3A_1264 = arith.addi %mul3A_1217, %add3A_1263 : i32
          %get3A_1265 = arith.index_cast %add3A_1264 : i32 to index
          %get3A_1266 = arith.constant 0 : index
          %get3A_1267 = tpu.vector_load %arg14[%get3A_1265, %get3A_1266] {strides = array<i32>} : memref<1280x64xf32, #tpu.memory_space<vmem>>, vector<1x16xf32>,
          %get3A_1268 = vector.shape_cast %get3A_1267 : vector<1x16xf32> to vector<16xf32>
          %mul3A_1269 = arith.mulf %get3A_1268, %get3A_1165 : vector<16xf32>
          %get3A_1270 = arith.index_cast %add3A_1264 : i32 to index
          %get3A_1271 = arith.constant 16 : index
          %get3A_1272 = tpu.vector_load %arg14[%get3A_1270, %get3A_1271] {strides = array<i32>} : memref<1280x64xf32, #tpu.memory_space<vmem>>, vector<1x16xf32>,
          %get3A_1273 = vector.shape_cast %get3A_1272 : vector<1x16xf32> to vector<16xf32>
          %mul3A_1274 = arith.mulf %get3A_1273, %get3A_1169 : vector<16xf32>
          %add3A_1275 = arith.addf %mul3A_1269, %mul3A_1274 : vector<16xf32>
          %get3A_1276 = arith.index_cast %add3A_1264 : i32 to index
          %get3A_1277 = arith.constant 32 : index
          %get3A_1278 = tpu.vector_load %arg14[%get3A_1276, %get3A_1277] {strides = array<i32>} : memref<1280x64xf32, #tpu.memory_space<vmem>>, vector<1x16xf32>,
          %get3A_1279 = vector.shape_cast %get3A_1278 : vector<1x16xf32> to vector<16xf32>
          %mul3A_1280 = arith.mulf %get3A_1279, %get3A_1173 : vector<16xf32>
          %add3A_1281 = arith.addf %add3A_1275, %mul3A_1280 : vector<16xf32>
          %get3A_1282 = arith.index_cast %add3A_1264 : i32 to index
          %get3A_1283 = arith.constant 48 : index
          %get3A_1284 = tpu.vector_load %arg14[%get3A_1282, %get3A_1283] {strides = array<i32>} : memref<1280x64xf32, #tpu.memory_space<vmem>>, vector<1x16xf32>,
          %get3A_1285 = vector.shape_cast %get3A_1284 : vector<1x16xf32> to vector<16xf32>
          %mul3A_1286 = arith.mulf %get3A_1285, %get3A_1177 : vector<16xf32>
          %add3A_1287 = arith.addf %add3A_1281, %mul3A_1286 : vector<16xf32>
          %gather3A_1288 = vector.shape_cast %broadcast_in_dim3A : vector<16x1xi32> to vector<16xi32>
          %gather3A_1289 = tpu.dynamic_gather %add3A_1287[%gather3A_1288] in [0] : vector<16xf32>, vector<16xi32> -> vector<16xf32>
          %add3A_1290 = arith.addf %add3A_1287, %gather3A_1289 : vector<16xf32>
          %gather3A_1291 = vector.shape_cast %broadcast_in_dim3A_6 : vector<16x1xi32> to vector<16xi32>
          %gather3A_1292 = tpu.dynamic_gather %add3A_1290[%gather3A_1291] in [0] : vector<16xf32>, vector<16xi32> -> vector<16xf32>
          %add3A_1293 = arith.addf %add3A_1290, %gather3A_1292 : vector<16xf32>
          %gather3A_1294 = vector.shape_cast %broadcast_in_dim3A_10 : vector<16x1xi32> to vector<16xi32>
          %gather3A_1295 = tpu.dynamic_gather %add3A_1293[%gather3A_1294] in [0] : vector<16xf32>, vector<16xi32> -> vector<16xf32>
          %add3A_1296 = arith.addf %add3A_1293, %gather3A_1295 : vector<16xf32>
          %gather3A_1297 = vector.shape_cast %broadcast_in_dim3A_14 : vector<16x1xi32> to vector<16xi32>
          %gather3A_1298 = tpu.dynamic_gather %add3A_1296[%gather3A_1297] in [0] : vector<16xf32>, vector<16xi32> -> vector<16xf32>
          %add3A_1299 = arith.addf %add3A_1296, %gather3A_1298 : vector<16xf32>
          %eq3A_1300 = arith.constant 1 : i32
          %eq3A_1301 = vector.broadcast %eq3A_1300 : i32 to vector<16xi32>
          %eq3A_1302 = arith.cmpi eq, %iota3A, %eq3A_1301 : vector<16xi32>
          %select_n3A_1303 = arith.select %eq3A_1302, %add3A_1299, %select_n3A_1262 : vector<16xi1>, vector<16xf32>
          %add3A_1304 = arith.constant 2 : i32
          %add3A_1305 = arith.addi %mul3A_1217, %add3A_1304 : i32
          %get3A_1306 = arith.index_cast %add3A_1305 : i32 to index
          %get3A_1307 = arith.constant 0 : index
          %get3A_1308 = tpu.vector_load %arg14[%get3A_1306, %get3A_1307] {strides = array<i32>} : memref<1280x64xf32, #tpu.memory_space<vmem>>, vector<1x16xf32>,
          %get3A_1309 = vector.shape_cast %get3A_1308 : vector<1x16xf32> to vector<16xf32>
          %mul3A_1310 = arith.mulf %get3A_1309, %get3A_1165 : vector<16xf32>
          %get3A_1311 = arith.index_cast %add3A_1305 : i32 to index
          %get3A_1312 = arith.constant 16 : index
          %get3A_1313 = tpu.vector_load %arg14[%get3A_1311, %get3A_1312] {strides = array<i32>} : memref<1280x64xf32, #tpu.memory_space<vmem>>, vector<1x16xf32>,
          %get3A_1314 = vector.shape_cast %get3A_1313 : vector<1x16xf32> to vector<16xf32>
          %mul3A_1315 = arith.mulf %get3A_1314, %get3A_1169 : vector<16xf32>
          %add3A_1316 = arith.addf %mul3A_1310, %mul3A_1315 : vector<16xf32>
          %get3A_1317 = arith.index_cast %add3A_1305 : i32 to index
          %get3A_1318 = arith.constant 32 : index
          %get3A_1319 = tpu.vector_load %arg14[%get3A_1317, %get3A_1318] {strides = array<i32>} : memref<1280x64xf32, #tpu.memory_space<vmem>>, vector<1x16xf32>,
          %get3A_1320 = vector.shape_cast %get3A_1319 : vector<1x16xf32> to vector<16xf32>
          %mul3A_1321 = arith.mulf %get3A_1320, %get3A_1173 : vector<16xf32>
          %add3A_1322 = arith.addf %add3A_1316, %mul3A_1321 : vector<16xf32>
          %get3A_1323 = arith.index_cast %add3A_1305 : i32 to index
          %get3A_1324 = arith.constant 48 : index
          %get3A_1325 = tpu.vector_load %arg14[%get3A_1323, %get3A_1324] {strides = array<i32>} : memref<1280x64xf32, #tpu.memory_space<vmem>>, vector<1x16xf32>,
          %get3A_1326 = vector.shape_cast %get3A_1325 : vector<1x16xf32> to vector<16xf32>
          %mul3A_1327 = arith.mulf %get3A_1326, %get3A_1177 : vector<16xf32>
          %add3A_1328 = arith.addf %add3A_1322, %mul3A_1327 : vector<16xf32>
          %gather3A_1329 = vector.shape_cast %broadcast_in_dim3A : vector<16x1xi32> to vector<16xi32>
          %gather3A_1330 = tpu.dynamic_gather %add3A_1328[%gather3A_1329] in [0] : vector<16xf32>, vector<16xi32> -> vector<16xf32>
          %add3A_1331 = arith.addf %add3A_1328, %gather3A_1330 : vector<16xf32>
          %gather3A_1332 = vector.shape_cast %broadcast_in_dim3A_6 : vector<16x1xi32> to vector<16xi32>
          %gather3A_1333 = tpu.dynamic_gather %add3A_1331[%gather3A_1332] in [0] : vector<16xf32>, vector<16xi32> -> vector<16xf32>
          %add3A_1334 = arith.addf %add3A_1331, %gather3A_1333 : vector<16xf32>
          %gather3A_1335 = vector.shape_cast %broadcast_in_dim3A_10 : vector<16x1xi32> to vector<16xi32>
          %gather3A_1336 = tpu.dynamic_gather %add3A_1334[%gather3A_1335] in [0] : vector<16xf32>, vector<16xi32> -> vector<16xf32>
          %add3A_1337 = arith.addf %add3A_1334, %gather3A_1336 : vector<16xf32>
          %gather3A_1338 = vector.shape_cast %broadcast_in_dim3A_14 : vector<16x1xi32> to vector<16xi32>
          %gather3A_1339 = tpu.dynamic_gather %add3A_1337[%gather3A_1338] in [0] : vector<16xf32>, vector<16xi32> -> vector<16xf32>
          %add3A_1340 = arith.addf %add3A_1337, %gather3A_1339 : vector<16xf32>
          %eq3A_1341 = arith.constant 2 : i32
          %eq3A_1342 = vector.broadcast %eq3A_1341 : i32 to vector<16xi32>
          %eq3A_1343 = arith.cmpi eq, %iota3A, %eq3A_1342 : vector<16xi32>
          %select_n3A_1344 = arith.select %eq3A_1343, %add3A_1340, %select_n3A_1303 : vector<16xi1>, vector<16xf32>
          %add3A_1345 = arith.constant 3 : i32
          %add3A_1346 = arith.addi %mul3A_1217, %add3A_1345 : i32
          %get3A_1347 = arith.index_cast %add3A_1346 : i32 to index
          %get3A_1348 = arith.constant 0 : index
          %get3A_1349 = tpu.vector_load %arg14[%get3A_1347, %get3A_1348] {strides = array<i32>} : memref<1280x64xf32, #tpu.memory_space<vmem>>, vector<1x16xf32>,
          %get3A_1350 = vector.shape_cast %get3A_1349 : vector<1x16xf32> to vector<16xf32>
          %mul3A_1351 = arith.mulf %get3A_1350, %get3A_1165 : vector<16xf32>
          %get3A_1352 = arith.index_cast %add3A_1346 : i32 to index
          %get3A_1353 = arith.constant 16 : index
          %get3A_1354 = tpu.vector_load %arg14[%get3A_1352, %get3A_1353] {strides = array<i32>} : memref<1280x64xf32, #tpu.memory_space<vmem>>, vector<1x16xf32>,
          %get3A_1355 = vector.shape_cast %get3A_1354 : vector<1x16xf32> to vector<16xf32>
          %mul3A_1356 = arith.mulf %get3A_1355, %get3A_1169 : vector<16xf32>
          %add3A_1357 = arith.addf %mul3A_1351, %mul3A_1356 : vector<16xf32>
          %get3A_1358 = arith.index_cast %add3A_1346 : i32 to index
          %get3A_1359 = arith.constant 32 : index
          %get3A_1360 = tpu.vector_load %arg14[%get3A_1358, %get3A_1359] {strides = array<i32>} : memref<1280x64xf32, #tpu.memory_space<vmem>>, vector<1x16xf32>,
          %get3A_1361 = vector.shape_cast %get3A_1360 : vector<1x16xf32> to vector<16xf32>
          %mul3A_1362 = arith.mulf %get3A_1361, %get3A_1173 : vector<16xf32>
          %add3A_1363 = arith.addf %add3A_1357, %mul3A_1362 : vector<16xf32>
          %get3A_1364 = arith.index_cast %add3A_1346 : i32 to index
          %get3A_1365 = arith.constant 48 : index
          %get3A_1366 = tpu.vector_load %arg14[%get3A_1364, %get3A_1365] {strides = array<i32>} : memref<1280x64xf32, #tpu.memory_space<vmem>>, vector<1x16xf32>,
          %get3A_1367 = vector.shape_cast %get3A_1366 : vector<1x16xf32> to vector<16xf32>
          %mul3A_1368 = arith.mulf %get3A_1367, %get3A_1177 : vector<16xf32>
          %add3A_1369 = arith.addf %add3A_1363, %mul3A_1368 : vector<16xf32>
          %gather3A_1370 = vector.shape_cast %broadcast_in_dim3A : vector<16x1xi32> to vector<16xi32>
          %gather3A_1371 = tpu.dynamic_gather %add3A_1369[%gather3A_1370] in [0] : vector<16xf32>, vector<16xi32> -> vector<16xf32>
          %add3A_1372 = arith.addf %add3A_1369, %gather3A_1371 : vector<16xf32>
          %gather3A_1373 = vector.shape_cast %broadcast_in_dim3A_6 : vector<16x1xi32> to vector<16xi32>
          %gather3A_1374 = tpu.dynamic_gather %add3A_1372[%gather3A_1373] in [0] : vector<16xf32>, vector<16xi32> -> vector<16xf32>
          %add3A_1375 = arith.addf %add3A_1372, %gather3A_1374 : vector<16xf32>
          %gather3A_1376 = vector.shape_cast %broadcast_in_dim3A_10 : vector<16x1xi32> to vector<16xi32>
          %gather3A_1377 = tpu.dynamic_gather %add3A_1375[%gather3A_1376] in [0] : vector<16xf32>, vector<16xi32> -> vector<16xf32>
          %add3A_1378 = arith.addf %add3A_1375, %gather3A_1377 : vector<16xf32>
          %gather3A_1379 = vector.shape_cast %broadcast_in_dim3A_14 : vector<16x1xi32> to vector<16xi32>
          %gather3A_1380 = tpu.dynamic_gather %add3A_1378[%gather3A_1379] in [0] : vector<16xf32>, vector<16xi32> -> vector<16xf32>
          %add3A_1381 = arith.addf %add3A_1378, %gather3A_1380 : vector<16xf32>
          %eq3A_1382 = arith.constant 3 : i32
          %eq3A_1383 = vector.broadcast %eq3A_1382 : i32 to vector<16xi32>
          %eq3A_1384 = arith.cmpi eq, %iota3A, %eq3A_1383 : vector<16xi32>
          %select_n3A_1385 = arith.select %eq3A_1384, %add3A_1381, %select_n3A_1344 : vector<16xi1>, vector<16xf32>
          %add3A_1386 = arith.constant 4 : i32
          %add3A_1387 = arith.addi %mul3A_1217, %add3A_1386 : i32
          %get3A_1388 = arith.index_cast %add3A_1387 : i32 to index
          %get3A_1389 = arith.constant 0 : index
          %get3A_1390 = tpu.vector_load %arg14[%get3A_1388, %get3A_1389] {strides = array<i32>} : memref<1280x64xf32, #tpu.memory_space<vmem>>, vector<1x16xf32>,
          %get3A_1391 = vector.shape_cast %get3A_1390 : vector<1x16xf32> to vector<16xf32>
          %mul3A_1392 = arith.mulf %get3A_1391, %get3A_1165 : vector<16xf32>
          %get3A_1393 = arith.index_cast %add3A_1387 : i32 to index
          %get3A_1394 = arith.constant 16 : index
          %get3A_1395 = tpu.vector_load %arg14[%get3A_1393, %get3A_1394] {strides = array<i32>} : memref<1280x64xf32, #tpu.memory_space<vmem>>, vector<1x16xf32>,
          %get3A_1396 = vector.shape_cast %get3A_1395 : vector<1x16xf32> to vector<16xf32>
          %mul3A_1397 = arith.mulf %get3A_1396, %get3A_1169 : vector<16xf32>
          %add3A_1398 = arith.addf %mul3A_1392, %mul3A_1397 : vector<16xf32>
          %get3A_1399 = arith.index_cast %add3A_1387 : i32 to index
          %get3A_1400 = arith.constant 32 : index
          %get3A_1401 = tpu.vector_load %arg14[%get3A_1399, %get3A_1400] {strides = array<i32>} : memref<1280x64xf32, #tpu.memory_space<vmem>>, vector<1x16xf32>,
          %get3A_1402 = vector.shape_cast %get3A_1401 : vector<1x16xf32> to vector<16xf32>
          %mul3A_1403 = arith.mulf %get3A_1402, %get3A_1173 : vector<16xf32>
          %add3A_1404 = arith.addf %add3A_1398, %mul3A_1403 : vector<16xf32>
          %get3A_1405 = arith.index_cast %add3A_1387 : i32 to index
          %get3A_1406 = arith.constant 48 : index
          %get3A_1407 = tpu.vector_load %arg14[%get3A_1405, %get3A_1406] {strides = array<i32>} : memref<1280x64xf32, #tpu.memory_space<vmem>>, vector<1x16xf32>,
          %get3A_1408 = vector.shape_cast %get3A_1407 : vector<1x16xf32> to vector<16xf32>
          %mul3A_1409 = arith.mulf %get3A_1408, %get3A_1177 : vector<16xf32>
          %add3A_1410 = arith.addf %add3A_1404, %mul3A_1409 : vector<16xf32>
          %gather3A_1411 = vector.shape_cast %broadcast_in_dim3A : vector<16x1xi32> to vector<16xi32>
          %gather3A_1412 = tpu.dynamic_gather %add3A_1410[%gather3A_1411] in [0] : vector<16xf32>, vector<16xi32> -> vector<16xf32>
          %add3A_1413 = arith.addf %add3A_1410, %gather3A_1412 : vector<16xf32>
          %gather3A_1414 = vector.shape_cast %broadcast_in_dim3A_6 : vector<16x1xi32> to vector<16xi32>
          %gather3A_1415 = tpu.dynamic_gather %add3A_1413[%gather3A_1414] in [0] : vector<16xf32>, vector<16xi32> -> vector<16xf32>
          %add3A_1416 = arith.addf %add3A_1413, %gather3A_1415 : vector<16xf32>
          %gather3A_1417 = vector.shape_cast %broadcast_in_dim3A_10 : vector<16x1xi32> to vector<16xi32>
          %gather3A_1418 = tpu.dynamic_gather %add3A_1416[%gather3A_1417] in [0] : vector<16xf32>, vector<16xi32> -> vector<16xf32>
          %add3A_1419 = arith.addf %add3A_1416, %gather3A_1418 : vector<16xf32>
          %gather3A_1420 = vector.shape_cast %broadcast_in_dim3A_14 : vector<16x1xi32> to vector<16xi32>
          %gather3A_1421 = tpu.dynamic_gather %add3A_1419[%gather3A_1420] in [0] : vector<16xf32>, vector<16xi32> -> vector<16xf32>
          %add3A_1422 = arith.addf %add3A_1419, %gather3A_1421 : vector<16xf32>
          %eq3A_1423 = arith.constant 4 : i32
          %eq3A_1424 = vector.broadcast %eq3A_1423 : i32 to vector<16xi32>
          %eq3A_1425 = arith.cmpi eq, %iota3A, %eq3A_1424 : vector<16xi32>
          %select_n3A_1426 = arith.select %eq3A_1425, %add3A_1422, %select_n3A_1385 : vector<16xi1>, vector<16xf32>
          %eq3A_1427 = arith.constant 0 : i32
          %eq3A_1428 = vector.broadcast %eq3A_1427 : i32 to vector<16xi32>
          %eq3A_1429 = arith.cmpi eq, %iota3A, %eq3A_1428 : vector<16xi32>
          %select_n3A_1430 = arith.select %eq3A_1429, %add3A_1422, %broadcast_in_dim3A_1221 : vector<16xi1>, vector<16xf32>
          %add3A_1431 = arith.constant 5 : i32
          %add3A_1432 = arith.addi %mul3A_1217, %add3A_1431 : i32
          %get3A_1433 = arith.index_cast %add3A_1432 : i32 to index
          %get3A_1434 = arith.constant 0 : index
          %get3A_1435 = tpu.vector_load %arg14[%get3A_1433, %get3A_1434] {strides = array<i32>} : memref<1280x64xf32, #tpu.memory_space<vmem>>, vector<1x16xf32>,
          %get3A_1436 = vector.shape_cast %get3A_1435 : vector<1x16xf32> to vector<16xf32>
          %mul3A_1437 = arith.mulf %get3A_1436, %get3A_1165 : vector<16xf32>
          %get3A_1438 = arith.index_cast %add3A_1432 : i32 to index
          %get3A_1439 = arith.constant 16 : index
          %get3A_1440 = tpu.vector_load %arg14[%get3A_1438, %get3A_1439] {strides = array<i32>} : memref<1280x64xf32, #tpu.memory_space<vmem>>, vector<1x16xf32>,
          %get3A_1441 = vector.shape_cast %get3A_1440 : vector<1x16xf32> to vector<16xf32>
          %mul3A_1442 = arith.mulf %get3A_1441, %get3A_1169 : vector<16xf32>
          %add3A_1443 = arith.addf %mul3A_1437, %mul3A_1442 : vector<16xf32>
          %get3A_1444 = arith.index_cast %add3A_1432 : i32 to index
          %get3A_1445 = arith.constant 32 : index
          %get3A_1446 = tpu.vector_load %arg14[%get3A_1444, %get3A_1445] {strides = array<i32>} : memref<1280x64xf32, #tpu.memory_space<vmem>>, vector<1x16xf32>,
          %get3A_1447 = vector.shape_cast %get3A_1446 : vector<1x16xf32> to vector<16xf32>
          %mul3A_1448 = arith.mulf %get3A_1447, %get3A_1173 : vector<16xf32>
          %add3A_1449 = arith.addf %add3A_1443, %mul3A_1448 : vector<16xf32>
          %get3A_1450 = arith.index_cast %add3A_1432 : i32 to index
          %get3A_1451 = arith.constant 48 : index
          %get3A_1452 = tpu.vector_load %arg14[%get3A_1450, %get3A_1451] {strides = array<i32>} : memref<1280x64xf32, #tpu.memory_space<vmem>>, vector<1x16xf32>,
          %get3A_1453 = vector.shape_cast %get3A_1452 : vector<1x16xf32> to vector<16xf32>
          %mul3A_1454 = arith.mulf %get3A_1453, %get3A_1177 : vector<16xf32>
          %add3A_1455 = arith.addf %add3A_1449, %mul3A_1454 : vector<16xf32>
          %gather3A_1456 = vector.shape_cast %broadcast_in_dim3A : vector<16x1xi32> to vector<16xi32>
          %gather3A_1457 = tpu.dynamic_gather %add3A_1455[%gather3A_1456] in [0] : vector<16xf32>, vector<16xi32> -> vector<16xf32>
          %add3A_1458 = arith.addf %add3A_1455, %gather3A_1457 : vector<16xf32>
          %gather3A_1459 = vector.shape_cast %broadcast_in_dim3A_6 : vector<16x1xi32> to vector<16xi32>
          %gather3A_1460 = tpu.dynamic_gather %add3A_1458[%gather3A_1459] in [0] : vector<16xf32>, vector<16xi32> -> vector<16xf32>
          %add3A_1461 = arith.addf %add3A_1458, %gather3A_1460 : vector<16xf32>
          %gather3A_1462 = vector.shape_cast %broadcast_in_dim3A_10 : vector<16x1xi32> to vector<16xi32>
          %gather3A_1463 = tpu.dynamic_gather %add3A_1461[%gather3A_1462] in [0] : vector<16xf32>, vector<16xi32> -> vector<16xf32>
          %add3A_1464 = arith.addf %add3A_1461, %gather3A_1463 : vector<16xf32>
          %gather3A_1465 = vector.shape_cast %broadcast_in_dim3A_14 : vector<16x1xi32> to vector<16xi32>
          %gather3A_1466 = tpu.dynamic_gather %add3A_1464[%gather3A_1465] in [0] : vector<16xf32>, vector<16xi32> -> vector<16xf32>
          %add3A_1467 = arith.addf %add3A_1464, %gather3A_1466 : vector<16xf32>
          %eq3A_1468 = arith.constant 5 : i32
          %eq3A_1469 = vector.broadcast %eq3A_1468 : i32 to vector<16xi32>
          %eq3A_1470 = arith.cmpi eq, %iota3A, %eq3A_1469 : vector<16xi32>
          %select_n3A_1471 = arith.select %eq3A_1470, %add3A_1467, %select_n3A_1426 : vector<16xi1>, vector<16xf32>
          %eq3A_1472 = arith.constant 1 : i32
          %eq3A_1473 = vector.broadcast %eq3A_1472 : i32 to vector<16xi32>
          %eq3A_1474 = arith.cmpi eq, %iota3A, %eq3A_1473 : vector<16xi32>
          %select_n3A_1475 = arith.select %eq3A_1474, %add3A_1467, %select_n3A_1430 : vector<16xi1>, vector<16xf32>
          %add3A_1476 = arith.constant 6 : i32
          %add3A_1477 = arith.addi %mul3A_1217, %add3A_1476 : i32
          %get3A_1478 = arith.index_cast %add3A_1477 : i32 to index
          %get3A_1479 = arith.constant 0 : index
          %get3A_1480 = tpu.vector_load %arg14[%get3A_1478, %get3A_1479] {strides = array<i32>} : memref<1280x64xf32, #tpu.memory_space<vmem>>, vector<1x16xf32>,
          %get3A_1481 = vector.shape_cast %get3A_1480 : vector<1x16xf32> to vector<16xf32>
          %mul3A_1482 = arith.mulf %get3A_1481, %get3A_1165 : vector<16xf32>
          %get3A_1483 = arith.index_cast %add3A_1477 : i32 to index
          %get3A_1484 = arith.constant 16 : index
          %get3A_1485 = tpu.vector_load %arg14[%get3A_1483, %get3A_1484] {strides = array<i32>} : memref<1280x64xf32, #tpu.memory_space<vmem>>, vector<1x16xf32>,
          %get3A_1486 = vector.shape_cast %get3A_1485 : vector<1x16xf32> to vector<16xf32>
          %mul3A_1487 = arith.mulf %get3A_1486, %get3A_1169 : vector<16xf32>
          %add3A_1488 = arith.addf %mul3A_1482, %mul3A_1487 : vector<16xf32>
          %get3A_1489 = arith.index_cast %add3A_1477 : i32 to index
          %get3A_1490 = arith.constant 32 : index
          %get3A_1491 = tpu.vector_load %arg14[%get3A_1489, %get3A_1490] {strides = array<i32>} : memref<1280x64xf32, #tpu.memory_space<vmem>>, vector<1x16xf32>,
          %get3A_1492 = vector.shape_cast %get3A_1491 : vector<1x16xf32> to vector<16xf32>
          %mul3A_1493 = arith.mulf %get3A_1492, %get3A_1173 : vector<16xf32>
          %add3A_1494 = arith.addf %add3A_1488, %mul3A_1493 : vector<16xf32>
          %get3A_1495 = arith.index_cast %add3A_1477 : i32 to index
          %get3A_1496 = arith.constant 48 : index
          %get3A_1497 = tpu.vector_load %arg14[%get3A_1495, %get3A_1496] {strides = array<i32>} : memref<1280x64xf32, #tpu.memory_space<vmem>>, vector<1x16xf32>,
          %get3A_1498 = vector.shape_cast %get3A_1497 : vector<1x16xf32> to vector<16xf32>
          %mul3A_1499 = arith.mulf %get3A_1498, %get3A_1177 : vector<16xf32>
          %add3A_1500 = arith.addf %add3A_1494, %mul3A_1499 : vector<16xf32>
          %gather3A_1501 = vector.shape_cast %broadcast_in_dim3A : vector<16x1xi32> to vector<16xi32>
          %gather3A_1502 = tpu.dynamic_gather %add3A_1500[%gather3A_1501] in [0] : vector<16xf32>, vector<16xi32> -> vector<16xf32>
          %add3A_1503 = arith.addf %add3A_1500, %gather3A_1502 : vector<16xf32>
          %gather3A_1504 = vector.shape_cast %broadcast_in_dim3A_6 : vector<16x1xi32> to vector<16xi32>
          %gather3A_1505 = tpu.dynamic_gather %add3A_1503[%gather3A_1504] in [0] : vector<16xf32>, vector<16xi32> -> vector<16xf32>
          %add3A_1506 = arith.addf %add3A_1503, %gather3A_1505 : vector<16xf32>
          %gather3A_1507 = vector.shape_cast %broadcast_in_dim3A_10 : vector<16x1xi32> to vector<16xi32>
          %gather3A_1508 = tpu.dynamic_gather %add3A_1506[%gather3A_1507] in [0] : vector<16xf32>, vector<16xi32> -> vector<16xf32>
          %add3A_1509 = arith.addf %add3A_1506, %gather3A_1508 : vector<16xf32>
          %gather3A_1510 = vector.shape_cast %broadcast_in_dim3A_14 : vector<16x1xi32> to vector<16xi32>
          %gather3A_1511 = tpu.dynamic_gather %add3A_1509[%gather3A_1510] in [0] : vector<16xf32>, vector<16xi32> -> vector<16xf32>
          %add3A_1512 = arith.addf %add3A_1509, %gather3A_1511 : vector<16xf32>
          %eq3A_1513 = arith.constant 6 : i32
          %eq3A_1514 = vector.broadcast %eq3A_1513 : i32 to vector<16xi32>
          %eq3A_1515 = arith.cmpi eq, %iota3A, %eq3A_1514 : vector<16xi32>
          %select_n3A_1516 = arith.select %eq3A_1515, %add3A_1512, %select_n3A_1471 : vector<16xi1>, vector<16xf32>
          %eq3A_1517 = arith.constant 2 : i32
          %eq3A_1518 = vector.broadcast %eq3A_1517 : i32 to vector<16xi32>
          %eq3A_1519 = arith.cmpi eq, %iota3A, %eq3A_1518 : vector<16xi32>
          %select_n3A_1520 = arith.select %eq3A_1519, %add3A_1512, %select_n3A_1475 : vector<16xi1>, vector<16xf32>
          %add3A_1521 = arith.constant 7 : i32
          %add3A_1522 = arith.addi %mul3A_1217, %add3A_1521 : i32
          %get3A_1523 = arith.index_cast %add3A_1522 : i32 to index
          %get3A_1524 = arith.constant 0 : index
          %get3A_1525 = tpu.vector_load %arg14[%get3A_1523, %get3A_1524] {strides = array<i32>} : memref<1280x64xf32, #tpu.memory_space<vmem>>, vector<1x16xf32>,
          %get3A_1526 = vector.shape_cast %get3A_1525 : vector<1x16xf32> to vector<16xf32>
          %mul3A_1527 = arith.mulf %get3A_1526, %get3A_1165 : vector<16xf32>
          %get3A_1528 = arith.index_cast %add3A_1522 : i32 to index
          %get3A_1529 = arith.constant 16 : index
          %get3A_1530 = tpu.vector_load %arg14[%get3A_1528, %get3A_1529] {strides = array<i32>} : memref<1280x64xf32, #tpu.memory_space<vmem>>, vector<1x16xf32>,
          %get3A_1531 = vector.shape_cast %get3A_1530 : vector<1x16xf32> to vector<16xf32>
          %mul3A_1532 = arith.mulf %get3A_1531, %get3A_1169 : vector<16xf32>
          %add3A_1533 = arith.addf %mul3A_1527, %mul3A_1532 : vector<16xf32>
          %get3A_1534 = arith.index_cast %add3A_1522 : i32 to index
          %get3A_1535 = arith.constant 32 : index
          %get3A_1536 = tpu.vector_load %arg14[%get3A_1534, %get3A_1535] {strides = array<i32>} : memref<1280x64xf32, #tpu.memory_space<vmem>>, vector<1x16xf32>,
          %get3A_1537 = vector.shape_cast %get3A_1536 : vector<1x16xf32> to vector<16xf32>
          %mul3A_1538 = arith.mulf %get3A_1537, %get3A_1173 : vector<16xf32>
          %add3A_1539 = arith.addf %add3A_1533, %mul3A_1538 : vector<16xf32>
          %get3A_1540 = arith.index_cast %add3A_1522 : i32 to index
          %get3A_1541 = arith.constant 48 : index
          %get3A_1542 = tpu.vector_load %arg14[%get3A_1540, %get3A_1541] {strides = array<i32>} : memref<1280x64xf32, #tpu.memory_space<vmem>>, vector<1x16xf32>,
          %get3A_1543 = vector.shape_cast %get3A_1542 : vector<1x16xf32> to vector<16xf32>
          %mul3A_1544 = arith.mulf %get3A_1543, %get3A_1177 : vector<16xf32>
          %add3A_1545 = arith.addf %add3A_1539, %mul3A_1544 : vector<16xf32>
          %gather3A_1546 = vector.shape_cast %broadcast_in_dim3A : vector<16x1xi32> to vector<16xi32>
          %gather3A_1547 = tpu.dynamic_gather %add3A_1545[%gather3A_1546] in [0] : vector<16xf32>, vector<16xi32> -> vector<16xf32>
          %add3A_1548 = arith.addf %add3A_1545, %gather3A_1547 : vector<16xf32>
          %gather3A_1549 = vector.shape_cast %broadcast_in_dim3A_6 : vector<16x1xi32> to vector<16xi32>
          %gather3A_1550 = tpu.dynamic_gather %add3A_1548[%gather3A_1549] in [0] : vector<16xf32>, vector<16xi32> -> vector<16xf32>
          %add3A_1551 = arith.addf %add3A_1548, %gather3A_1550 : vector<16xf32>
          %gather3A_1552 = vector.shape_cast %broadcast_in_dim3A_10 : vector<16x1xi32> to vector<16xi32>
          %gather3A_1553 = tpu.dynamic_gather %add3A_1551[%gather3A_1552] in [0] : vector<16xf32>, vector<16xi32> -> vector<16xf32>
          %add3A_1554 = arith.addf %add3A_1551, %gather3A_1553 : vector<16xf32>
          %gather3A_1555 = vector.shape_cast %broadcast_in_dim3A_14 : vector<16x1xi32> to vector<16xi32>
          %gather3A_1556 = tpu.dynamic_gather %add3A_1554[%gather3A_1555] in [0] : vector<16xf32>, vector<16xi32> -> vector<16xf32>
          %add3A_1557 = arith.addf %add3A_1554, %gather3A_1556 : vector<16xf32>
          %eq3A_1558 = arith.constant 7 : i32
          %eq3A_1559 = vector.broadcast %eq3A_1558 : i32 to vector<16xi32>
          %eq3A_1560 = arith.cmpi eq, %iota3A, %eq3A_1559 : vector<16xi32>
          %select_n3A_1561 = arith.select %eq3A_1560, %add3A_1557, %select_n3A_1516 : vector<16xi1>, vector<16xf32>
          %eq3A_1562 = arith.constant 3 : i32
          %eq3A_1563 = vector.broadcast %eq3A_1562 : i32 to vector<16xi32>
          %eq3A_1564 = arith.cmpi eq, %iota3A, %eq3A_1563 : vector<16xi32>
          %select_n3A_1565 = arith.select %eq3A_1564, %add3A_1557, %select_n3A_1520 : vector<16xi1>, vector<16xf32>
          %add3A_1566 = arith.constant 8 : i32
          %add3A_1567 = arith.addi %mul3A_1217, %add3A_1566 : i32
          %get3A_1568 = arith.index_cast %add3A_1567 : i32 to index
          %get3A_1569 = arith.constant 0 : index
          %get3A_1570 = tpu.vector_load %arg14[%get3A_1568, %get3A_1569] {strides = array<i32>} : memref<1280x64xf32, #tpu.memory_space<vmem>>, vector<1x16xf32>,
          %get3A_1571 = vector.shape_cast %get3A_1570 : vector<1x16xf32> to vector<16xf32>
          %mul3A_1572 = arith.mulf %get3A_1571, %get3A_1165 : vector<16xf32>
          %get3A_1573 = arith.index_cast %add3A_1567 : i32 to index
          %get3A_1574 = arith.constant 16 : index
          %get3A_1575 = tpu.vector_load %arg14[%get3A_1573, %get3A_1574] {strides = array<i32>} : memref<1280x64xf32, #tpu.memory_space<vmem>>, vector<1x16xf32>,
          %get3A_1576 = vector.shape_cast %get3A_1575 : vector<1x16xf32> to vector<16xf32>
          %mul3A_1577 = arith.mulf %get3A_1576, %get3A_1169 : vector<16xf32>
          %add3A_1578 = arith.addf %mul3A_1572, %mul3A_1577 : vector<16xf32>
          %get3A_1579 = arith.index_cast %add3A_1567 : i32 to index
          %get3A_1580 = arith.constant 32 : index
          %get3A_1581 = tpu.vector_load %arg14[%get3A_1579, %get3A_1580] {strides = array<i32>} : memref<1280x64xf32, #tpu.memory_space<vmem>>, vector<1x16xf32>,
          %get3A_1582 = vector.shape_cast %get3A_1581 : vector<1x16xf32> to vector<16xf32>
          %mul3A_1583 = arith.mulf %get3A_1582, %get3A_1173 : vector<16xf32>
          %add3A_1584 = arith.addf %add3A_1578, %mul3A_1583 : vector<16xf32>
          %get3A_1585 = arith.index_cast %add3A_1567 : i32 to index
          %get3A_1586 = arith.constant 48 : index
          %get3A_1587 = tpu.vector_load %arg14[%get3A_1585, %get3A_1586] {strides = array<i32>} : memref<1280x64xf32, #tpu.memory_space<vmem>>, vector<1x16xf32>,
          %get3A_1588 = vector.shape_cast %get3A_1587 : vector<1x16xf32> to vector<16xf32>
          %mul3A_1589 = arith.mulf %get3A_1588, %get3A_1177 : vector<16xf32>
          %add3A_1590 = arith.addf %add3A_1584, %mul3A_1589 : vector<16xf32>
          %gather3A_1591 = vector.shape_cast %broadcast_in_dim3A : vector<16x1xi32> to vector<16xi32>
          %gather3A_1592 = tpu.dynamic_gather %add3A_1590[%gather3A_1591] in [0] : vector<16xf32>, vector<16xi32> -> vector<16xf32>
          %add3A_1593 = arith.addf %add3A_1590, %gather3A_1592 : vector<16xf32>
          %gather3A_1594 = vector.shape_cast %broadcast_in_dim3A_6 : vector<16x1xi32> to vector<16xi32>
          %gather3A_1595 = tpu.dynamic_gather %add3A_1593[%gather3A_1594] in [0] : vector<16xf32>, vector<16xi32> -> vector<16xf32>
          %add3A_1596 = arith.addf %add3A_1593, %gather3A_1595 : vector<16xf32>
          %gather3A_1597 = vector.shape_cast %broadcast_in_dim3A_10 : vector<16x1xi32> to vector<16xi32>
          %gather3A_1598 = tpu.dynamic_gather %add3A_1596[%gather3A_1597] in [0] : vector<16xf32>, vector<16xi32> -> vector<16xf32>
          %add3A_1599 = arith.addf %add3A_1596, %gather3A_1598 : vector<16xf32>
          %gather3A_1600 = vector.shape_cast %broadcast_in_dim3A_14 : vector<16x1xi32> to vector<16xi32>
          %gather3A_1601 = tpu.dynamic_gather %add3A_1599[%gather3A_1600] in [0] : vector<16xf32>, vector<16xi32> -> vector<16xf32>
          %add3A_1602 = arith.addf %add3A_1599, %gather3A_1601 : vector<16xf32>
          %eq3A_1603 = arith.constant 8 : i32
          %eq3A_1604 = vector.broadcast %eq3A_1603 : i32 to vector<16xi32>
          %eq3A_1605 = arith.cmpi eq, %iota3A, %eq3A_1604 : vector<16xi32>
          %select_n3A_1606 = arith.select %eq3A_1605, %add3A_1602, %select_n3A_1561 : vector<16xi1>, vector<16xf32>
          %eq3A_1607 = arith.constant 4 : i32
          %eq3A_1608 = vector.broadcast %eq3A_1607 : i32 to vector<16xi32>
          %eq3A_1609 = arith.cmpi eq, %iota3A, %eq3A_1608 : vector<16xi32>
          %select_n3A_1610 = arith.select %eq3A_1609, %add3A_1602, %select_n3A_1565 : vector<16xi1>, vector<16xf32>
          %add3A_1611 = arith.constant 9 : i32
          %add3A_1612 = arith.addi %mul3A_1217, %add3A_1611 : i32
          %get3A_1613 = arith.index_cast %add3A_1612 : i32 to index
          %get3A_1614 = arith.constant 0 : index
          %get3A_1615 = tpu.vector_load %arg14[%get3A_1613, %get3A_1614] {strides = array<i32>} : memref<1280x64xf32, #tpu.memory_space<vmem>>, vector<1x16xf32>,
          %get3A_1616 = vector.shape_cast %get3A_1615 : vector<1x16xf32> to vector<16xf32>
          %mul3A_1617 = arith.mulf %get3A_1616, %get3A_1165 : vector<16xf32>
          %get3A_1618 = arith.index_cast %add3A_1612 : i32 to index
          %get3A_1619 = arith.constant 16 : index
          %get3A_1620 = tpu.vector_load %arg14[%get3A_1618, %get3A_1619] {strides = array<i32>} : memref<1280x64xf32, #tpu.memory_space<vmem>>, vector<1x16xf32>,
          %get3A_1621 = vector.shape_cast %get3A_1620 : vector<1x16xf32> to vector<16xf32>
          %mul3A_1622 = arith.mulf %get3A_1621, %get3A_1169 : vector<16xf32>
          %add3A_1623 = arith.addf %mul3A_1617, %mul3A_1622 : vector<16xf32>
          %get3A_1624 = arith.index_cast %add3A_1612 : i32 to index
          %get3A_1625 = arith.constant 32 : index
          %get3A_1626 = tpu.vector_load %arg14[%get3A_1624, %get3A_1625] {strides = array<i32>} : memref<1280x64xf32, #tpu.memory_space<vmem>>, vector<1x16xf32>,
          %get3A_1627 = vector.shape_cast %get3A_1626 : vector<1x16xf32> to vector<16xf32>
          %mul3A_1628 = arith.mulf %get3A_1627, %get3A_1173 : vector<16xf32>
          %add3A_1629 = arith.addf %add3A_1623, %mul3A_1628 : vector<16xf32>
          %get3A_1630 = arith.index_cast %add3A_1612 : i32 to index
          %get3A_1631 = arith.constant 48 : index
          %get3A_1632 = tpu.vector_load %arg14[%get3A_1630, %get3A_1631] {strides = array<i32>} : memref<1280x64xf32, #tpu.memory_space<vmem>>, vector<1x16xf32>,
          %get3A_1633 = vector.shape_cast %get3A_1632 : vector<1x16xf32> to vector<16xf32>
          %mul3A_1634 = arith.mulf %get3A_1633, %get3A_1177 : vector<16xf32>
          %add3A_1635 = arith.addf %add3A_1629, %mul3A_1634 : vector<16xf32>
          %gather3A_1636 = vector.shape_cast %broadcast_in_dim3A : vector<16x1xi32> to vector<16xi32>
          %gather3A_1637 = tpu.dynamic_gather %add3A_1635[%gather3A_1636] in [0] : vector<16xf32>, vector<16xi32> -> vector<16xf32>
          %add3A_1638 = arith.addf %add3A_1635, %gather3A_1637 : vector<16xf32>
          %gather3A_1639 = vector.shape_cast %broadcast_in_dim3A_6 : vector<16x1xi32> to vector<16xi32>
          %gather3A_1640 = tpu.dynamic_gather %add3A_1638[%gather3A_1639] in [0] : vector<16xf32>, vector<16xi32> -> vector<16xf32>
          %add3A_1641 = arith.addf %add3A_1638, %gather3A_1640 : vector<16xf32>
          %gather3A_1642 = vector.shape_cast %broadcast_in_dim3A_10 : vector<16x1xi32> to vector<16xi32>
          %gather3A_1643 = tpu.dynamic_gather %add3A_1641[%gather3A_1642] in [0] : vector<16xf32>, vector<16xi32> -> vector<16xf32>
          %add3A_1644 = arith.addf %add3A_1641, %gather3A_1643 : vector<16xf32>
          %gather3A_1645 = vector.shape_cast %broadcast_in_dim3A_14 : vector<16x1xi32> to vector<16xi32>
          %gather3A_1646 = tpu.dynamic_gather %add3A_1644[%gather3A_1645] in [0] : vector<16xf32>, vector<16xi32> -> vector<16xf32>
          %add3A_1647 = arith.addf %add3A_1644, %gather3A_1646 : vector<16xf32>
          %eq3A_1648 = arith.constant 9 : i32
          %eq3A_1649 = vector.broadcast %eq3A_1648 : i32 to vector<16xi32>
          %eq3A_1650 = arith.cmpi eq, %iota3A, %eq3A_1649 : vector<16xi32>
          %select_n3A_1651 = arith.select %eq3A_1650, %add3A_1647, %select_n3A_1606 : vector<16xi1>, vector<16xf32>
          %eq3A_1652 = arith.constant 5 : i32
          %eq3A_1653 = vector.broadcast %eq3A_1652 : i32 to vector<16xi32>
          %eq3A_1654 = arith.cmpi eq, %iota3A, %eq3A_1653 : vector<16xi32>
          %select_n3A_1655 = arith.select %eq3A_1654, %add3A_1647, %select_n3A_1610 : vector<16xi1>, vector<16xf32>
          %add3A_1656 = arith.constant 10 : i32
          %add3A_1657 = arith.addi %mul3A_1217, %add3A_1656 : i32
          %get3A_1658 = arith.index_cast %add3A_1657 : i32 to index
          %get3A_1659 = arith.constant 0 : index
          %get3A_1660 = tpu.vector_load %arg14[%get3A_1658, %get3A_1659] {strides = array<i32>} : memref<1280x64xf32, #tpu.memory_space<vmem>>, vector<1x16xf32>,
          %get3A_1661 = vector.shape_cast %get3A_1660 : vector<1x16xf32> to vector<16xf32>
          %mul3A_1662 = arith.mulf %get3A_1661, %get3A_1165 : vector<16xf32>
          %get3A_1663 = arith.index_cast %add3A_1657 : i32 to index
          %get3A_1664 = arith.constant 16 : index
          %get3A_1665 = tpu.vector_load %arg14[%get3A_1663, %get3A_1664] {strides = array<i32>} : memref<1280x64xf32, #tpu.memory_space<vmem>>, vector<1x16xf32>,
          %get3A_1666 = vector.shape_cast %get3A_1665 : vector<1x16xf32> to vector<16xf32>
          %mul3A_1667 = arith.mulf %get3A_1666, %get3A_1169 : vector<16xf32>
          %add3A_1668 = arith.addf %mul3A_1662, %mul3A_1667 : vector<16xf32>
          %get3A_1669 = arith.index_cast %add3A_1657 : i32 to index
          %get3A_1670 = arith.constant 32 : index
          %get3A_1671 = tpu.vector_load %arg14[%get3A_1669, %get3A_1670] {strides = array<i32>} : memref<1280x64xf32, #tpu.memory_space<vmem>>, vector<1x16xf32>,
          %get3A_1672 = vector.shape_cast %get3A_1671 : vector<1x16xf32> to vector<16xf32>
          %mul3A_1673 = arith.mulf %get3A_1672, %get3A_1173 : vector<16xf32>
          %add3A_1674 = arith.addf %add3A_1668, %mul3A_1673 : vector<16xf32>
          %get3A_1675 = arith.index_cast %add3A_1657 : i32 to index
          %get3A_1676 = arith.constant 48 : index
          %get3A_1677 = tpu.vector_load %arg14[%get3A_1675, %get3A_1676] {strides = array<i32>} : memref<1280x64xf32, #tpu.memory_space<vmem>>, vector<1x16xf32>,
          %get3A_1678 = vector.shape_cast %get3A_1677 : vector<1x16xf32> to vector<16xf32>
          %mul3A_1679 = arith.mulf %get3A_1678, %get3A_1177 : vector<16xf32>
          %add3A_1680 = arith.addf %add3A_1674, %mul3A_1679 : vector<16xf32>
          %gather3A_1681 = vector.shape_cast %broadcast_in_dim3A : vector<16x1xi32> to vector<16xi32>
          %gather3A_1682 = tpu.dynamic_gather %add3A_1680[%gather3A_1681] in [0] : vector<16xf32>, vector<16xi32> -> vector<16xf32>
          %add3A_1683 = arith.addf %add3A_1680, %gather3A_1682 : vector<16xf32>
          %gather3A_1684 = vector.shape_cast %broadcast_in_dim3A_6 : vector<16x1xi32> to vector<16xi32>
          %gather3A_1685 = tpu.dynamic_gather %add3A_1683[%gather3A_1684] in [0] : vector<16xf32>, vector<16xi32> -> vector<16xf32>
          %add3A_1686 = arith.addf %add3A_1683, %gather3A_1685 : vector<16xf32>
          %gather3A_1687 = vector.shape_cast %broadcast_in_dim3A_10 : vector<16x1xi32> to vector<16xi32>
          %gather3A_1688 = tpu.dynamic_gather %add3A_1686[%gather3A_1687] in [0] : vector<16xf32>, vector<16xi32> -> vector<16xf32>
          %add3A_1689 = arith.addf %add3A_1686, %gather3A_1688 : vector<16xf32>
          %gather3A_1690 = vector.shape_cast %broadcast_in_dim3A_14 : vector<16x1xi32> to vector<16xi32>
          %gather3A_1691 = tpu.dynamic_gather %add3A_1689[%gather3A_1690] in [0] : vector<16xf32>, vector<16xi32> -> vector<16xf32>
          %add3A_1692 = arith.addf %add3A_1689, %gather3A_1691 : vector<16xf32>
          %eq3A_1693 = arith.constant 10 : i32
          %eq3A_1694 = vector.broadcast %eq3A_1693 : i32 to vector<16xi32>
          %eq3A_1695 = arith.cmpi eq, %iota3A, %eq3A_1694 : vector<16xi32>
          %select_n3A_1696 = arith.select %eq3A_1695, %add3A_1692, %select_n3A_1651 : vector<16xi1>, vector<16xf32>
          %eq3A_1697 = arith.constant 6 : i32
          %eq3A_1698 = vector.broadcast %eq3A_1697 : i32 to vector<16xi32>
          %eq3A_1699 = arith.cmpi eq, %iota3A, %eq3A_1698 : vector<16xi32>
          %select_n3A_1700 = arith.select %eq3A_1699, %add3A_1692, %select_n3A_1655 : vector<16xi1>, vector<16xf32>
          %add3A_1701 = arith.constant 11 : i32
          %add3A_1702 = arith.addi %mul3A_1217, %add3A_1701 : i32
          %get3A_1703 = arith.index_cast %add3A_1702 : i32 to index
          %get3A_1704 = arith.constant 0 : index
          %get3A_1705 = tpu.vector_load %arg14[%get3A_1703, %get3A_1704] {strides = array<i32>} : memref<1280x64xf32, #tpu.memory_space<vmem>>, vector<1x16xf32>,
          %get3A_1706 = vector.shape_cast %get3A_1705 : vector<1x16xf32> to vector<16xf32>
          %mul3A_1707 = arith.mulf %get3A_1706, %get3A_1165 : vector<16xf32>
          %get3A_1708 = arith.index_cast %add3A_1702 : i32 to index
          %get3A_1709 = arith.constant 16 : index
          %get3A_1710 = tpu.vector_load %arg14[%get3A_1708, %get3A_1709] {strides = array<i32>} : memref<1280x64xf32, #tpu.memory_space<vmem>>, vector<1x16xf32>,
          %get3A_1711 = vector.shape_cast %get3A_1710 : vector<1x16xf32> to vector<16xf32>
          %mul3A_1712 = arith.mulf %get3A_1711, %get3A_1169 : vector<16xf32>
          %add3A_1713 = arith.addf %mul3A_1707, %mul3A_1712 : vector<16xf32>
          %get3A_1714 = arith.index_cast %add3A_1702 : i32 to index
          %get3A_1715 = arith.constant 32 : index
          %get3A_1716 = tpu.vector_load %arg14[%get3A_1714, %get3A_1715] {strides = array<i32>} : memref<1280x64xf32, #tpu.memory_space<vmem>>, vector<1x16xf32>,
          %get3A_1717 = vector.shape_cast %get3A_1716 : vector<1x16xf32> to vector<16xf32>
          %mul3A_1718 = arith.mulf %get3A_1717, %get3A_1173 : vector<16xf32>
          %add3A_1719 = arith.addf %add3A_1713, %mul3A_1718 : vector<16xf32>
          %get3A_1720 = arith.index_cast %add3A_1702 : i32 to index
          %get3A_1721 = arith.constant 48 : index
          %get3A_1722 = tpu.vector_load %arg14[%get3A_1720, %get3A_1721] {strides = array<i32>} : memref<1280x64xf32, #tpu.memory_space<vmem>>, vector<1x16xf32>,
          %get3A_1723 = vector.shape_cast %get3A_1722 : vector<1x16xf32> to vector<16xf32>
          %mul3A_1724 = arith.mulf %get3A_1723, %get3A_1177 : vector<16xf32>
          %add3A_1725 = arith.addf %add3A_1719, %mul3A_1724 : vector<16xf32>
          %gather3A_1726 = vector.shape_cast %broadcast_in_dim3A : vector<16x1xi32> to vector<16xi32>
          %gather3A_1727 = tpu.dynamic_gather %add3A_1725[%gather3A_1726] in [0] : vector<16xf32>, vector<16xi32> -> vector<16xf32>
          %add3A_1728 = arith.addf %add3A_1725, %gather3A_1727 : vector<16xf32>
          %gather3A_1729 = vector.shape_cast %broadcast_in_dim3A_6 : vector<16x1xi32> to vector<16xi32>
          %gather3A_1730 = tpu.dynamic_gather %add3A_1728[%gather3A_1729] in [0] : vector<16xf32>, vector<16xi32> -> vector<16xf32>
          %add3A_1731 = arith.addf %add3A_1728, %gather3A_1730 : vector<16xf32>
          %gather3A_1732 = vector.shape_cast %broadcast_in_dim3A_10 : vector<16x1xi32> to vector<16xi32>
          %gather3A_1733 = tpu.dynamic_gather %add3A_1731[%gather3A_1732] in [0] : vector<16xf32>, vector<16xi32> -> vector<16xf32>
          %add3A_1734 = arith.addf %add3A_1731, %gather3A_1733 : vector<16xf32>
          %gather3A_1735 = vector.shape_cast %broadcast_in_dim3A_14 : vector<16x1xi32> to vector<16xi32>
          %gather3A_1736 = tpu.dynamic_gather %add3A_1734[%gather3A_1735] in [0] : vector<16xf32>, vector<16xi32> -> vector<16xf32>
          %add3A_1737 = arith.addf %add3A_1734, %gather3A_1736 : vector<16xf32>
          %eq3A_1738 = arith.constant 11 : i32
          %eq3A_1739 = vector.broadcast %eq3A_1738 : i32 to vector<16xi32>
          %eq3A_1740 = arith.cmpi eq, %iota3A, %eq3A_1739 : vector<16xi32>
          %select_n3A_1741 = arith.select %eq3A_1740, %add3A_1737, %select_n3A_1696 : vector<16xi1>, vector<16xf32>
          %eq3A_1742 = arith.constant 7 : i32
          %eq3A_1743 = vector.broadcast %eq3A_1742 : i32 to vector<16xi32>
          %eq3A_1744 = arith.cmpi eq, %iota3A, %eq3A_1743 : vector<16xi32>
          %select_n3A_1745 = arith.select %eq3A_1744, %add3A_1737, %select_n3A_1700 : vector<16xi1>, vector<16xf32>
          %add3A_1746 = arith.constant 12 : i32
          %add3A_1747 = arith.addi %mul3A_1217, %add3A_1746 : i32
          %get3A_1748 = arith.index_cast %add3A_1747 : i32 to index
          %get3A_1749 = arith.constant 0 : index
          %get3A_1750 = tpu.vector_load %arg14[%get3A_1748, %get3A_1749] {strides = array<i32>} : memref<1280x64xf32, #tpu.memory_space<vmem>>, vector<1x16xf32>,
          %get3A_1751 = vector.shape_cast %get3A_1750 : vector<1x16xf32> to vector<16xf32>
          %mul3A_1752 = arith.mulf %get3A_1751, %get3A_1165 : vector<16xf32>
          %get3A_1753 = arith.index_cast %add3A_1747 : i32 to index
          %get3A_1754 = arith.constant 16 : index
          %get3A_1755 = tpu.vector_load %arg14[%get3A_1753, %get3A_1754] {strides = array<i32>} : memref<1280x64xf32, #tpu.memory_space<vmem>>, vector<1x16xf32>,
          %get3A_1756 = vector.shape_cast %get3A_1755 : vector<1x16xf32> to vector<16xf32>
          %mul3A_1757 = arith.mulf %get3A_1756, %get3A_1169 : vector<16xf32>
          %add3A_1758 = arith.addf %mul3A_1752, %mul3A_1757 : vector<16xf32>
          %get3A_1759 = arith.index_cast %add3A_1747 : i32 to index
          %get3A_1760 = arith.constant 32 : index
          %get3A_1761 = tpu.vector_load %arg14[%get3A_1759, %get3A_1760] {strides = array<i32>} : memref<1280x64xf32, #tpu.memory_space<vmem>>, vector<1x16xf32>,
          %get3A_1762 = vector.shape_cast %get3A_1761 : vector<1x16xf32> to vector<16xf32>
          %mul3A_1763 = arith.mulf %get3A_1762, %get3A_1173 : vector<16xf32>
          %add3A_1764 = arith.addf %add3A_1758, %mul3A_1763 : vector<16xf32>
          %get3A_1765 = arith.index_cast %add3A_1747 : i32 to index
          %get3A_1766 = arith.constant 48 : index
          %get3A_1767 = tpu.vector_load %arg14[%get3A_1765, %get3A_1766] {strides = array<i32>} : memref<1280x64xf32, #tpu.memory_space<vmem>>, vector<1x16xf32>,
          %get3A_1768 = vector.shape_cast %get3A_1767 : vector<1x16xf32> to vector<16xf32>
          %mul3A_1769 = arith.mulf %get3A_1768, %get3A_1177 : vector<16xf32>
          %add3A_1770 = arith.addf %add3A_1764, %mul3A_1769 : vector<16xf32>
          %gather3A_1771 = vector.shape_cast %broadcast_in_dim3A : vector<16x1xi32> to vector<16xi32>
          %gather3A_1772 = tpu.dynamic_gather %add3A_1770[%gather3A_1771] in [0] : vector<16xf32>, vector<16xi32> -> vector<16xf32>
          %add3A_1773 = arith.addf %add3A_1770, %gather3A_1772 : vector<16xf32>
          %gather3A_1774 = vector.shape_cast %broadcast_in_dim3A_6 : vector<16x1xi32> to vector<16xi32>
          %gather3A_1775 = tpu.dynamic_gather %add3A_1773[%gather3A_1774] in [0] : vector<16xf32>, vector<16xi32> -> vector<16xf32>
          %add3A_1776 = arith.addf %add3A_1773, %gather3A_1775 : vector<16xf32>
          %gather3A_1777 = vector.shape_cast %broadcast_in_dim3A_10 : vector<16x1xi32> to vector<16xi32>
          %gather3A_1778 = tpu.dynamic_gather %add3A_1776[%gather3A_1777] in [0] : vector<16xf32>, vector<16xi32> -> vector<16xf32>
          %add3A_1779 = arith.addf %add3A_1776, %gather3A_1778 : vector<16xf32>
          %gather3A_1780 = vector.shape_cast %broadcast_in_dim3A_14 : vector<16x1xi32> to vector<16xi32>
          %gather3A_1781 = tpu.dynamic_gather %add3A_1779[%gather3A_1780] in [0] : vector<16xf32>, vector<16xi32> -> vector<16xf32>
          %add3A_1782 = arith.addf %add3A_1779, %gather3A_1781 : vector<16xf32>
          %eq3A_1783 = arith.constant 12 : i32
          %eq3A_1784 = vector.broadcast %eq3A_1783 : i32 to vector<16xi32>
          %eq3A_1785 = arith.cmpi eq, %iota3A, %eq3A_1784 : vector<16xi32>
          %select_n3A_1786 = arith.select %eq3A_1785, %add3A_1782, %select_n3A_1741 : vector<16xi1>, vector<16xf32>
          %eq3A_1787 = arith.constant 8 : i32
          %eq3A_1788 = vector.broadcast %eq3A_1787 : i32 to vector<16xi32>
          %eq3A_1789 = arith.cmpi eq, %iota3A, %eq3A_1788 : vector<16xi32>
          %select_n3A_1790 = arith.select %eq3A_1789, %add3A_1782, %select_n3A_1745 : vector<16xi1>, vector<16xf32>
          %add3A_1791 = arith.constant 13 : i32
          %add3A_1792 = arith.addi %mul3A_1217, %add3A_1791 : i32
          %get3A_1793 = arith.index_cast %add3A_1792 : i32 to index
          %get3A_1794 = arith.constant 0 : index
          %get3A_1795 = tpu.vector_load %arg14[%get3A_1793, %get3A_1794] {strides = array<i32>} : memref<1280x64xf32, #tpu.memory_space<vmem>>, vector<1x16xf32>,
          %get3A_1796 = vector.shape_cast %get3A_1795 : vector<1x16xf32> to vector<16xf32>
          %mul3A_1797 = arith.mulf %get3A_1796, %get3A_1165 : vector<16xf32>
          %get3A_1798 = arith.index_cast %add3A_1792 : i32 to index
          %get3A_1799 = arith.constant 16 : index
          %get3A_1800 = tpu.vector_load %arg14[%get3A_1798, %get3A_1799] {strides = array<i32>} : memref<1280x64xf32, #tpu.memory_space<vmem>>, vector<1x16xf32>,
          %get3A_1801 = vector.shape_cast %get3A_1800 : vector<1x16xf32> to vector<16xf32>
          %mul3A_1802 = arith.mulf %get3A_1801, %get3A_1169 : vector<16xf32>
          %add3A_1803 = arith.addf %mul3A_1797, %mul3A_1802 : vector<16xf32>
          %get3A_1804 = arith.index_cast %add3A_1792 : i32 to index
          %get3A_1805 = arith.constant 32 : index
          %get3A_1806 = tpu.vector_load %arg14[%get3A_1804, %get3A_1805] {strides = array<i32>} : memref<1280x64xf32, #tpu.memory_space<vmem>>, vector<1x16xf32>,
          %get3A_1807 = vector.shape_cast %get3A_1806 : vector<1x16xf32> to vector<16xf32>
          %mul3A_1808 = arith.mulf %get3A_1807, %get3A_1173 : vector<16xf32>
          %add3A_1809 = arith.addf %add3A_1803, %mul3A_1808 : vector<16xf32>
          %get3A_1810 = arith.index_cast %add3A_1792 : i32 to index
          %get3A_1811 = arith.constant 48 : index
          %get3A_1812 = tpu.vector_load %arg14[%get3A_1810, %get3A_1811] {strides = array<i32>} : memref<1280x64xf32, #tpu.memory_space<vmem>>, vector<1x16xf32>,
          %get3A_1813 = vector.shape_cast %get3A_1812 : vector<1x16xf32> to vector<16xf32>
          %mul3A_1814 = arith.mulf %get3A_1813, %get3A_1177 : vector<16xf32>
          %add3A_1815 = arith.addf %add3A_1809, %mul3A_1814 : vector<16xf32>
          %gather3A_1816 = vector.shape_cast %broadcast_in_dim3A : vector<16x1xi32> to vector<16xi32>
          %gather3A_1817 = tpu.dynamic_gather %add3A_1815[%gather3A_1816] in [0] : vector<16xf32>, vector<16xi32> -> vector<16xf32>
          %add3A_1818 = arith.addf %add3A_1815, %gather3A_1817 : vector<16xf32>
          %gather3A_1819 = vector.shape_cast %broadcast_in_dim3A_6 : vector<16x1xi32> to vector<16xi32>
          %gather3A_1820 = tpu.dynamic_gather %add3A_1818[%gather3A_1819] in [0] : vector<16xf32>, vector<16xi32> -> vector<16xf32>
          %add3A_1821 = arith.addf %add3A_1818, %gather3A_1820 : vector<16xf32>
          %gather3A_1822 = vector.shape_cast %broadcast_in_dim3A_10 : vector<16x1xi32> to vector<16xi32>
          %gather3A_1823 = tpu.dynamic_gather %add3A_1821[%gather3A_1822] in [0] : vector<16xf32>, vector<16xi32> -> vector<16xf32>
          %add3A_1824 = arith.addf %add3A_1821, %gather3A_1823 : vector<16xf32>
          %gather3A_1825 = vector.shape_cast %broadcast_in_dim3A_14 : vector<16x1xi32> to vector<16xi32>
          %gather3A_1826 = tpu.dynamic_gather %add3A_1824[%gather3A_1825] in [0] : vector<16xf32>, vector<16xi32> -> vector<16xf32>
          %add3A_1827 = arith.addf %add3A_1824, %gather3A_1826 : vector<16xf32>
          %eq3A_1828 = arith.constant 13 : i32
          %eq3A_1829 = vector.broadcast %eq3A_1828 : i32 to vector<16xi32>
          %eq3A_1830 = arith.cmpi eq, %iota3A, %eq3A_1829 : vector<16xi32>
          %select_n3A_1831 = arith.select %eq3A_1830, %add3A_1827, %select_n3A_1786 : vector<16xi1>, vector<16xf32>
          %eq3A_1832 = arith.constant 9 : i32
          %eq3A_1833 = vector.broadcast %eq3A_1832 : i32 to vector<16xi32>
          %eq3A_1834 = arith.cmpi eq, %iota3A, %eq3A_1833 : vector<16xi32>
          %select_n3A_1835 = arith.select %eq3A_1834, %add3A_1827, %select_n3A_1790 : vector<16xi1>, vector<16xf32>
          %add3A_1836 = arith.constant 14 : i32
          %add3A_1837 = arith.addi %mul3A_1217, %add3A_1836 : i32
          %get3A_1838 = arith.index_cast %add3A_1837 : i32 to index
          %get3A_1839 = arith.constant 0 : index
          %get3A_1840 = tpu.vector_load %arg14[%get3A_1838, %get3A_1839] {strides = array<i32>} : memref<1280x64xf32, #tpu.memory_space<vmem>>, vector<1x16xf32>,
          %get3A_1841 = vector.shape_cast %get3A_1840 : vector<1x16xf32> to vector<16xf32>
          %mul3A_1842 = arith.mulf %get3A_1841, %get3A_1165 : vector<16xf32>
          %get3A_1843 = arith.index_cast %add3A_1837 : i32 to index
          %get3A_1844 = arith.constant 16 : index
          %get3A_1845 = tpu.vector_load %arg14[%get3A_1843, %get3A_1844] {strides = array<i32>} : memref<1280x64xf32, #tpu.memory_space<vmem>>, vector<1x16xf32>,
          %get3A_1846 = vector.shape_cast %get3A_1845 : vector<1x16xf32> to vector<16xf32>
          %mul3A_1847 = arith.mulf %get3A_1846, %get3A_1169 : vector<16xf32>
          %add3A_1848 = arith.addf %mul3A_1842, %mul3A_1847 : vector<16xf32>
          %get3A_1849 = arith.index_cast %add3A_1837 : i32 to index
          %get3A_1850 = arith.constant 32 : index
          %get3A_1851 = tpu.vector_load %arg14[%get3A_1849, %get3A_1850] {strides = array<i32>} : memref<1280x64xf32, #tpu.memory_space<vmem>>, vector<1x16xf32>,
          %get3A_1852 = vector.shape_cast %get3A_1851 : vector<1x16xf32> to vector<16xf32>
          %mul3A_1853 = arith.mulf %get3A_1852, %get3A_1173 : vector<16xf32>
          %add3A_1854 = arith.addf %add3A_1848, %mul3A_1853 : vector<16xf32>
          %get3A_1855 = arith.index_cast %add3A_1837 : i32 to index
          %get3A_1856 = arith.constant 48 : index
          %get3A_1857 = tpu.vector_load %arg14[%get3A_1855, %get3A_1856] {strides = array<i32>} : memref<1280x64xf32, #tpu.memory_space<vmem>>, vector<1x16xf32>,
          %get3A_1858 = vector.shape_cast %get3A_1857 : vector<1x16xf32> to vector<16xf32>
          %mul3A_1859 = arith.mulf %get3A_1858, %get3A_1177 : vector<16xf32>
          %add3A_1860 = arith.addf %add3A_1854, %mul3A_1859 : vector<16xf32>
          %gather3A_1861 = vector.shape_cast %broadcast_in_dim3A : vector<16x1xi32> to vector<16xi32>
          %gather3A_1862 = tpu.dynamic_gather %add3A_1860[%gather3A_1861] in [0] : vector<16xf32>, vector<16xi32> -> vector<16xf32>
          %add3A_1863 = arith.addf %add3A_1860, %gather3A_1862 : vector<16xf32>
          %gather3A_1864 = vector.shape_cast %broadcast_in_dim3A_6 : vector<16x1xi32> to vector<16xi32>
          %gather3A_1865 = tpu.dynamic_gather %add3A_1863[%gather3A_1864] in [0] : vector<16xf32>, vector<16xi32> -> vector<16xf32>
          %add3A_1866 = arith.addf %add3A_1863, %gather3A_1865 : vector<16xf32>
          %gather3A_1867 = vector.shape_cast %broadcast_in_dim3A_10 : vector<16x1xi32> to vector<16xi32>
          %gather3A_1868 = tpu.dynamic_gather %add3A_1866[%gather3A_1867] in [0] : vector<16xf32>, vector<16xi32> -> vector<16xf32>
          %add3A_1869 = arith.addf %add3A_1866, %gather3A_1868 : vector<16xf32>
          %gather3A_1870 = vector.shape_cast %broadcast_in_dim3A_14 : vector<16x1xi32> to vector<16xi32>
          %gather3A_1871 = tpu.dynamic_gather %add3A_1869[%gather3A_1870] in [0] : vector<16xf32>, vector<16xi32> -> vector<16xf32>
          %add3A_1872 = arith.addf %add3A_1869, %gather3A_1871 : vector<16xf32>
          %eq3A_1873 = arith.constant 14 : i32
          %eq3A_1874 = vector.broadcast %eq3A_1873 : i32 to vector<16xi32>
          %eq3A_1875 = arith.cmpi eq, %iota3A, %eq3A_1874 : vector<16xi32>
          %select_n3A_1876 = arith.select %eq3A_1875, %add3A_1872, %select_n3A_1831 : vector<16xi1>, vector<16xf32>
          %eq3A_1877 = arith.constant 10 : i32
          %eq3A_1878 = vector.broadcast %eq3A_1877 : i32 to vector<16xi32>
          %eq3A_1879 = arith.cmpi eq, %iota3A, %eq3A_1878 : vector<16xi32>
          %select_n3A_1880 = arith.select %eq3A_1879, %add3A_1872, %select_n3A_1835 : vector<16xi1>, vector<16xf32>
          %add3A_1881 = arith.constant 15 : i32
          %add3A_1882 = arith.addi %mul3A_1217, %add3A_1881 : i32
          %get3A_1883 = arith.index_cast %add3A_1882 : i32 to index
          %get3A_1884 = arith.constant 0 : index
          %get3A_1885 = tpu.vector_load %arg14[%get3A_1883, %get3A_1884] {strides = array<i32>} : memref<1280x64xf32, #tpu.memory_space<vmem>>, vector<1x16xf32>,
          %get3A_1886 = vector.shape_cast %get3A_1885 : vector<1x16xf32> to vector<16xf32>
          %mul3A_1887 = arith.mulf %get3A_1886, %get3A_1165 : vector<16xf32>
          %get3A_1888 = arith.index_cast %add3A_1882 : i32 to index
          %get3A_1889 = arith.constant 16 : index
          %get3A_1890 = tpu.vector_load %arg14[%get3A_1888, %get3A_1889] {strides = array<i32>} : memref<1280x64xf32, #tpu.memory_space<vmem>>, vector<1x16xf32>,
          %get3A_1891 = vector.shape_cast %get3A_1890 : vector<1x16xf32> to vector<16xf32>
          %mul3A_1892 = arith.mulf %get3A_1891, %get3A_1169 : vector<16xf32>
          %add3A_1893 = arith.addf %mul3A_1887, %mul3A_1892 : vector<16xf32>
          %get3A_1894 = arith.index_cast %add3A_1882 : i32 to index
          %get3A_1895 = arith.constant 32 : index
          %get3A_1896 = tpu.vector_load %arg14[%get3A_1894, %get3A_1895] {strides = array<i32>} : memref<1280x64xf32, #tpu.memory_space<vmem>>, vector<1x16xf32>,
          %get3A_1897 = vector.shape_cast %get3A_1896 : vector<1x16xf32> to vector<16xf32>
          %mul3A_1898 = arith.mulf %get3A_1897, %get3A_1173 : vector<16xf32>
          %add3A_1899 = arith.addf %add3A_1893, %mul3A_1898 : vector<16xf32>
          %get3A_1900 = arith.index_cast %add3A_1882 : i32 to index
          %get3A_1901 = arith.constant 48 : index
          %get3A_1902 = tpu.vector_load %arg14[%get3A_1900, %get3A_1901] {strides = array<i32>} : memref<1280x64xf32, #tpu.memory_space<vmem>>, vector<1x16xf32>,
          %get3A_1903 = vector.shape_cast %get3A_1902 : vector<1x16xf32> to vector<16xf32>
          %mul3A_1904 = arith.mulf %get3A_1903, %get3A_1177 : vector<16xf32>
          %add3A_1905 = arith.addf %add3A_1899, %mul3A_1904 : vector<16xf32>
          %gather3A_1906 = vector.shape_cast %broadcast_in_dim3A : vector<16x1xi32> to vector<16xi32>
          %gather3A_1907 = tpu.dynamic_gather %add3A_1905[%gather3A_1906] in [0] : vector<16xf32>, vector<16xi32> -> vector<16xf32>
          %add3A_1908 = arith.addf %add3A_1905, %gather3A_1907 : vector<16xf32>
          %gather3A_1909 = vector.shape_cast %broadcast_in_dim3A_6 : vector<16x1xi32> to vector<16xi32>
          %gather3A_1910 = tpu.dynamic_gather %add3A_1908[%gather3A_1909] in [0] : vector<16xf32>, vector<16xi32> -> vector<16xf32>
          %add3A_1911 = arith.addf %add3A_1908, %gather3A_1910 : vector<16xf32>
          %gather3A_1912 = vector.shape_cast %broadcast_in_dim3A_10 : vector<16x1xi32> to vector<16xi32>
          %gather3A_1913 = tpu.dynamic_gather %add3A_1911[%gather3A_1912] in [0] : vector<16xf32>, vector<16xi32> -> vector<16xf32>
          %add3A_1914 = arith.addf %add3A_1911, %gather3A_1913 : vector<16xf32>
          %gather3A_1915 = vector.shape_cast %broadcast_in_dim3A_14 : vector<16x1xi32> to vector<16xi32>
          %gather3A_1916 = tpu.dynamic_gather %add3A_1914[%gather3A_1915] in [0] : vector<16xf32>, vector<16xi32> -> vector<16xf32>
          %add3A_1917 = arith.addf %add3A_1914, %gather3A_1916 : vector<16xf32>
          %eq3A_1918 = arith.constant 15 : i32
          %eq3A_1919 = vector.broadcast %eq3A_1918 : i32 to vector<16xi32>
          %eq3A_1920 = arith.cmpi eq, %iota3A, %eq3A_1919 : vector<16xi32>
          %select_n3A_1921 = arith.select %eq3A_1920, %add3A_1917, %select_n3A_1876 : vector<16xi1>, vector<16xf32>
          %eq3A_1922 = arith.constant 11 : i32
          %eq3A_1923 = vector.broadcast %eq3A_1922 : i32 to vector<16xi32>
          %eq3A_1924 = arith.cmpi eq, %iota3A, %eq3A_1923 : vector<16xi32>
          %select_n3A_1925 = arith.select %eq3A_1924, %add3A_1917, %select_n3A_1880 : vector<16xi1>, vector<16xf32>
          %add3A_1926 = arith.constant 16 : i32
          %add3A_1927 = arith.addi %mul3A_1217, %add3A_1926 : i32
          %get3A_1928 = arith.index_cast %add3A_1927 : i32 to index
          %get3A_1929 = arith.constant 0 : index
          %get3A_1930 = tpu.vector_load %arg14[%get3A_1928, %get3A_1929] {strides = array<i32>} : memref<1280x64xf32, #tpu.memory_space<vmem>>, vector<1x16xf32>,
          %get3A_1931 = vector.shape_cast %get3A_1930 : vector<1x16xf32> to vector<16xf32>
          %mul3A_1932 = arith.mulf %get3A_1931, %get3A_1165 : vector<16xf32>
          %get3A_1933 = arith.index_cast %add3A_1927 : i32 to index
          %get3A_1934 = arith.constant 16 : index
          %get3A_1935 = tpu.vector_load %arg14[%get3A_1933, %get3A_1934] {strides = array<i32>} : memref<1280x64xf32, #tpu.memory_space<vmem>>, vector<1x16xf32>,
          %get3A_1936 = vector.shape_cast %get3A_1935 : vector<1x16xf32> to vector<16xf32>
          %mul3A_1937 = arith.mulf %get3A_1936, %get3A_1169 : vector<16xf32>
          %add3A_1938 = arith.addf %mul3A_1932, %mul3A_1937 : vector<16xf32>
          %get3A_1939 = arith.index_cast %add3A_1927 : i32 to index
          %get3A_1940 = arith.constant 32 : index
          %get3A_1941 = tpu.vector_load %arg14[%get3A_1939, %get3A_1940] {strides = array<i32>} : memref<1280x64xf32, #tpu.memory_space<vmem>>, vector<1x16xf32>,
          %get3A_1942 = vector.shape_cast %get3A_1941 : vector<1x16xf32> to vector<16xf32>
          %mul3A_1943 = arith.mulf %get3A_1942, %get3A_1173 : vector<16xf32>
          %add3A_1944 = arith.addf %add3A_1938, %mul3A_1943 : vector<16xf32>
          %get3A_1945 = arith.index_cast %add3A_1927 : i32 to index
          %get3A_1946 = arith.constant 48 : index
          %get3A_1947 = tpu.vector_load %arg14[%get3A_1945, %get3A_1946] {strides = array<i32>} : memref<1280x64xf32, #tpu.memory_space<vmem>>, vector<1x16xf32>,
          %get3A_1948 = vector.shape_cast %get3A_1947 : vector<1x16xf32> to vector<16xf32>
          %mul3A_1949 = arith.mulf %get3A_1948, %get3A_1177 : vector<16xf32>
          %add3A_1950 = arith.addf %add3A_1944, %mul3A_1949 : vector<16xf32>
          %gather3A_1951 = vector.shape_cast %broadcast_in_dim3A : vector<16x1xi32> to vector<16xi32>
          %gather3A_1952 = tpu.dynamic_gather %add3A_1950[%gather3A_1951] in [0] : vector<16xf32>, vector<16xi32> -> vector<16xf32>
          %add3A_1953 = arith.addf %add3A_1950, %gather3A_1952 : vector<16xf32>
          %gather3A_1954 = vector.shape_cast %broadcast_in_dim3A_6 : vector<16x1xi32> to vector<16xi32>
          %gather3A_1955 = tpu.dynamic_gather %add3A_1953[%gather3A_1954] in [0] : vector<16xf32>, vector<16xi32> -> vector<16xf32>
          %add3A_1956 = arith.addf %add3A_1953, %gather3A_1955 : vector<16xf32>
          %gather3A_1957 = vector.shape_cast %broadcast_in_dim3A_10 : vector<16x1xi32> to vector<16xi32>
          %gather3A_1958 = tpu.dynamic_gather %add3A_1956[%gather3A_1957] in [0] : vector<16xf32>, vector<16xi32> -> vector<16xf32>
          %add3A_1959 = arith.addf %add3A_1956, %gather3A_1958 : vector<16xf32>
          %gather3A_1960 = vector.shape_cast %broadcast_in_dim3A_14 : vector<16x1xi32> to vector<16xi32>
          %gather3A_1961 = tpu.dynamic_gather %add3A_1959[%gather3A_1960] in [0] : vector<16xf32>, vector<16xi32> -> vector<16xf32>
          %add3A_1962 = arith.addf %add3A_1959, %gather3A_1961 : vector<16xf32>
          %eq3A_1963 = arith.constant 12 : i32
          %eq3A_1964 = vector.broadcast %eq3A_1963 : i32 to vector<16xi32>
          %eq3A_1965 = arith.cmpi eq, %iota3A, %eq3A_1964 : vector<16xi32>
          %select_n3A_1966 = arith.select %eq3A_1965, %add3A_1962, %select_n3A_1925 : vector<16xi1>, vector<16xf32>
          %add3A_1967 = arith.constant 17 : i32
          %add3A_1968 = arith.addi %mul3A_1217, %add3A_1967 : i32
          %get3A_1969 = arith.index_cast %add3A_1968 : i32 to index
          %get3A_1970 = arith.constant 0 : index
          %get3A_1971 = tpu.vector_load %arg14[%get3A_1969, %get3A_1970] {strides = array<i32>} : memref<1280x64xf32, #tpu.memory_space<vmem>>, vector<1x16xf32>,
          %get3A_1972 = vector.shape_cast %get3A_1971 : vector<1x16xf32> to vector<16xf32>
          %mul3A_1973 = arith.mulf %get3A_1972, %get3A_1165 : vector<16xf32>
          %get3A_1974 = arith.index_cast %add3A_1968 : i32 to index
          %get3A_1975 = arith.constant 16 : index
          %get3A_1976 = tpu.vector_load %arg14[%get3A_1974, %get3A_1975] {strides = array<i32>} : memref<1280x64xf32, #tpu.memory_space<vmem>>, vector<1x16xf32>,
          %get3A_1977 = vector.shape_cast %get3A_1976 : vector<1x16xf32> to vector<16xf32>
          %mul3A_1978 = arith.mulf %get3A_1977, %get3A_1169 : vector<16xf32>
          %add3A_1979 = arith.addf %mul3A_1973, %mul3A_1978 : vector<16xf32>
          %get3A_1980 = arith.index_cast %add3A_1968 : i32 to index
          %get3A_1981 = arith.constant 32 : index
          %get3A_1982 = tpu.vector_load %arg14[%get3A_1980, %get3A_1981] {strides = array<i32>} : memref<1280x64xf32, #tpu.memory_space<vmem>>, vector<1x16xf32>,
          %get3A_1983 = vector.shape_cast %get3A_1982 : vector<1x16xf32> to vector<16xf32>
          %mul3A_1984 = arith.mulf %get3A_1983, %get3A_1173 : vector<16xf32>
          %add3A_1985 = arith.addf %add3A_1979, %mul3A_1984 : vector<16xf32>
          %get3A_1986 = arith.index_cast %add3A_1968 : i32 to index
          %get3A_1987 = arith.constant 48 : index
          %get3A_1988 = tpu.vector_load %arg14[%get3A_1986, %get3A_1987] {strides = array<i32>} : memref<1280x64xf32, #tpu.memory_space<vmem>>, vector<1x16xf32>,
          %get3A_1989 = vector.shape_cast %get3A_1988 : vector<1x16xf32> to vector<16xf32>
          %mul3A_1990 = arith.mulf %get3A_1989, %get3A_1177 : vector<16xf32>
          %add3A_1991 = arith.addf %add3A_1985, %mul3A_1990 : vector<16xf32>
          %gather3A_1992 = vector.shape_cast %broadcast_in_dim3A : vector<16x1xi32> to vector<16xi32>
          %gather3A_1993 = tpu.dynamic_gather %add3A_1991[%gather3A_1992] in [0] : vector<16xf32>, vector<16xi32> -> vector<16xf32>
          %add3A_1994 = arith.addf %add3A_1991, %gather3A_1993 : vector<16xf32>
          %gather3A_1995 = vector.shape_cast %broadcast_in_dim3A_6 : vector<16x1xi32> to vector<16xi32>
          %gather3A_1996 = tpu.dynamic_gather %add3A_1994[%gather3A_1995] in [0] : vector<16xf32>, vector<16xi32> -> vector<16xf32>
          %add3A_1997 = arith.addf %add3A_1994, %gather3A_1996 : vector<16xf32>
          %gather3A_1998 = vector.shape_cast %broadcast_in_dim3A_10 : vector<16x1xi32> to vector<16xi32>
          %gather3A_1999 = tpu.dynamic_gather %add3A_1997[%gather3A_1998] in [0] : vector<16xf32>, vector<16xi32> -> vector<16xf32>
          %add3A_2000 = arith.addf %add3A_1997, %gather3A_1999 : vector<16xf32>
          %gather3A_2001 = vector.shape_cast %broadcast_in_dim3A_14 : vector<16x1xi32> to vector<16xi32>
          %gather3A_2002 = tpu.dynamic_gather %add3A_2000[%gather3A_2001] in [0] : vector<16xf32>, vector<16xi32> -> vector<16xf32>
          %add3A_2003 = arith.addf %add3A_2000, %gather3A_2002 : vector<16xf32>
          %eq3A_2004 = arith.constant 13 : i32
          %eq3A_2005 = vector.broadcast %eq3A_2004 : i32 to vector<16xi32>
          %eq3A_2006 = arith.cmpi eq, %iota3A, %eq3A_2005 : vector<16xi32>
          %select_n3A_2007 = arith.select %eq3A_2006, %add3A_2003, %select_n3A_1966 : vector<16xi1>, vector<16xf32>
          %add3A_2008 = arith.constant 18 : i32
          %add3A_2009 = arith.addi %mul3A_1217, %add3A_2008 : i32
          %get3A_2010 = arith.index_cast %add3A_2009 : i32 to index
          %get3A_2011 = arith.constant 0 : index
          %get3A_2012 = tpu.vector_load %arg14[%get3A_2010, %get3A_2011] {strides = array<i32>} : memref<1280x64xf32, #tpu.memory_space<vmem>>, vector<1x16xf32>,
          %get3A_2013 = vector.shape_cast %get3A_2012 : vector<1x16xf32> to vector<16xf32>
          %mul3A_2014 = arith.mulf %get3A_2013, %get3A_1165 : vector<16xf32>
          %get3A_2015 = arith.index_cast %add3A_2009 : i32 to index
          %get3A_2016 = arith.constant 16 : index
          %get3A_2017 = tpu.vector_load %arg14[%get3A_2015, %get3A_2016] {strides = array<i32>} : memref<1280x64xf32, #tpu.memory_space<vmem>>, vector<1x16xf32>,
          %get3A_2018 = vector.shape_cast %get3A_2017 : vector<1x16xf32> to vector<16xf32>
          %mul3A_2019 = arith.mulf %get3A_2018, %get3A_1169 : vector<16xf32>
          %add3A_2020 = arith.addf %mul3A_2014, %mul3A_2019 : vector<16xf32>
          %get3A_2021 = arith.index_cast %add3A_2009 : i32 to index
          %get3A_2022 = arith.constant 32 : index
          %get3A_2023 = tpu.vector_load %arg14[%get3A_2021, %get3A_2022] {strides = array<i32>} : memref<1280x64xf32, #tpu.memory_space<vmem>>, vector<1x16xf32>,
          %get3A_2024 = vector.shape_cast %get3A_2023 : vector<1x16xf32> to vector<16xf32>
          %mul3A_2025 = arith.mulf %get3A_2024, %get3A_1173 : vector<16xf32>
          %add3A_2026 = arith.addf %add3A_2020, %mul3A_2025 : vector<16xf32>
          %get3A_2027 = arith.index_cast %add3A_2009 : i32 to index
          %get3A_2028 = arith.constant 48 : index
          %get3A_2029 = tpu.vector_load %arg14[%get3A_2027, %get3A_2028] {strides = array<i32>} : memref<1280x64xf32, #tpu.memory_space<vmem>>, vector<1x16xf32>,
          %get3A_2030 = vector.shape_cast %get3A_2029 : vector<1x16xf32> to vector<16xf32>
          %mul3A_2031 = arith.mulf %get3A_2030, %get3A_1177 : vector<16xf32>
          %add3A_2032 = arith.addf %add3A_2026, %mul3A_2031 : vector<16xf32>
          %gather3A_2033 = vector.shape_cast %broadcast_in_dim3A : vector<16x1xi32> to vector<16xi32>
          %gather3A_2034 = tpu.dynamic_gather %add3A_2032[%gather3A_2033] in [0] : vector<16xf32>, vector<16xi32> -> vector<16xf32>
          %add3A_2035 = arith.addf %add3A_2032, %gather3A_2034 : vector<16xf32>
          %gather3A_2036 = vector.shape_cast %broadcast_in_dim3A_6 : vector<16x1xi32> to vector<16xi32>
          %gather3A_2037 = tpu.dynamic_gather %add3A_2035[%gather3A_2036] in [0] : vector<16xf32>, vector<16xi32> -> vector<16xf32>
          %add3A_2038 = arith.addf %add3A_2035, %gather3A_2037 : vector<16xf32>
          %gather3A_2039 = vector.shape_cast %broadcast_in_dim3A_10 : vector<16x1xi32> to vector<16xi32>
          %gather3A_2040 = tpu.dynamic_gather %add3A_2038[%gather3A_2039] in [0] : vector<16xf32>, vector<16xi32> -> vector<16xf32>
          %add3A_2041 = arith.addf %add3A_2038, %gather3A_2040 : vector<16xf32>
          %gather3A_2042 = vector.shape_cast %broadcast_in_dim3A_14 : vector<16x1xi32> to vector<16xi32>
          %gather3A_2043 = tpu.dynamic_gather %add3A_2041[%gather3A_2042] in [0] : vector<16xf32>, vector<16xi32> -> vector<16xf32>
          %add3A_2044 = arith.addf %add3A_2041, %gather3A_2043 : vector<16xf32>
          %eq3A_2045 = arith.constant 14 : i32
          %eq3A_2046 = vector.broadcast %eq3A_2045 : i32 to vector<16xi32>
          %eq3A_2047 = arith.cmpi eq, %iota3A, %eq3A_2046 : vector<16xi32>
          %select_n3A_2048 = arith.select %eq3A_2047, %add3A_2044, %select_n3A_2007 : vector<16xi1>, vector<16xf32>
          %add3A_2049 = arith.constant 19 : i32
          %add3A_2050 = arith.addi %mul3A_1217, %add3A_2049 : i32
          %get3A_2051 = arith.index_cast %add3A_2050 : i32 to index
          %get3A_2052 = arith.constant 0 : index
          %get3A_2053 = tpu.vector_load %arg14[%get3A_2051, %get3A_2052] {strides = array<i32>} : memref<1280x64xf32, #tpu.memory_space<vmem>>, vector<1x16xf32>,
          %get3A_2054 = vector.shape_cast %get3A_2053 : vector<1x16xf32> to vector<16xf32>
          %mul3A_2055 = arith.mulf %get3A_2054, %get3A_1165 : vector<16xf32>
          %get3A_2056 = arith.index_cast %add3A_2050 : i32 to index
          %get3A_2057 = arith.constant 16 : index
          %get3A_2058 = tpu.vector_load %arg14[%get3A_2056, %get3A_2057] {strides = array<i32>} : memref<1280x64xf32, #tpu.memory_space<vmem>>, vector<1x16xf32>,
          %get3A_2059 = vector.shape_cast %get3A_2058 : vector<1x16xf32> to vector<16xf32>
          %mul3A_2060 = arith.mulf %get3A_2059, %get3A_1169 : vector<16xf32>
          %add3A_2061 = arith.addf %mul3A_2055, %mul3A_2060 : vector<16xf32>
          %get3A_2062 = arith.index_cast %add3A_2050 : i32 to index
          %get3A_2063 = arith.constant 32 : index
          %get3A_2064 = tpu.vector_load %arg14[%get3A_2062, %get3A_2063] {strides = array<i32>} : memref<1280x64xf32, #tpu.memory_space<vmem>>, vector<1x16xf32>,
          %get3A_2065 = vector.shape_cast %get3A_2064 : vector<1x16xf32> to vector<16xf32>
          %mul3A_2066 = arith.mulf %get3A_2065, %get3A_1173 : vector<16xf32>
          %add3A_2067 = arith.addf %add3A_2061, %mul3A_2066 : vector<16xf32>
          %get3A_2068 = arith.index_cast %add3A_2050 : i32 to index
          %get3A_2069 = arith.constant 48 : index
          %get3A_2070 = tpu.vector_load %arg14[%get3A_2068, %get3A_2069] {strides = array<i32>} : memref<1280x64xf32, #tpu.memory_space<vmem>>, vector<1x16xf32>,
          %get3A_2071 = vector.shape_cast %get3A_2070 : vector<1x16xf32> to vector<16xf32>
          %mul3A_2072 = arith.mulf %get3A_2071, %get3A_1177 : vector<16xf32>
          %add3A_2073 = arith.addf %add3A_2067, %mul3A_2072 : vector<16xf32>
          %gather3A_2074 = vector.shape_cast %broadcast_in_dim3A : vector<16x1xi32> to vector<16xi32>
          %gather3A_2075 = tpu.dynamic_gather %add3A_2073[%gather3A_2074] in [0] : vector<16xf32>, vector<16xi32> -> vector<16xf32>
          %add3A_2076 = arith.addf %add3A_2073, %gather3A_2075 : vector<16xf32>
          %gather3A_2077 = vector.shape_cast %broadcast_in_dim3A_6 : vector<16x1xi32> to vector<16xi32>
          %gather3A_2078 = tpu.dynamic_gather %add3A_2076[%gather3A_2077] in [0] : vector<16xf32>, vector<16xi32> -> vector<16xf32>
          %add3A_2079 = arith.addf %add3A_2076, %gather3A_2078 : vector<16xf32>
          %gather3A_2080 = vector.shape_cast %broadcast_in_dim3A_10 : vector<16x1xi32> to vector<16xi32>
          %gather3A_2081 = tpu.dynamic_gather %add3A_2079[%gather3A_2080] in [0] : vector<16xf32>, vector<16xi32> -> vector<16xf32>
          %add3A_2082 = arith.addf %add3A_2079, %gather3A_2081 : vector<16xf32>
          %gather3A_2083 = vector.shape_cast %broadcast_in_dim3A_14 : vector<16x1xi32> to vector<16xi32>
          %gather3A_2084 = tpu.dynamic_gather %add3A_2082[%gather3A_2083] in [0] : vector<16xf32>, vector<16xi32> -> vector<16xf32>
          %add3A_2085 = arith.addf %add3A_2082, %gather3A_2084 : vector<16xf32>
          %eq3A_2086 = arith.constant 15 : i32
          %eq3A_2087 = vector.broadcast %eq3A_2086 : i32 to vector<16xi32>
          %eq3A_2088 = arith.cmpi eq, %iota3A, %eq3A_2087 : vector<16xi32>
          %select_n3A_2089 = arith.select %eq3A_2088, %add3A_2085, %select_n3A_2048 : vector<16xi1>, vector<16xf32>
          %swap3A_2090 = arith.index_cast %mul3A_1217 : i32 to index
          %swap3A_2091 = tpu.vector_load %arg16[%swap3A_2090] {strides = array<i32>} : memref<1280xf32, #tpu.memory_space<vmem>>, vector<16xf32>,
          %swap3A_2092 = vector.shape_cast %swap3A_2091 : vector<16xf32> to vector<16xf32>
          %swap3A_2093 = vector.shape_cast %select_n3A_1921 : vector<16xf32> to vector<16xf32>
          tpu.vector_store %arg16[%swap3A_2090], %swap3A_2093 {strides = array<i32>} : memref<1280xf32, #tpu.memory_space<vmem>>, vector<16xf32>,
          %add3A_2094 = arith.constant 4 : i32
          %add3A_2095 = arith.addi %mul3A_1217, %add3A_2094 : i32
          %swap3A_2096 = arith.index_cast %add3A_2095 : i32 to index
          %swap3A_2097 = tpu.vector_load %arg16[%swap3A_2096] {strides = array<i32>} : memref<1280xf32, #tpu.memory_space<vmem>>, vector<16xf32>,
          %swap3A_2098 = vector.shape_cast %swap3A_2097 : vector<16xf32> to vector<16xf32>
          %swap3A_2099 = vector.shape_cast %select_n3A_2089 : vector<16xf32> to vector<16xf32>
          tpu.vector_store %arg16[%swap3A_2096], %swap3A_2099 {strides = array<i32>} : memref<1280xf32, #tpu.memory_space<vmem>>, vector<16xf32>,
          scf.yield %select_n3A_1215 : vector<16xf32>
        }
        %scan3A_212 = arith.constant 16 : i32
        %mul3A_213 = arith.constant 16 : i32
        %mul3A_214 = arith.muli %scan3A_204, %mul3A_213 : i32
        %swap3A = arith.index_cast %mul3A_214 : i32 to index
        %swap3A_215 = tpu.vector_load %arg15[%swap3A] {strides = array<i32>} : memref<64xf32, #tpu.memory_space<vmem>>, vector<16xf32>,
        %swap3A_216 = vector.shape_cast %swap3A_215 : vector<16xf32> to vector<16xf32>
        %swap3A_217 = vector.shape_cast %scan3A_211 : vector<16xf32> to vector<16xf32>
        tpu.vector_store %arg15[%swap3A], %swap3A_217 {strides = array<i32>} : memref<64xf32, #tpu.memory_space<vmem>>, vector<16xf32>,
      }
      %scan3A_203 = arith.constant 4 : i32
      "tpu.region"() ({
        %run_scoped3A = tpu.sem_alloc : memref<!tpu.dma_semaphore, #tpu.memory_space<semaphore_mem>>
        %dma_start3A_204 = tpu.memref_slice %arg7[%add3A_25] : memref<16384xf32, #tpu.memory_space<hbm>> -> memref<64xf32, #tpu.memory_space<hbm>>
        %dma_start3A_205 = tpu.memref_slice %arg7[%add3A_25] : memref<16384xf32, #tpu.memory_space<hbm>> -> memref<64xf32, #tpu.memory_space<hbm>>
        tpu.enqueue_dma source(%arg15 : memref<64xf32, #tpu.memory_space<vmem>>) target(%dma_start3A_205 : memref<64xf32, #tpu.memory_space<hbm>>) target_semaphore(%run_scoped3A : memref<!tpu.dma_semaphore, #tpu.memory_space<semaphore_mem>>)
        %dma_wait3A_206 = tpu.memref_slice %arg7[%add3A_25] : memref<16384xf32, #tpu.memory_space<hbm>> -> memref<64xf32, #tpu.memory_space<hbm>>
        %dma_wait3A_207 = tpu.memref_slice %arg7[%add3A_25] : memref<16384xf32, #tpu.memory_space<hbm>> -> memref<64xf32, #tpu.memory_space<hbm>>
        tpu.wait_dma2 semaphore(%run_scoped3A : memref<!tpu.dma_semaphore, #tpu.memory_space<semaphore_mem>>) src(%arg15 : memref<64xf32, #tpu.memory_space<vmem>>) dst(%dma_wait3A_207 : memref<64xf32, #tpu.memory_space<hbm>>)
        tpu.yield
      }) : () -> ()
      "tpu.region"() ({
        %run_scoped3A = tpu.sem_alloc : memref<!tpu.dma_semaphore, #tpu.memory_space<semaphore_mem>>
        %dma_start3A_204 = tpu.memref_slice %arg8[%mul3A_27] : memref<327680xf32, #tpu.memory_space<hbm>> -> memref<1280xf32, #tpu.memory_space<hbm>>
        %dma_start3A_205 = tpu.memref_slice %arg8[%mul3A_27] : memref<327680xf32, #tpu.memory_space<hbm>> -> memref<1280xf32, #tpu.memory_space<hbm>>
        tpu.enqueue_dma source(%arg16 : memref<1280xf32, #tpu.memory_space<vmem>>) target(%dma_start3A_205 : memref<1280xf32, #tpu.memory_space<hbm>>) target_semaphore(%run_scoped3A : memref<!tpu.dma_semaphore, #tpu.memory_space<semaphore_mem>>)
        %dma_wait3A_206 = tpu.memref_slice %arg8[%mul3A_27] : memref<327680xf32, #tpu.memory_space<hbm>> -> memref<1280xf32, #tpu.memory_space<hbm>>
        %dma_wait3A_207 = tpu.memref_slice %arg8[%mul3A_27] : memref<327680xf32, #tpu.memory_space<hbm>> -> memref<1280xf32, #tpu.memory_space<hbm>>
        tpu.wait_dma2 semaphore(%run_scoped3A : memref<!tpu.dma_semaphore, #tpu.memory_space<semaphore_mem>>) src(%arg16 : memref<1280xf32, #tpu.memory_space<vmem>>) dst(%dma_wait3A_207 : memref<1280xf32, #tpu.memory_space<hbm>>)
        tpu.yield
      }) : () -> ()
    }
    %scan3A_19 = arith.constant 8 : i32
    return
  }
}

module attributes {stable_mosaic.version = 14 : i64} {
  func.func @body(%arg0: i32, %arg1: memref<64x4096xf32, #tpu.memory_space<vmem>>, %arg2: memref<64x4096xf32, #tpu.memory_space<vmem>>, %arg3: memref<4096x128xf32, #tpu.memory_space<vmem>>) attributes {dimension_semantics = [#tpu.dimension_semantics<arbitrary>], iteration_bounds = array<i64: 123>, scalar_prefetch = 0 : i64, scratch_operands = 0 : i64, tpu.core_type = #tpu.core_type<tc>, window_params = [{transform_indices = @transform_0, window_bounds = array<i64: 64, 4096>}, {transform_indices = @transform_1, window_bounds = array<i64: 64, 4096>}, {transform_indices = @transform_2, window_bounds = array<i64: 4096, 128>}]} {
    %iota3A = tpu.iota {dimensions = array<i32: 0>} : vector<64x64xi32>
    %iota3A_0 = tpu.iota {dimensions = array<i32: 1>} : vector<64x64xi32>
    %eq3A = arith.cmpi eq, %iota3A, %iota3A_0 : vector<64x64xi32>
    %convert_element_type3A = arith.extui %eq3A : vector<64x64xi1> to vector<64x64xi32>
    %convert_element_type3A_1 = arith.sitofp %convert_element_type3A : vector<64x64xi32> to vector<64x64xf32>
    %get3A = arith.constant 0 : index
    %get3A_2 = arith.constant 0 : index
    %get3A_3 = vector.load %arg1[%get3A, %get3A_2] : memref<64x4096xf32, #tpu.memory_space<vmem>>, vector<64x4096xf32>
    %dot_general3A = arith.constant dense<0.000000e+00> : vector<4096x64xf32>
    %dot_general3A_4 = tpu.matmul %get3A_3, %convert_element_type3A_1, %dot_general3A {dimension_numbers = #tpu.dot_dimension_numbers<[0], [0], [1], [1], [0, 1, 1, 1], [], []>, precision = #tpu.contract_precision<fp32>, transpose_lhs_hint = false} : vector<64x4096xf32>, vector<64x64xf32>, vector<4096x64xf32> -> vector<4096x64xf32>
    %get3A_5 = arith.constant 0 : index
    %get3A_6 = arith.constant 0 : index
    %get3A_7 = vector.load %arg2[%get3A_5, %get3A_6] : memref<64x4096xf32, #tpu.memory_space<vmem>>, vector<64x4096xf32>
    %dot_general3A_8 = arith.constant dense<0.000000e+00> : vector<4096x64xf32>
    %dot_general3A_9 = tpu.matmul %get3A_7, %convert_element_type3A_1, %dot_general3A_8 {dimension_numbers = #tpu.dot_dimension_numbers<[0], [0], [1], [1], [0, 1, 1, 1], [], []>, precision = #tpu.contract_precision<fp32>, transpose_lhs_hint = false} : vector<64x4096xf32>, vector<64x64xf32>, vector<4096x64xf32> -> vector<4096x64xf32>
    %concatenate3A = tpu.concatenate %dot_general3A_4, %dot_general3A_9 in 1 : vector<4096x64xf32>, vector<4096x64xf32> -> vector<4096x128xf32>
    %swap3A = arith.constant 0 : index
    %swap3A_10 = arith.constant 0 : index
    %swap3A_11 = vector.load %arg3[%swap3A, %swap3A_10] : memref<4096x128xf32, #tpu.memory_space<vmem>>, vector<4096x128xf32>
    tpu.vector_store %arg3[%swap3A, %swap3A_10], %concatenate3A {strides = array<i32>} : memref<4096x128xf32, #tpu.memory_space<vmem>>, vector<4096x128xf32>,
    return
  }
  func.func @transform_0(%arg0: i32) -> (i32, i32) {
    %mul3A = arith.constant 2 : i32
    %mul3A_0 = arith.muli %mul3A, %arg0 : i32
    %min3A = arith.constant 244 : i32
    %min3A_1 = arith.minsi %mul3A_0, %min3A : i32
    %c0_i32 = arith.constant 0 : i32
    %c0_i32_2 = arith.constant 0 : i32
    return %c0_i32, %min3A_1 : i32, i32
  }
  func.func @transform_1(%arg0: i32) -> (i32, i32) {
    %mul3A = arith.constant 2 : i32
    %mul3A_0 = arith.muli %mul3A, %arg0 : i32
    %add3A = arith.constant 1 : i32
    %add3A_1 = arith.addi %mul3A_0, %add3A : i32
    %min3A = arith.constant 244 : i32
    %min3A_2 = arith.minsi %add3A_1, %min3A : i32
    %c0_i32 = arith.constant 0 : i32
    %c0_i32_3 = arith.constant 0 : i32
    return %c0_i32, %min3A_2 : i32, i32
  }
  func.func @transform_2(%arg0: i32) -> (i32, i32) {
    %c0_i32 = arith.constant 0 : i32
    %c0_i32_0 = arith.constant 0 : i32
    return %arg0, %c0_i32 : i32, i32
  }
}

</mosaic_0001>

<sc_bundles>
// kernel: kernel.4.cloned.1.call-start
scs
__scs_entry_jumppad:
0x0: {  	(pc) =	sbr.rel $0x88, $3  }
0x1: {  	(tag) =	ssettag $0x0;
	lr =	simm.s32 $0x1  }
0x2: {  	[smem:$0x3F9C] =	sst lr;
	_ =	strace $0xD0000000  }
0x3: {  	_ = 	snop  }
0x4: {  	_ = 	snop  }
0x5: {  	_ = 	snop  }
0x6: {  	_ = 	snop  }
0x7: {  	_ = 	snop  }
__scs_overlays_trampoline_lowered:
0x8: {  	[smem:$0x3FAB] =	sst s0  }
0x9: {  	[smem:$0x3FAC] =	sst s1  }
0xa: {  	[smem:$0x3FAD] =	sst s2  }
0xb: {  	[smem:$0x3FAE] =	sst s3  }
0xc: {  	[smem:$0x3FAF] =	sst s4  }
0xd: {  	[smem:$0x3FB0] =	sst s5  }
0xe: {  	[smem:$0x3FB1] =	sst s6  }
0xf: {  	[smem:$0x3FB2] =	sst s7  }
0x10: {  	[smem:$0x3FB3] =	sst s8  }
0x11: {  	[smem:$0x3FB4] =	sst s9;
	s0 =	simm.s32 @!p0 $0x0  }
0x12: {  	s1 =	sld [smem:$0x3F9A];
	s0 =	simm.s32 @p0 $0x1  }
0x13: {  	[smem:$0x3FB5] =	sst s0;
	s0 =	simm.s32 @!p1 $0x0  }
0x14: {  	s2 =	sld [smem:$0x3F99];
	s0 =	simm.s32 @p1 $0x1  }
0x15: {  	[smem:$0x3FB6] =	sst s0;
	s0 =	simm.s32 @!p2 $0x0  }
0x16: {  	s3 =	sld [smem:$0x3FDB];
	s0 =	simm.s32 @p2 $0x1  }
0x17: {  	s4 =	simm.s32 $0x1BF5;
	[smem:$0x3FB8] =	sst s0  }
0x18: {  	s0 =	sld [smem:$0x3F9B];
	_ =	swait.ge [sflag:s4], $0x0  }
0x19: {  	s7 =	sld [smem:$0x3F9C]  }
0x1a: {  	s8 =	sadd.s32 $0xFFFFE003, lr  }
0x1b: {  	s9 =	sadd.s32 $0xFFFFFEF7, lr;
	s5 =	simm.s32 $0xFFFFFFFF;
	p2 =	slt.u32 s8, $0xFFFFF086  }
0x1c: {  	p1 =	slt.u32 s9, $0xF7A;
	s5 =	simm.s32 @!p2 $0x0  }
0x1d: {  	s5 =	simm.s32 @p1 $0x1;
	p0 =	seq.s32 s7, s2  }
0x1e: {  	s7 =	smul.u32 @!p0 $0xF7A, s2;
	p2 =	seq.s32 @!p0 s5, $0x0  }
0x1f: {  	s9 =	smul.u32 $0xF7A, s1;
	s8 =	simm.s32 @!p0 $0x1BF5;
	p2 =	por !p2, p0  }
0x20: {  	[sflag:s8] =	ssyncset.s32 @!p0 $0xFFFFF086;
	s6 =	sadd.s32 @!p0 s3, s7;
	s7 =	simm.s32 @!p0 $0x108  }
0x21: {  	s3 =	sadd.s32 s3, s9;
	s6 =	sadd.s32 @!p0 $0x88, s6;
	s7 =	simm.s32 @p2 $0x1082  }
0x22: {  	[simem:s7], [sflag:s8] =	dma.local @!p0 [hbm:s6], $0xF7A  }
0x23: {  	s9 =	sor.u32 $0xD0000000, s2;
	s6 =	simm.s32 $0x108;
	_ =	swait.ge @!p0 [sflag:s8], $0x0  }
0x24: {  	s3 =	sadd.s32 $0x88, s3;
	s6 =	simm.s32 @!p1 $0x1082;
	[sflag:s4] =	ssyncset.s32 $0xFFFFF086  }
0x25: {  	[simem:s6], [sflag:s4] =	dma.local [hbm:s3], $0xF7A  }
0x26: {  	[smem:$0x3F9C] =	sst s1;
	(tag) =	ssettag s2;
	_ =	strace s9  }
0x27: {  	s1 =	sld [smem:$0x3FAC]  }
0x28: {  	s2 =	sld [smem:$0x3FAD]  }
0x29: {  	s4 =	sld [smem:$0x3FAF]  }
0x2a: {  	p0 =	seq.s32 s5, $0x0;
	s5 =	sld [smem:$0x3FB0]  }
0x2b: {  	s6 =	sld [smem:$0x3FB1]  }
0x2c: {  	s7 =	sld [smem:$0x3FB2]  }
0x2d: {  	s3 =	simm.s32 $0x108;
	s8 =	sld [smem:$0x3FB3]  }
0x2e: {  	s3 =	simm.s32 @!p0 $0x1082;
	s9 =	sld [smem:$0x3FB4]  }
0x2f: {  	lr =	sadd.s32 s0, s3;
	s0 =	sld [smem:$0x3FAB]  }
0x30: {  	s3 =	sld [smem:$0x3FAE]  }
0x31: {  	[smem:$0x3FB7] =	sst s10  }
0x32: {  	s10 =	sld [smem:$0x3FB5];
	_ =	sdelay $0x3  }
0x33: {  	p0 =	seq.s32 s10, $0x1;
	s10 =	sld [smem:$0x3FB7];
	_ =	sdelay $0x3  }
0x34: {  	[smem:$0x3FB7] =	sst s10  }
0x35: {  	s10 =	sld [smem:$0x3FB6];
	_ =	sdelay $0x3  }
0x36: {  	p1 =	seq.s32 s10, $0x1;
	s10 =	sld [smem:$0x3FB7];
	_ =	sdelay $0x3  }
0x37: {  	[smem:$0x3FB7] =	sst s10  }
0x38: {  	s10 =	sld [smem:$0x3FB8]  }
0x39: {  	_ = 	snop;
	(pc) =	sbr.ind lr, $3  }
0x3a: {  	_ = 	snop  }
0x3b: {  	_ = 	snop  }
0x3c: {  	p2 =	seq.s32 s10, $0x1;
	s10 =	sld [smem:$0x3FB7]  }
0x3d: {  	_ =	shalt  }
0x3e: {  	_ =	shalt  }
0x3f: {  	_ =	shalt  }
0x40: {  	_ =	shalt  }
0x41: {  	_ =	shalt  }
0x42: {  	_ =	shalt  }
0x43: {  	_ =	shalt  }
0x44: {  	_ =	shalt  }
0x45: {  	_ =	shalt  }
0x46: {  	_ =	shalt  }
0x47: {  	_ =	shalt  }
0x48: {  	_ =	shalt  }
0x49: {  	_ =	shalt  }
0x4a: {  	_ =	shalt  }
0x4b: {  	_ =	shalt  }
0x4c: {  	_ =	shalt  }
0x4d: {  	_ =	shalt  }
0x4e: {  	_ =	shalt  }
0x4f: {  	_ =	shalt  }
0x50: {  	_ =	shalt  }
0x51: {  	_ =	shalt  }
0x52: {  	_ =	shalt  }
0x53: {  	_ =	shalt  }
0x54: {  	_ =	shalt  }
0x55: {  	_ =	shalt  }
0x56: {  	_ =	shalt  }
0x57: {  	_ =	shalt  }
0x58: {  	_ =	shalt  }
0x59: {  	_ =	shalt  }
0x5a: {  	_ =	shalt  }
0x5b: {  	_ =	shalt  }
0x5c: {  	_ =	shalt  }
0x5d: {  	_ =	shalt  }
0x5e: {  	_ =	shalt  }
0x5f: {  	_ =	shalt  }
0x60: {  	_ =	shalt  }
0x61: {  	_ =	shalt  }
0x62: {  	_ =	shalt  }
0x63: {  	_ =	shalt  }
0x64: {  	_ =	shalt  }
0x65: {  	_ =	shalt  }
0x66: {  	_ =	shalt  }
0x67: {  	_ =	shalt  }
0x68: {  	_ =	shalt  }
0x69: {  	_ =	shalt  }
0x6a: {  	_ =	shalt  }
0x6b: {  	_ =	shalt  }
0x6c: {  	_ =	shalt  }
0x6d: {  	_ =	shalt  }
0x6e: {  	_ =	shalt  }
0x6f: {  	_ =	shalt  }
0x70: {  	_ =	shalt  }
0x71: {  	_ =	shalt  }
0x72: {  	_ =	shalt  }
0x73: {  	_ =	shalt  }
0x74: {  	_ =	shalt  }
0x75: {  	_ =	shalt  }
0x76: {  	_ =	shalt  }
0x77: {  	_ =	shalt  }
0x78: {  	_ =	shalt  }
0x79: {  	_ =	shalt  }
0x7a: {  	_ =	shalt  }
0x7b: {  	_ =	shalt  }
0x7c: {  	_ =	shalt  }
0x7d: {  	_ =	shalt  }
0x7e: {  	_ =	shalt  }
0x7f: {  	_ =	shalt  }
0x80: {  	_ =	shalt  }
0x81: {  	_ =	shalt  }
0x82: {  	_ =	shalt  }
0x83: {  	_ =	shalt  }
0x84: {  	_ =	shalt  }
0x85: {  	_ =	shalt  }
0x86: {  	_ =	shalt  }
0x87: {  	_ =	shalt  }
.Lfunc_end0:
.L_simem_size_0:
called_computation_lowered:
.L_overlay_start_0:
0x88: {  	s2 =	sld [smem:$0x3FD9]  }
0x89: {  	s3 =	sld [smem:$0x3FFE];
	_ =	sdelay $0x1  }
0x8a: {  	s1 =	srdreg.scid  }
0x8b: {  	s0 =	sand.u32 $0x1, s1  }
0x8c: {  	s14 =	sshll.u32 s0, $0xA;
	s2 =	sadd.s32 s3, s2  }
0x8d: {  	s2 =	sadd.s32 s2, s14  }
0x8e: {  	[smem:$0x3FC3] =	sst s2  }
0x8f: {  	_ = 	snop  }
0x90: {  	s2 =	sld [smem:$0x3FD0];
	_ =	sdelay $0x2  }
0x91: {  	s4 =	simm.s32 $0xA;
	s5 =	simm.s32 $0x10;
	s15 =	sld [smem:$0x3FC8]  }
0x92: {  	[smem:s5], [sflag:s4] =	dma.local [hbm:s2], $0x1  }
0x93: {  	_ =	swait.eq [sflag:s4], $0x1  }
0x94: {  	[sflag:s4] =	ssyncset.done $0x0  }
0x95: {  	s16 =	sld [smem:$0x10];
	[sflag:s4] =	ssyncadd.s32 $0xFFFFFFFF  }
0x96: {  	s17 =	sld [smem:$0x11];
	(tm) =	ssettm $0x1  }
0x97: {  	s18 =	sld [smem:$0x3FFB];
	_ =	sdelay $0x3  }
0x98: {  	_ =	strace s18  }
0x99: {  	s5 =	sld [smem:$0x3FFC];
	_ =	sdelay $0x3  }
0x9a: {  	_ =	strace s5  }
0x9b: {  	s5 =	sld [smem:$0x3FFD];
	_ =	sdelay $0x3  }
0x9c: {  	_ =	strace s5  }
0x9d: {  	_ =	strace $0x8FFFFFFF  }
0x9e: {  	s19 =	sld [smem:$0x3FDB];
	_ =	sdelay $0x1  }
0x9f: {  	s6 =	simm.s32 $_scs_section_size  }
0xa0: {  	s7 =	simm.s32 $_size__tile_overlayer_lowered;
	s8 =	simm.s32 $_tile_overlayer_lowered  }
0xa1: {  	s22 =	simm.s32 $0x1BFF;
	s21 =	sshll.u32 s8, $0x1;
	s5 =	sadd.s32 s6, s19  }
0xa2: {  	s9 =	simm.s32 $0x0;
	s20 =	sshll.u32 s7, $0x1;
	s7 =	sadd.s32 s21, s5  }
0xa3: {  	[timem:s9], [sflag:s22] =	dma.local [hbm:s7], s20  }
0xa4: {  	_ =	swait.ge [sflag:s22], s20  }
0xa5: {  	s6 =	ssub.s32 $0x0, s20;
	[sflag:s22] =	ssyncset.done $0x0  }
0xa6: {  	[sflag:s22] =	ssyncadd.s32 s6;
	_ =	sdelay $0x1  }
0xa7: {  	s23 =	simm.s32 $0x1B8B  }
0xa8: {  	_ =	swait.ge [sflag:s23], $0x1  }
0xa9: {  	[sflag:s23] =	ssyncset.done $0x0  }
0xaa: {  	s25 =	simm.s32 $0x1B8E;
	s24 =	sld [smem:$0x3FFE];
	[sflag:s23] =	ssyncadd.s32 $0xFFFFFFFF  }
0xab: {  	s26 =	simm.s32 $execute0_lowered;
	[smem:$0x3FD2] =	sst s25  }
0xac: {  	s7 =	sshll.u32 s26, $0x1;
	_ =	strace $0x80000046;
	[dreg:$0x1] =	wrdreg $0xFFFFFFFF  }
0xad: {  	s28 =	simm.s32 $_size_execute0_lowered;
	s5 =	sadd.s32 s5, s7;
	[dreg:$0x0] =	wrdreg $0x0  }
0xae: {  	s7 =	sshll.u32 s28, $0x1;
	[dreg:$0x2] =	wrdreg s5  }
0xaf: {  	[dreg:$0x3] =	wrdreg s7  }
0xb0: {  	[dreg:$0x4] =	wrdreg $0xC0  }
0xb1: {  	_ =	task [dreg:s9], $0x5FFFF  }
0xb2: {  	[dreg:$0x1] =	wrdreg $0xFFFFFFFF  }
0xb3: {  	[dreg:$0x0] =	wrdreg $0x60  }
0xb4: {  	[dreg:$0x2] =	wrdreg s24  }
0xb5: {  	[dreg:$0x3] =	wrdreg s15  }
0xb6: {  	[dreg:$0x4] =	wrdreg s17  }
0xb7: {  	[dreg:$0x5] =	wrdreg s16  }
0xb8: {  	[dreg:$0x6] =	wrdreg $0x9  }
0xb9: {  	_ =	task.clear_ibuf [dreg:s9], $0x7FFFF;
	_ =	strace $0x90000046  }
0xba: {  	s29 =	simm.s32 $0x9;
	_ =	strace $0x80000048  }
0xbb: {  	_ =	swait.ge [sflag:s29], $0x1  }
0xbc: {  	[sflag:s29] =	ssyncadd.s32 $0xFFFFFFFF  }
0xbd: {  	_ =	strace $0x90000048  }
0xbe: {  	_ =	sfence  }
0xbf: {  	s30 =	sld [smem:$0x0];
	_ =	sdelay $0x2  }
0xc0: {  	s31 =	sshll.u32 s1, $0xD;
	s1 =	sshrl.u32 s1, $0x2  }
0xc1: {  	s3 =	sand.u32 $0x4000, s31;
	s1 =	sadd.s32 s1, s30  }
0xc2: {  	s0 =	sor.u32 s3, s0;
	s1 =	sshll.u32 s1, $0x11  }
0xc3: {  	s0 =	sor.u32 s1, s0  }
0xc4: {  	s0 =	sadd.s32 $0x8F2B, s0  }
0xc5: {  	[sflag:s0] =	ssyncadd.remote.s32 $0x1  }
0xc6: {  	_ =	sfence.sel $0xFFFF  }
0xc7: {  	[dreg:$0x0] =	wrdreg $0xFFFFFFFF;
	(pc) =	sbr.abs _section_cstart, $3  }
0xc8: {  	[dreg:$0x1] =	wrdreg $0xFFFFFFFF  }
0xc9: {  	_ =	task.clear_ibuf [dreg:s9], $0x2FFFF;
	_ =	strace $0x9FFFFFFF  }
0xca: {  	(tm) =	ssettm $0x7FFFFFFF  }
0xcb: {  	_ =	shalt  }
tec
execute0_lowered:
.L_overlay_start_1:
0x0: {  	(tag) =	ssettag $0x1  }
0x1: {  	v0 =	vimm.s32 $0xEFCDAB89;
	v1 =	vimm.s32 $0x67452301;
	v2 =	vimm.s32 $0xDCFE98BA  }
0x2: {  	v3 =	vimm.s32 $0x54761032;
	v4 =	vimm.s32 $0xBA98FEDC;
	v5 =	vimm.s32 $0x32107654  }
0x3: {  	v6 =	vimm.s32 $0xFEDCBA98;
	v7 =	vimm.s32 $0x76543210;
	vm0 =	vmmov $0x1  }
0x4: {  	vm1 =	vmmov $0x3;
	vm2 =	vmmov $0x7;
	vm3 =	vmmov $0xf  }
0x5: {  	vm4 =	vmmov $0x1f;
	vm5 =	vmmov $0x3f;
	vm6 =	vmmov $0x7f  }
0x6: {  	s0 =	rddreg [dreg:$0x0];
	vm7 =	vmmov $0xff;
	vm8 =	vmmov $0x1ff;
	vm9 =	vmmov $0x3ff  }
0x7: {  	s4 =	simm.s32 $0x0;
	s1 =	srdreg.scid;
	s3 =	stileid.u32;
	vm10 =	vmmov $0x7ff;
	vm11 =	vmmov $0xfff;
	vm12 =	vmmov $0x1fff  }
0x8: {  	s12 =	simm.s32 $0x2;
	s13 =	simm.s32 $0x40;
	s14 =	simm.s32 $0x80;
	vm13 =	vmmov $0x3fff;
	v0 =	vunpack.c.l.s4.s8 v0;
	v1 =	vunpack.c.l.s4.s8 v1  }
0x9: {  	s8 =	simm.s32 $0x480;
	s11 =	simm.s32 $0x12580;
	s15 =	simm.s32 $0x16580;
	v2 =	vunpack.c.l.s4.s8 v2;
	v3 =	vunpack.c.l.s4.s8 v3;
	v4 =	vunpack.c.l.s4.s8 v4  }
0xa: {  	s16 =	simm.s32 $0x165C0;
	s18 =	simm.s32 $0x0;
	[smem:$0x7FF] =	sst s4;
	v5 =	vunpack.c.l.s4.s8 v5;
	v6 =	vunpack.c.l.s4.s8 v6;
	v0 =	vunpack.c.0.s8.s32 v0  }
0xb: {  	s5 =	sadd.s32 $0xC00, s0;
	s1 =	sand.u32 $0x1, s1;
	s6 =	sadd.s32 $0xF43000, s0;
	v1 =	vunpack.c.0.s8.s32 v1;
	v2 =	vunpack.c.0.s8.s32 v2;
	v3 =	vunpack.c.0.s8.s32 v3  }
0xc: {  	s7 =	sadd.s32 $0x7A3000, s0;
	s9 =	sadd.s32 $0x7A3800, s0;
	v7 =	vunpack.c.l.s4.s8 v7;
	s2 =	ssub.s32 $0x2, s1;
	v4 =	vunpack.c.0.s8.s32 v4;
	v5 =	vunpack.c.0.s8.s32 v5  }
0xd: {  	s31 =	sshll.u32 s3, $0xA;
	s3 =	simm.s32 $0x1;
	s30 =	sshrl.u32 s2, $0x1;
	v0 =	vcombine.low v1, v0;
	v1 =	vcombine.low v3, v2;
	v2 =	vunpack.c.0.s8.s32 v6  }
0xe: {  	vm14 =	vmmov $0x7fff;
	_ =	strace $0x80000047;
	s1 =	sshll.u32 s1, $0x9;
	s0 =	ssub.s32 s2, s30;
	v3 =	vcombine.low v5, v4;
	v4 =	vunpack.c.0.s8.s32 v7  }
0xf: {  	s10 =	sor.u32 s1, s31;
	s1 =	simm.s32 $0x10580;
	s0 =	smax.u32 s0, $0x1;
	v0 =	vand.u32 $0xF, v0;
	v1 =	vand.u32 $0xF, v1;
	v5 =	vand.u32 $0xF, v2  }
0x10: {  	s2 =	simm.s32 $0x14580;
	[dreg:$0x5] =	wrdreg s0;
	s0 =	simm.s32 $0x500;
	v2 =	vand.u32 $0xF, v3;
	v3 =	vcombine.low v5, v4;
	v4 =	vlaneseq.u32  }
.LBB2_1:
0x11: {  	[dreg:$0x6] =	wrdreg s18;
	s17 =	simm.s32 $0x0  }
.LBB2_2:
0x12: {  	s18 =	sshll.u32 s17, $0x6  }
0x13: {  	s20 =	sadd.s32 s10, s18  }
0x14: {  	s18 =	sshrl.u32 s20, $0x3  }
0x15: {  	s19 =	simm.s32 $0x0;
	s21 =	sadd.s32 s7, s18  }
0x16: {  	[tilespmem:s19], [sflag:$0x2] =	stream.linear.gather [hbm4b:s21+s19], $0x40, $0x38;
	[tilespmem:$0x16AC0] =	vst v63  }
0x17: {  	_ =	swait.ge [sflag:s12], $0x40  }
0x18: {  	[sflag:s12] =	ssyncset.done $0x0  }
0x19: {  	[sflag:s12] =	ssyncadd.s32 $0xFFFFFFC0  }
0x1a: {  	s26 =	rddreg [dreg:$0x1]  }
0x1b: {  	s21 =	sadd.s32 s26, s18  }
0x1c: {  	[tilespmem:s13], [sflag:$0x2] =	stream.linear.gather [hbm4b:s21+s19], $0x40, $0x38;
	[tilespmem:$0x16AC0] =	vst v63  }
0x1d: {  	_ =	swait.ge [sflag:s12], $0x40  }
0x1e: {  	s20 =	smul.u32 $0x14, s20;
	[sflag:s12] =	ssyncset.done $0x0  }
0x1f: {  	[sflag:s12] =	ssyncadd.s32 $0xFFFFFFC0  }
0x20: {  	s20 =	sshrl.u32 s20, $0x3;
	s30 =	rddreg [dreg:$0x2]  }
0x21: {  	s21 =	sadd.s32 s30, s20  }
0x22: {  	[tilespmem:s14], [sflag:$0x2] =	stream.linear.gather [hbm4b:s21+s19], $0x500, $0x38;
	[tilespmem:$0x16AC0] =	vst v63  }
0x23: {  	_ =	swait.ge [sflag:s12], $0x500  }
0x24: {  	[sflag:s12] =	ssyncset.done $0x0  }
0x25: {  	s31 =	simm.s32 $0x580;
	[sflag:s12] =	ssyncadd.s32 $0xFFFFFB00  }
0x26: {  	[tilespmem:s31], [sflag:$0x1] =	stream.indirect.gather [hbm4b:s5+s13], $0x40, s19, s13, $0xb8;
	[tilespmem:$0x16AC0] =	vst v63  }
0x27: {  	s22 =	simm.s32 $0x1580  }
0x28: {  	[tilespmem:s22], [sflag:$0x1] =	stream.indirect.gather [hbm4b:s6+s13], $0x40, s13, s13, $0xb8;
	[tilespmem:$0x16AC0] =	vst v63  }
0x29: {  	s23 =	simm.s32 $0x2580  }
0x2a: {  	[tilespmem:s23], [sflag:$0x1] =	stream.indirect.gather [hbm4b:s6+s14], $0x40, s14, s14, $0xb8;
	[tilespmem:$0x16AC0] =	vst v63  }
0x2b: {  	s24 =	simm.s32 $0x100;
	s22 =	simm.s32 $0x4580  }
0x2c: {  	[tilespmem:s22], [sflag:$0x1] =	stream.indirect.gather [hbm4b:s6+s14], $0x40, s24, s14, $0xb8;
	[tilespmem:$0x16AC0] =	vst v63  }
0x2d: {  	s25 =	simm.s32 $0x180;
	s26 =	simm.s32 $0x6580  }
0x2e: {  	[tilespmem:s26], [sflag:$0x1] =	stream.indirect.gather [hbm4b:s6+s14], $0x40, s25, s14, $0xb8;
	[tilespmem:$0x16AC0] =	vst v63  }
0x2f: {  	s30 =	simm.s32 $0x200;
	s31 =	simm.s32 $0x8580  }
0x30: {  	[tilespmem:s31], [sflag:$0x1] =	stream.indirect.gather [hbm4b:s6+s14], $0x40, s30, s14, $0xb8;
	[tilespmem:$0x16AC0] =	vst v63  }
0x31: {  	s23 =	simm.s32 $0xA580;
	s22 =	simm.s32 $0x280  }
0x32: {  	[tilespmem:s23], [sflag:$0x1] =	stream.indirect.gather [hbm4b:s6+s14], $0x40, s22, s14, $0xb8;
	[tilespmem:$0x16AC0] =	vst v63  }
0x33: {  	s24 =	simm.s32 $0x300;
	s25 =	simm.s32 $0xC580  }
0x34: {  	[tilespmem:s25], [sflag:$0x1] =	stream.indirect.gather [hbm4b:s6+s14], $0x40, s24, s14, $0xb8;
	[tilespmem:$0x16AC0] =	vst v63  }
0x35: {  	s26 =	simm.s32 $0x380;
	s30 =	simm.s32 $0xE580  }
0x36: {  	[tilespmem:s30], [sflag:$0x1] =	stream.indirect.gather [hbm4b:s6+s14], $0x40, s26, s14, $0xb8;
	[tilespmem:$0x16AC0] =	vst v63  }
0x37: {  	s31 =	simm.s32 $0x400  }
0x38: {  	[tilespmem:s1], [sflag:$0x1] =	stream.indirect.gather [hbm4b:s6+s14], $0x40, s31, s14, $0xb8;
	[tilespmem:$0x16AC0] =	vst v63  }
0x39: {  	_ = 	snop  }
0x3a: {  	[tilespmem:s11], [sflag:$0x1] =	stream.indirect.gather [hbm4b:s6+s14], $0x40, s8, s14, $0xb8;
	[tilespmem:$0x16AC0] =	vst v63  }
0x3b: {  	_ = 	snop  }
0x3c: {  	[tilespmem:s2], [sflag:$0x1] =	stream.indirect.gather [hbm4b:s6+s14], $0x40, s0, s14, $0xb8;
	[tilespmem:$0x16AC0] =	vst v63  }
0x3d: {  	_ =	swait.ge [sflag:s3], $0x1000  }
0x3e: {  	[sflag:s3] =	ssyncset.done $0x0  }
0x3f: {  	[sflag:s3] =	ssyncadd.s32 $0xFFFFF000  }
0x40: {  	_ =	swait.ge [sflag:s3], $0x1000  }
0x41: {  	[sflag:s3] =	ssyncset.done $0x0  }
0x42: {  	[sflag:s3] =	ssyncadd.s32 $0xFFFFF000  }
0x43: {  	_ =	swait.ge [sflag:s3], $0x2000  }
0x44: {  	[sflag:s3] =	ssyncset.done $0x0  }
0x45: {  	[sflag:s3] =	ssyncadd.s32 $0xFFFFE000  }
0x46: {  	_ =	swait.ge [sflag:s3], $0x2000  }
0x47: {  	[sflag:s3] =	ssyncset.done $0x0  }
0x48: {  	[sflag:s3] =	ssyncadd.s32 $0xFFFFE000  }
0x49: {  	_ =	swait.ge [sflag:s3], $0x2000  }
0x4a: {  	[sflag:s3] =	ssyncset.done $0x0  }
0x4b: {  	[sflag:s3] =	ssyncadd.s32 $0xFFFFE000  }
0x4c: {  	_ =	swait.ge [sflag:s3], $0x2000  }
0x4d: {  	[sflag:s3] =	ssyncset.done $0x0  }
0x4e: {  	[sflag:s3] =	ssyncadd.s32 $0xFFFFE000  }
0x4f: {  	_ =	swait.ge [sflag:s3], $0x2000  }
0x50: {  	[sflag:s3] =	ssyncset.done $0x0  }
0x51: {  	[sflag:s3] =	ssyncadd.s32 $0xFFFFE000  }
0x52: {  	_ =	swait.ge [sflag:s3], $0x2000  }
0x53: {  	[sflag:s3] =	ssyncset.done $0x0  }
0x54: {  	[sflag:s3] =	ssyncadd.s32 $0xFFFFE000  }
0x55: {  	_ =	swait.ge [sflag:s3], $0x2000  }
0x56: {  	[sflag:s3] =	ssyncset.done $0x0  }
0x57: {  	[sflag:s3] =	ssyncadd.s32 $0xFFFFE000  }
0x58: {  	_ =	swait.ge [sflag:s3], $0x2000  }
0x59: {  	[sflag:s3] =	ssyncset.done $0x0  }
0x5a: {  	[sflag:s3] =	ssyncadd.s32 $0xFFFFE000  }
0x5b: {  	_ =	swait.ge [sflag:s3], $0x2000  }
0x5c: {  	[sflag:s3] =	ssyncset.done $0x0  }
0x5d: {  	[sflag:s3] =	ssyncadd.s32 $0xFFFFE000  }
0x5e: {  	_ =	swait.ge [sflag:s3], $0x2000  }
0x5f: {  	s29 =	simm.s32 $0x15C0;
	s28 =	simm.s32 $0x5C0;
	[sflag:s3] =	ssyncset.done $0x0  }
0x60: {  	s25 =	simm.s32 $0x2A80;
	s26 =	simm.s32 $0x165D4;
	[sflag:s3] =	ssyncadd.s32 $0xFFFFE000  }
.LBB2_3:
0x61: {  	s24 =	smov.u32 s25;
	s23 =	smov.u32 s26  }
0x62: {  	v5 =	vimm.f32 $0.0e+00;
	s22 =	smov.u32 s28;
	s21 =	smov.u32 s29;
	s30 =	simm.s32 $0x0  }
.LBB2_4:
0x63: {  	v8 =	vld [tilespmem:s22+$0xFFFFFFC0]  }
0x64: {  	v9 =	vld [tilespmem:s22+$0xFFFFFFD0]  }
0x65: {  	v7 =	vld [tilespmem:s22+$0xFFFFFFE0]  }
0x66: {  	v6 =	vld [tilespmem:s22+$0xFFFFFFF0]  }
0x67: {  	v10 =	vld [tilespmem:s24+$0xFFFFFB00]  }
0x68: {  	v11 =	vld [tilespmem:s24+$0xFFFFFB10]  }
0x69: {  	v12 =	vld [tilespmem:s24+$0xFFFFFB20]  }
0x6a: {  	v13 =	vld [tilespmem:s24+$0xFFFFFB30]  }
0x6b: {  	v14 =	vld [tilespmem:s24+$0xFFFFFB40]  }
0x6c: {  	v15 =	vld [tilespmem:s24+$0xFFFFFB50]  }
0x6d: {  	v16 =	vld [tilespmem:s24+$0xFFFFFB60]  }
0x6e: {  	v43 =	vld [tilespmem:s24+$0xFFFFFB70]  }
0x6f: {  	v17 =	vld [tilespmem:s24+$0xFFFFFB80]  }
0x70: {  	v46 =	vld [tilespmem:s24+$0xFFFFFB90]  }
0x71: {  	v48 =	vld [tilespmem:s24+$0xFFFFFBA0]  }
0x72: {  	v50 =	vld [tilespmem:s24+$0xFFFFFBB0]  }
0x73: {  	v52 =	vld [tilespmem:s24+$0xFFFFFBD0]  }
0x74: {  	v19 =	vld [tilespmem:s24+$0xFFFFFBE0]  }
0x75: {  	v54 =	vld [tilespmem:s24+$0xFFFFFBF0]  }
0x76: {  	v21 =	vld [tilespmem:s24+$0xFFFFFC20]  }
0x77: {  	v23 =	vld [tilespmem:s24+$0xFFFFFC30];
	v10 =	vmul.f32 v10, v8  }
0x78: {  	v58 =	vld [tilespmem:s24+$0xFFFFFC40];
	v11 =	vmul.f32 v11, v9;
	v42 =	vmul.f32 v12, v7  }
0x79: {  	v59 =	vld [tilespmem:s24+$0xFFFFFC50];
	v13 =	vmul.f32 v13, v6;
	v44 =	vmul.f32 v14, v8  }
0x7a: {  	v25 =	vld [tilespmem:s24+$0xFFFFFC80];
	v45 =	vmul.f32 v15, v9;
	v47 =	vmul.f32 v16, v7  }
0x7b: {  	v62 =	vld [tilespmem:s24+$0xFFFFFC90];
	v12 =	vmul.f32 v43, v6;
	v17 =	vmul.f32 v17, v8  }
0x7c: {  	v63 =	vld [tilespmem:s24+$0xFFFFFC60];
	v15 =	vmul.f32 v46, v9;
	v14 =	vmul.f32 v48, v7  }
0x7d: {  	v29 =	vld [tilespmem:s24+$0xFFFFFC70];
	v16 =	vmul.f32 v52, v9;
	v61 =	vmul.f32 v19, v7  }
0x7e: {  	v32 =	vld [tilespmem:s24+$0xFFFFFCB0];
	v28 =	vmul.f32 v21, v7;
	v30 =	vmul.f32 v58, v8  }
0x7f: {  	v55 =	vld [tilespmem:s24+$0xFFFFFC00];
	v31 =	vmul.f32 v59, v9;
	v33 =	vmul.f32 v25, v8  }
0x80: {  	v51 =	vld [tilespmem:s24+$0xFFFFFBC0];
	v19 =	vmul.f32 v62, v9;
	v10 =	vadd.f32 v11, v10;
	v11 =	vadd.f32 v45, v44  }
0x81: {  	v56 =	vld [tilespmem:s24+$0xFFFFFC10];
	v23 =	vmul.f32 v23, v6;
	v34 =	vmul.f32 v63, v7;
	v15 =	vadd.f32 v15, v17  }
0x82: {  	v27 =	vld [tilespmem:s24+$0xFFFFFCA0];
	v21 =	vmul.f32 v29, v6;
	v10 =	vadd.f32 v42, v10;
	v11 =	vadd.f32 v47, v11  }
0x83: {  	v38 =	vmul.f32 v32, v6;
	v14 =	vadd.f32 v14, v15;
	v15 =	vmul.f32 v54, v6;
	v54 =	vld [tilespmem:s24+$0xFFFFFD10]  }
0x84: {  	v17 =	vmul.f32 v55, v8;
	v10 =	vadd.f32 v13, v10;
	v11 =	vadd.f32 v12, v11  }
0x85: {  	v37 =	vld [tilespmem:s24+$0xFFFFFCC0];
	v13 =	vmul.f32 v50, v6;
	v12 =	vmul.f32 v51, v8  }
0x86: {  	v29 =	vld [tilespmem:s24+$0xFFFFFD40];
	v49 =	vperm.xlane v10, v0;
	v18 =	vperm.xlane v11, v0  }
0x87: {  	v13 =	vadd.f32 v13, v14;
	v12 =	vadd.f32 v16, v12;
	v14 =	vmul.f32 v56, v9  }
0x88: {  	v42 =	vld [tilespmem:s24+$0xFFFFFCE0];
	v16 =	vmul.f32 v27, v7;
	v27 =	vmul.f32 v54, v9;
	v10 =	vadd.f32 v10, v49  }
0x89: {  	v58 =	vld [tilespmem:s24+$0xFFFFFD20];
	v11 =	vadd.f32 v11, v18;
	v22 =	vperm.xlane v13, v0;
	v12 =	vadd.f32 v61, v12  }
0x8a: {  	v39 =	vld [tilespmem:s24+$0xFFFFFCD0];
	v14 =	vadd.f32 v14, v17;
	v17 =	vadd.f32 v19, v33;
	v18 =	vmul.f32 v37, v8  }
0x8b: {  	v47 =	vld [tilespmem:s24+$0xFFFFFCF0];
	v19 =	vmul.f32 v29, v8;
	v53 =	vperm.xlane v10, v1;
	v13 =	vadd.f32 v13, v22  }
0x8c: {  	v37 =	vld [tilespmem:s24+$0xFFFFFD80];
	v20 =	vperm.xlane v11, v1;
	v12 =	vadd.f32 v15, v12;
	v14 =	vadd.f32 v28, v14  }
0x8d: {  	v15 =	vadd.f32 v31, v30;
	v16 =	vadd.f32 v16, v17;
	v17 =	vmul.f32 v42, v7  }
0x8e: {  	v63 =	vld [tilespmem:s24+$0xFFFFFD30];
	v30 =	vmul.f32 v58, v7;
	v10 =	vadd.f32 v10, v53;
	v11 =	vadd.f32 v11, v20  }
0x8f: {  	v51 =	vld [tilespmem:s24+$0xFFFFFD00];
	v26 =	vperm.xlane v13, v1;
	v36 =	vperm.xlane v12, v0;
	v14 =	vadd.f32 v23, v14  }
0x90: {  	v15 =	vadd.f32 v34, v15;
	v20 =	vmul.f32 v39, v9;
	v53 =	vmul.f32 v47, v6  }
0x91: {  	v54 =	vld [tilespmem:s24+$0xFFFFFDF0];
	v16 =	vadd.f32 v38, v16;
	v47 =	vmul.f32 v37, v8;
	v57 =	vperm.xlane v10, v2  }
0x92: {  	v31 =	vld [tilespmem:s24+$0xFFFFFD50];
	v24 =	vperm.xlane v11, v2;
	v13 =	vadd.f32 v13, v26;
	v12 =	vadd.f32 v12, v36  }
0x93: {  	v41 =	vperm.xlane v14, v0;
	v15 =	vadd.f32 v21, v15;
	v46 =	vperm.xlane v16, v0  }
0x94: {  	v18 =	vadd.f32 v20, v18;
	v26 =	vmul.f32 v51, v8;
	v36 =	vmul.f32 v63, v6  }
0x95: {  	v10 =	vadd.f32 v10, v57;
	v11 =	vadd.f32 v11, v24;
	v35 =	vperm.xlane v13, v2  }
0x96: {  	v63 =	vld [tilespmem:s24+$0xFFFFFE30];
	v44 =	vperm.xlane v12, v1;
	v14 =	vadd.f32 v14, v41;
	v45 =	vperm.xlane v15, v0  }
0x97: {  	v17 =	vadd.f32 v17, v18;
	v18 =	vmul.f32 v31, v9;
	v31 =	vmul.f32 v54, v6  }
0x98: {  	v16 =	vadd.f32 v16, v46;
	v46 =	vld [tilespmem:s24+$0xFFFFFDC0];
	v60 =	vperm.xlane v10, v3;
	v40 =	vperm.xlane v11, v3  }
0x99: {  	v54 =	vld [tilespmem:s24+$0xFFFFFEC0];
	v13 =	vadd.f32 v13, v35;
	v12 =	vadd.f32 v12, v44;
	v48 =	vperm.xlane v14, v1  }
0x9a: {  	v15 =	vadd.f32 v15, v45;
	v52 =	vperm.xlane v16, v1;
	v17 =	vadd.f32 v53, v17  }
0x9b: {  	v18 =	vadd.f32 v18, v19;
	v20 =	vmul.f32 v63, v6;
	v10 =	vadd.f32 v10, v60  }
0x9c: {  	v34 =	vld [tilespmem:s24+$0xFFFFFD60];
	v11 =	vadd.f32 v11, v40;
	v43 =	vperm.xlane v13, v3;
	v49 =	vperm.xlane v12, v2  }
0x9d: {  	v14 =	vadd.f32 v14, v48;
	v50 =	vperm.xlane v15, v1;
	v62 =	vperm.xlane v17, v0  }
0x9e: {  	v16 =	vadd.f32 v16, v52;
	v58 =	vmul.f32 v46, v8;
	v25 =	vmul.f32 v54, v8  }
0x9f: {  	v41 =	vld [tilespmem:s24+$0xFFFFFD70];
	v13 =	vadd.f32 v13, v43;
	v10 =	vsel vm0, v10, v11;
	v55 =	vadd.f32 v12, v49  }
0xa0: {  	v45 =	vld [tilespmem:s24+$0xFFFFFDB0];
	v56 =	vadd.f32 v15, v50;
	v57 =	vperm.xlane v14, v2;
	v61 =	vperm.xlane v16, v2  }
0xa1: {  	v40 =	vld [tilespmem:s24+$0xFFFFFD90];
	v17 =	vadd.f32 v17, v62;
	v50 =	vmul.f32 v34, v7;
	v10 =	vsel vm1, v10, v13  }
0xa2: {  	v48 =	vld [tilespmem:s24+$0xFFFFFDD0];
	v59 =	vperm.xlane v55, v3;
	v60 =	vperm.xlane v56, v2;
	v14 =	vadd.f32 v14, v57  }
0xa3: {  	v43 =	vld [tilespmem:s24+$0xFFFFFDA0];
	v15 =	vadd.f32 v16, v61;
	v13 =	vadd.f32 v27, v26;
	v33 =	vperm.xlane v17, v1  }
0xa4: {  	v18 =	vadd.f32 v50, v18;
	v16 =	vmul.f32 v41, v6;
	v11 =	vadd.f32 v55, v59  }
0xa5: {  	v53 =	vld [tilespmem:s24+$0xFFFFFDE0];
	v28 =	vperm.xlane v14, v3;
	v12 =	vadd.f32 v56, v60;
	v35 =	vperm.xlane v15, v3  }
0xa6: {  	v57 =	vld [tilespmem:s24+$0xFFFFFE00];
	v13 =	vadd.f32 v30, v13;
	v39 =	vadd.f32 v17, v33;
	v17 =	vmul.f32 v40, v9  }
0xa7: {  	v56 =	vmul.f32 v45, v6;
	v16 =	vadd.f32 v16, v18;
	v59 =	vmul.f32 v48, v9  }
0xa8: {  	v60 =	vld [tilespmem:s24+$0xFFFFFE10];
	v52 =	vmul.f32 v43, v7;
	v14 =	vadd.f32 v14, v28;
	v32 =	vperm.xlane v12, v3  }
0xa9: {  	v30 =	vld [tilespmem:s24+$0xFFFFFE40];
	v10 =	vsel vm2, v10, v11;
	v15 =	vadd.f32 v15, v35;
	v13 =	vadd.f32 v36, v13  }
0xaa: {  	v42 =	vperm.xlane v39, v2;
	v51 =	vadd.f32 v17, v47;
	v62 =	vperm.xlane v16, v0  }
0xab: {  	v61 =	vld [tilespmem:s24+$0xFFFFFE20];
	v18 =	vadd.f32 v59, v58;
	v17 =	vmul.f32 v53, v7;
	v33 =	vmul.f32 v57, v8  }
0xac: {  	v35 =	vld [tilespmem:s24+$0xFFFFFE60];
	v38 =	vadd.f32 v12, v32;
	v10 =	vsel vm3, v10, v14;
	v12 =	vadd.f32 v39, v42  }
0xad: {  	v47 =	vld [tilespmem:s24+$0xFFFFFE90];
	v44 =	vperm.xlane v13, v0;
	v16 =	vadd.f32 v16, v62;
	v17 =	vadd.f32 v17, v18  }
0xae: {  	v57 =	vld [tilespmem:s24+$0xFFFFFEE0];
	v22 =	vmul.f32 v60, v9;
	v39 =	vmul.f32 v30, v8;
	v10 =	vsel vm4, v10, v38  }
0xaf: {  	v32 =	vld [tilespmem:s24+$0xFFFFFE50];
	v11 =	vsel vm0, v14, v38;
	v49 =	vperm.xlane v12, v3;
	v13 =	vadd.f32 v13, v44  }
0xb0: {  	v62 =	vld [tilespmem:s24+$0xFFFFFF00];
	v14 =	vadd.f32 v52, v51;
	v34 =	vperm.xlane v16, v1;
	v17 =	vadd.f32 v31, v17  }
0xb1: {  	v38 =	vld [tilespmem:s24+$0xFFFFFE70];
	v10 =	vsel vm5, v10, v15;
	v11 =	vsel vm1, v11, v15;
	v21 =	vadd.f32 v22, v33  }
0xb2: {  	v44 =	vld [tilespmem:s24+$0xFFFFFE80];
	v15 =	vmul.f32 v61, v7;
	v18 =	vmul.f32 v35, v7;
	v12 =	vadd.f32 v12, v49  }
0xb3: {  	v33 =	vld [tilespmem:s24+$0xFFFFFF20];
	v55 =	vperm.xlane v13, v1;
	v14 =	vadd.f32 v56, v14;
	v37 =	vperm.xlane v17, v0  }
0xb4: {  	v49 =	vld [tilespmem:s24+$0xFFFFFEA0];
	v23 =	vmul.f32 v57, v7;
	v15 =	vadd.f32 v15, v21;
	v19 =	vmul.f32 v32, v9  }
0xb5: {  	v27 =	vld [tilespmem:s24+$0xFFFFFED0];
	v32 =	vmul.f32 v47, v9;
	v10 =	vsel vm6, v10, v12;
	v13 =	vadd.f32 v13, v55  }
0xb6: {  	v51 =	vld [tilespmem:s24+$0xFFFFFEB0];
	v11 =	vsel vm2, v11, v12;
	v29 =	vperm.xlane v14, v0;
	v46 =	vmul.f32 v38, v6  }
0xb7: {  	v35 =	vld [tilespmem:s24+$0xFFFFFF30];
	v15 =	vadd.f32 v20, v15;
	v31 =	vmul.f32 v44, v8;
	v20 =	vmul.f32 v62, v8  }
0xb8: {  	v28 =	vperm.xlane v13, v2;
	v14 =	vadd.f32 v14, v29;
	v22 =	vmul.f32 v33, v7  }
0xb9: {  	v41 =	vadd.f32 v19, v39;
	v45 =	vperm.xlane v15, v0;
	v19 =	vmul.f32 v49, v7  }
0xba: {  	v12 =	vadd.f32 v13, v28;
	v36 =	vperm.xlane v14, v1;
	v13 =	vadd.f32 v16, v34  }
0xbb: {  	v16 =	vadd.f32 v17, v37;
	v17 =	vadd.f32 v18, v41;
	v34 =	vmul.f32 v27, v9  }
0xbc: {  	v28 =	vld [tilespmem:s24+$0xFFFFFF10];
	v18 =	vmul.f32 v51, v6;
	v51 =	vmul.f32 v35, v6;
	v15 =	vadd.f32 v15, v45  }
0xbd: {  	v60 =	vld [tilespmem:s24+$0xFFFFFEF0];
	v40 =	vperm.xlane v13, v2;
	v14 =	vadd.f32 v14, v36;
	v43 =	vperm.xlane v16, v1  }
0xbe: {  	v30 =	vld [tilespmem:s24+$0xFFFFFFE0];
	v48 =	vperm.xlane v12, v3;
	v17 =	vadd.f32 v46, v17;
	v25 =	vadd.f32 v34, v25  }
0xbf: {  	v36 =	vld [tilespmem:s24+$0xFFFFFF40];
	v55 =	vperm.xlane v15, v1;
	v13 =	vadd.f32 v13, v40;
	v42 =	vperm.xlane v14, v2  }
0xc0: {  	v46 =	vld [tilespmem:s24+$0xFFFFFFC0];
	v16 =	vadd.f32 v16, v43;
	v12 =	vadd.f32 v12, v48;
	v56 =	vperm.xlane v17, v0  }
0xc1: {  	v44 =	vld [tilespmem:s24+$0xFFFFFF90];
	v23 =	vadd.f32 v23, v25;
	v58 =	vadd.f32 v15, v55;
	v49 =	vmul.f32 v28, v9  }
0xc2: {  	v48 =	vld [tilespmem:s24+$0xFFFFFFD0];
	v14 =	vadd.f32 v14, v42;
	v50 =	vperm.xlane v13, v3;
	v53 =	vperm.xlane v16, v2  }
0xc3: {  	v40 =	vld [tilespmem:s24+$0xFFFFFF70];
	v10 =	vsel vm7, v10, v12;
	v59 =	vadd.f32 v17, v56;
	v17 =	vmul.f32 v60, v6  }
0xc4: {  	v11 =	vsel vm3, v11, v12;
	v63 =	vperm.xlane v58, v2;
	v21 =	vmul.f32 v36, v8  }
0xc5: {  	v38 =	vld [tilespmem:s24+$0xFFFFFF50];
	v54 =	vmul.f32 v46, v8;
	v52 =	vperm.xlane v14, v3;
	v13 =	vadd.f32 v13, v50  }
0xc6: {  	v16 =	vadd.f32 v16, v53;
	v26 =	vperm.xlane v59, v1;
	v17 =	vadd.f32 v17, v23  }
0xc7: {  	v23 =	vmul.f32 v44, v9;
	v12 =	vadd.f32 v58, v63;
	v55 =	vmul.f32 v48, v9  }
0xc8: {  	v57 =	vmul.f32 v40, v6;
	v58 =	vmul.f32 v30, v7;
	v14 =	vadd.f32 v14, v52  }
0xc9: {  	v39 =	vld [tilespmem:s24+$0xFFFFFF60];
	v10 =	vsel vm8, v10, v13;
	v11 =	vsel vm4, v11, v13;
	v61 =	vperm.xlane v16, v3  }
0xca: {  	v50 =	vld [tilespmem:s24+$0xFFFFFFA0];
	v15 =	vadd.f32 v59, v26;
	v47 =	vperm.xlane v17, v0;
	v26 =	vmul.f32 v38, v9  }
0xcb: {  	v42 =	vld [tilespmem:s24+$0xFFFFFF80];
	v29 =	vperm.xlane v12, v3;
	v10 =	vsel vm9, v10, v14;
	v13 =	vadd.f32 v16, v61  }
0xcc: {  	v53 =	vld [tilespmem:s24+$0xFFFFFFF0];
	v16 =	vadd.f32 v32, v31;
	v37 =	vperm.xlane v15, v2;
	v21 =	vadd.f32 v26, v21  }
0xcd: {  	v11 =	vsel vm5, v11, v14;
	v17 =	vadd.f32 v17, v47;
	v12 =	vadd.f32 v12, v29  }
0xce: {  	v52 =	vld [tilespmem:s24+$0xFFFFFFB0];
	v16 =	vadd.f32 v19, v16;
	v10 =	vsel vm10, v10, v13;
	v11 =	vsel vm6, v11, v13  }
0xcf: {  	v56 =	vmul.f32 v50, v7;
	v10 =	vsel vm11, v10, v12;
	v11 =	vsel vm7, v11, v12  }
0xd0: {  	v12 =	vadd.f32 v49, v20;
	v41 =	vadd.f32 v18, v16;
	v16 =	vmul.f32 v42, v8  }
0xd1: {  	v61 =	vmul.f32 v53, v6;
	v15 =	vadd.f32 v15, v37;
	v19 =	vmul.f32 v39, v7  }
0xd2: {  	v27 =	vperm.xlane v17, v1;
	v12 =	vadd.f32 v22, v12;
	v16 =	vadd.f32 v23, v16  }
0xd3: {  	v59 =	vmul.f32 v52, v6;
	v19 =	vadd.f32 v19, v21;
	v22 =	vadd.f32 v55, v54  }
0xd4: {  	v45 =	vperm.xlane v41, v0;
	v12 =	vadd.f32 v51, v12;
	v16 =	vadd.f32 v56, v16  }
0xd5: {  	v43 =	vperm.xlane v15, v3;
	v19 =	vadd.f32 v57, v19;
	v60 =	vadd.f32 v58, v22  }
0xd6: {  	v13 =	vadd.f32 v41, v45;
	v62 =	vperm.xlane v12, v0;
	v16 =	vadd.f32 v59, v16  }
0xd7: {  	v30 =	vadd.f32 v17, v27;
	v63 =	vperm.xlane v19, v0;
	v24 =	vadd.f32 v61, v60  }
0xd8: {  	v25 =	vperm.xlane v13, v1;
	v12 =	vadd.f32 v12, v62;
	v26 =	vperm.xlane v16, v0  }
0xd9: {  	v15 =	vadd.f32 v15, v43;
	v18 =	vadd.f32 v19, v63;
	v28 =	vperm.xlane v24, v0  }
0xda: {  	v13 =	vadd.f32 v13, v25;
	v29 =	vperm.xlane v12, v1;
	v14 =	vadd.f32 v16, v26  }
0xdb: {  	v22 =	vperm.xlane v30, v2;
	v31 =	vperm.xlane v18, v1;
	v19 =	vadd.f32 v24, v28  }
0xdc: {  	v32 =	vperm.xlane v13, v2;
	v12 =	vadd.f32 v12, v29;
	v33 =	vperm.xlane v14, v1  }
0xdd: {  	v11 =	vsel vm8, v11, v15;
	v17 =	vadd.f32 v18, v31;
	v34 =	vperm.xlane v19, v1  }
0xde: {  	v13 =	vadd.f32 v13, v32;
	v35 =	vperm.xlane v12, v2;
	v14 =	vadd.f32 v14, v33  }
0xdf: {  	v16 =	vadd.f32 v30, v22;
	v36 =	vperm.xlane v17, v2;
	v18 =	vadd.f32 v19, v34  }
0xe0: {  	v37 =	vperm.xlane v13, v3;
	v12 =	vadd.f32 v12, v35;
	v38 =	vperm.xlane v14, v2  }
0xe1: {  	v22 =	vperm.xlane v16, v3;
	v17 =	vadd.f32 v17, v36;
	v39 =	vperm.xlane v18, v2  }
0xe2: {  	v13 =	vadd.f32 v13, v37;
	v40 =	vperm.xlane v12, v3;
	v14 =	vadd.f32 v14, v38  }
0xe3: {  	v16 =	vadd.f32 v16, v22;
	v41 =	vperm.xlane v17, v3;
	v18 =	vadd.f32 v18, v39  }
0xe4: {  	v11 =	vsel vm9, v11, v13;
	v12 =	vadd.f32 v12, v40;
	v42 =	vperm.xlane v14, v3  }
0xe5: {  	v17 =	vadd.f32 v17, v41;
	v11 =	vsel vm10, v11, v16;
	v44 =	vperm.xlane v18, v3  }
0xe6: {  	v43 =	vld [tilespmem:s21+$0xFFFFFFC0];
	v10 =	vsel vm12, v10, v15;
	v11 =	vsel vm11, v11, v12;
	v46 =	vadd.f32 v14, v42  }
0xe7: {  	v45 =	vld [tilespmem:s21+$0xFFFFFFD0];
	v10 =	vsel vm13, v10, v13;
	v48 =	vadd.f32 v18, v44;
	v11 =	vsel vm12, v11, v17  }
0xe8: {  	v47 =	vld [tilespmem:s21+$0xFFFFFFE0];
	v10 =	vsel vm14, v10, v16;
	v11 =	vsel vm13, v11, v46  }
0xe9: {  	v49 =	vld [tilespmem:s21+$0xFFFFFFF0];
	[tilespmem:s23+$0xFFFFFFEC] =	vst v10;
	v11 =	vsel vm14, v11, v48  }
0xea: {  	[tilespmem:s23+$0xFFFFFFF0] =	vst v11  }
0xeb: {  	v13 =	vld [tilespmem:s22+$0x0]  }
0xec: {  	v8 =	vmul.f32 v43, v8;
	v9 =	vmul.f32 v45, v9;
	v12 =	vld [tilespmem:s22+$0x10]  }
0xed: {  	v11 =	vld [tilespmem:s22+$0x20]  }
0xee: {  	v7 =	vmul.f32 v47, v7;
	v8 =	vadd.f32 v9, v8;
	v10 =	vld [tilespmem:s22+$0x30]  }
0xef: {  	v50 =	vld [tilespmem:s21+$0x0]  }
0xf0: {  	v6 =	vmul.f32 v49, v6;
	v7 =	vadd.f32 v7, v8;
	v51 =	vld [tilespmem:s21+$0x10]  }
0xf1: {  	v52 =	vld [tilespmem:s21+$0x20]  }
0xf2: {  	v6 =	vadd.f32 v6, v7;
	v53 =	vld [tilespmem:s21+$0x30]  }
0xf3: {  	v54 =	vld [tilespmem:s24+$0x0]  }
0xf4: {  	v58 =	vperm.xlane v6, v0;
	v55 =	vld [tilespmem:s24+$0x10]  }
0xf5: {  	v56 =	vld [tilespmem:s24+$0x20]  }
0xf6: {  	v6 =	vadd.f32 v6, v58;
	v7 =	vld [tilespmem:s24+$0x30]  }
0xf7: {  	v57 =	vld [tilespmem:s24+$0x40]  }
0xf8: {  	v63 =	vperm.xlane v6, v1;
	v59 =	vld [tilespmem:s24+$0x50]  }
0xf9: {  	v60 =	vld [tilespmem:s24+$0x80]  }
0xfa: {  	v6 =	vadd.f32 v6, v63;
	v61 =	vld [tilespmem:s24+$0x90]  }
0xfb: {  	v62 =	vld [tilespmem:s24+$0x60]  }
0xfc: {  	v41 =	vperm.xlane v6, v2;
	v27 =	vld [tilespmem:s24+$0xA0];
	v16 =	vmul.f32 v50, v13  }
0xfd: {  	v29 =	vld [tilespmem:s24+$0x70];
	v17 =	vmul.f32 v51, v12;
	v14 =	vmul.f32 v54, v13  }
0xfe: {  	v32 =	vld [tilespmem:s24+$0xB0];
	v8 =	vmul.f32 v55, v12;
	v26 =	vmul.f32 v52, v11  }
0xff: {  	v43 =	vld [tilespmem:s24+$0xC0];
	v28 =	vmul.f32 v56, v11;
	v7 =	vmul.f32 v7, v10  }
0x100: {  	v46 =	vld [tilespmem:s24+$0xD0];
	v30 =	vmul.f32 v57, v13;
	v31 =	vmul.f32 v59, v12  }
0x101: {  	v58 =	vld [tilespmem:s24+$0x130];
	v33 =	vmul.f32 v60, v13;
	v20 =	vmul.f32 v61, v12  }
0x102: {  	v6 =	vadd.f32 v6, v41;
	v9 =	vmul.f32 v53, v10;
	v34 =	vmul.f32 v62, v11;
	v53 =	vld [tilespmem:s24+$0x100]  }
0x103: {  	v36 =	vmul.f32 v27, v11;
	v15 =	vmul.f32 v29, v10;
	v56 =	vld [tilespmem:s24+$0x110]  }
0x104: {  	v51 =	vperm.xlane v6, v3;
	v57 =	vld [tilespmem:s24+$0x120];
	v16 =	vadd.f32 v17, v16;
	v8 =	vadd.f32 v8, v14  }
0x105: {  	v18 =	vmul.f32 v43, v13;
	v60 =	vld [tilespmem:s24+$0x140];
	v17 =	vadd.f32 v31, v30;
	v35 =	vadd.f32 v20, v33  }
0x106: {  	v50 =	vld [tilespmem:s24+$0xF0];
	v20 =	vmul.f32 v46, v12;
	v6 =	vadd.f32 v6, v51;
	v16 =	vadd.f32 v26, v16  }
0x107: {  	v48 =	vld [tilespmem:s24+$0xE0];
	v39 =	vmul.f32 v32, v10;
	v8 =	vadd.f32 v28, v8;
	v37 =	vadd.f32 v34, v17  }
0x108: {  	v18 =	vadd.f32 v20, v18;
	v34 =	vld [tilespmem:s24+$0x170];
	v17 =	vmul.f32 v58, v10;
	v22 =	vmul.f32 v53, v13  }
0x109: {  	v63 =	vld [tilespmem:s24+$0x150];
	v33 =	vmul.f32 v56, v12;
	v21 =	vmul.f32 v57, v11;
	v7 =	vadd.f32 v7, v8  }
0x10a: {  	v20 =	vmul.f32 v60, v13;
	v57 =	vld [tilespmem:s24+$0x210];
	v9 =	vadd.f32 v9, v16;
	v8 =	vadd.f32 v36, v35  }
0x10b: {  	v15 =	vadd.f32 v15, v37;
	v16 =	vmul.f32 v50, v10;
	v36 =	vld [tilespmem:s24+$0x180];
	v22 =	vadd.f32 v33, v22  }
0x10c: {  	v24 =	vld [tilespmem:s24+$0x230];
	v38 =	vperm.xlane v7, v0;
	v40 =	vperm.xlane v9, v0;
	v8 =	vadd.f32 v39, v8  }
0x10d: {  	v32 =	vld [tilespmem:s24+$0x160];
	v42 =	vperm.xlane v15, v0;
	v21 =	vadd.f32 v21, v22;
	v51 =	vmul.f32 v34, v10  }
0x10e: {  	v60 =	vld [tilespmem:s24+$0x220];
	v7 =	vadd.f32 v7, v38;
	v9 =	vadd.f32 v9, v40;
	v45 =	vperm.xlane v8, v0  }
0x10f: {  	v37 =	vld [tilespmem:s24+$0x190];
	v47 =	vadd.f32 v15, v42;
	v15 =	vmul.f32 v48, v11;
	v40 =	vmul.f32 v63, v12  }
0x110: {  	v39 =	vld [tilespmem:s24+$0x1A0];
	v19 =	vmul.f32 v57, v12;
	v17 =	vadd.f32 v17, v21;
	v46 =	vmul.f32 v36, v13  }
0x111: {  	v48 =	vld [tilespmem:s24+$0x1E0];
	v44 =	vperm.xlane v7, v1;
	v49 =	vperm.xlane v9, v1;
	v8 =	vadd.f32 v8, v45  }
0x112: {  	v52 =	vperm.xlane v47, v1;
	v15 =	vadd.f32 v15, v18;
	v18 =	vmul.f32 v32, v11  }
0x113: {  	v32 =	vmul.f32 v24, v10;
	v50 =	vperm.xlane v17, v0  }
0x114: {  	v45 =	vld [tilespmem:s24+$0x1B0];
	v7 =	vadd.f32 v7, v44;
	v9 =	vadd.f32 v9, v49;
	v55 =	vperm.xlane v8, v1  }
0x115: {  	v41 =	vld [tilespmem:s24+$0x1C0];
	v14 =	vadd.f32 v47, v52;
	v47 =	vmul.f32 v37, v12;
	v52 =	vmul.f32 v39, v11  }
0x116: {  	v43 =	vld [tilespmem:s24+$0x1D0];
	v15 =	vadd.f32 v16, v15;
	v16 =	vmul.f32 v60, v11;
	v21 =	vmul.f32 v48, v11  }
0x117: {  	v44 =	vadd.f32 v40, v20;
	v54 =	vperm.xlane v7, v2;
	v25 =	vperm.xlane v9, v2  }
0x118: {  	v53 =	vld [tilespmem:s24+$0x1F0];
	v8 =	vadd.f32 v8, v55;
	v59 =	vperm.xlane v14, v2;
	v38 =	vperm.xlane v15, v0  }
0x119: {  	v18 =	vadd.f32 v18, v44;
	v55 =	vld [tilespmem:s24+$0x200];
	v56 =	vmul.f32 v45, v10;
	v7 =	vadd.f32 v7, v54  }
0x11a: {  	v45 =	vld [tilespmem:s24+$0x280];
	v62 =	vperm.xlane v8, v2;
	v14 =	vadd.f32 v14, v59;
	v42 =	vadd.f32 v15, v38  }
0x11b: {  	v54 =	vmul.f32 v41, v13;
	v15 =	vmul.f32 v43, v12;
	v18 =	vadd.f32 v51, v18;
	v38 =	vld [tilespmem:s24+$0x250]  }
0x11c: {  	v17 =	vadd.f32 v17, v50;
	v41 =	vld [tilespmem:s24+$0x260];
	v61 =	vperm.xlane v7, v3;
	v35 =	vperm.xlane v14, v3  }
0x11d: {  	v51 =	vld [tilespmem:s24+$0x2A0];
	v8 =	vadd.f32 v8, v62;
	v49 =	vperm.xlane v42, v1;
	v59 =	vperm.xlane v18, v0  }
0x11e: {  	v15 =	vadd.f32 v15, v54;
	v62 =	vperm.xlane v17, v1;
	v27 =	vmul.f32 v55, v13  }
0x11f: {  	v36 =	vld [tilespmem:s24+$0x240];
	v7 =	vadd.f32 v7, v61;
	v26 =	vperm.xlane v8, v3;
	v14 =	vadd.f32 v14, v35  }
0x120: {  	v43 =	vld [tilespmem:s24+$0x270];
	v15 =	vadd.f32 v21, v15;
	v61 =	vmul.f32 v53, v10;
	v18 =	vadd.f32 v18, v59  }
0x121: {  	v54 =	vld [tilespmem:s24+$0x2D0];
	v17 =	vadd.f32 v17, v62;
	v21 =	vmul.f32 v45, v13;
	v20 =	vmul.f32 v38, v12  }
0x122: {  	v19 =	vadd.f32 v19, v27;
	v55 =	vmul.f32 v41, v11;
	v60 =	vmul.f32 v51, v11  }
0x123: {  	v59 =	vld [tilespmem:s24+$0x2F0];
	v7 =	vsel vm0, v7, v14;
	v8 =	vadd.f32 v8, v26;
	v14 =	vadd.f32 v42, v49  }
0x124: {  	v45 =	vld [tilespmem:s24+$0x370];
	v15 =	vadd.f32 v61, v15;
	v28 =	vperm.xlane v18, v1;
	v30 =	vperm.xlane v17, v2  }
0x125: {  	v26 =	vmul.f32 v43, v10;
	v16 =	vadd.f32 v16, v19;
	v19 =	vmul.f32 v36, v13  }
0x126: {  	v22 =	vmul.f32 v54, v12;
	v7 =	vsel vm1, v7, v8;
	v8 =	vadd.f32 v47, v46  }
0x127: {  	v58 =	vperm.xlane v14, v2;
	v18 =	vadd.f32 v18, v28;
	v17 =	vadd.f32 v17, v30  }
0x128: {  	v36 =	vld [tilespmem:s24+$0x330];
	v29 =	vperm.xlane v15, v0;
	v16 =	vadd.f32 v32, v16;
	v19 =	vadd.f32 v20, v19  }
0x129: {  	v61 =	vld [tilespmem:s24+$0x300];
	v20 =	vmul.f32 v59, v10;
	v51 =	vmul.f32 v45, v10;
	v8 =	vadd.f32 v52, v8  }
0x12a: {  	v14 =	vadd.f32 v14, v58;
	v15 =	vadd.f32 v15, v29;
	v34 =	vperm.xlane v18, v2  }
0x12b: {  	v57 =	vld [tilespmem:s24+$0x2E0];
	v37 =	vperm.xlane v17, v3;
	v40 =	vperm.xlane v16, v0;
	v19 =	vadd.f32 v55, v19  }
0x12c: {  	v52 =	vld [tilespmem:s24+$0x2C0];
	v8 =	vadd.f32 v56, v8;
	v33 =	vperm.xlane v14, v3;
	v35 =	vperm.xlane v15, v1  }
0x12d: {  	v18 =	vadd.f32 v18, v34;
	v17 =	vadd.f32 v17, v37;
	v23 =	vmul.f32 v36, v10  }
0x12e: {  	v48 =	vld [tilespmem:s24+$0x290];
	v16 =	vadd.f32 v16, v40;
	v32 =	vadd.f32 v26, v19;
	v40 =	vmul.f32 v61, v13  }
0x12f: {  	v56 =	vld [tilespmem:s24+$0x2B0];
	v63 =	vperm.xlane v8, v0;
	v14 =	vadd.f32 v14, v33;
	v42 =	vperm.xlane v18, v3  }
0x130: {  	v15 =	vadd.f32 v15, v35;
	v35 =	vmul.f32 v57, v11;
	v50 =	vperm.xlane v16, v1  }
0x131: {  	v38 =	vld [tilespmem:s24+$0x340];
	v62 =	vmul.f32 v52, v13;
	v26 =	vperm.xlane v32, v0;
	v8 =	vadd.f32 v8, v63  }
0x132: {  	v33 =	vld [tilespmem:s24+$0x320];
	v14 =	vsel vm2, v7, v14;
	v44 =	vperm.xlane v15, v2;
	v7 =	vadd.f32 v9, v25  }
0x133: {  	v52 =	vld [tilespmem:s24+$0x380];
	v47 =	vadd.f32 v18, v42;
	v18 =	vmul.f32 v48, v12;
	v46 =	vsel vm3, v14, v17  }
0x134: {  	v63 =	vld [tilespmem:s24+$0x310];
	v16 =	vadd.f32 v16, v50;
	v34 =	vmul.f32 v56, v10;
	v31 =	vperm.xlane v8, v1  }
0x135: {  	v15 =	vadd.f32 v15, v44;
	v9 =	vsel vm4, v46, v47;
	v14 =	vsel vm0, v17, v47  }
0x136: {  	v43 =	vld [tilespmem:s24+$0x360];
	v18 =	vadd.f32 v18, v21;
	v17 =	vadd.f32 v22, v62;
	v46 =	vmul.f32 v38, v13  }
0x137: {  	v54 =	vld [tilespmem:s24+$0x390];
	v58 =	vperm.xlane v16, v2;
	v19 =	vmul.f32 v33, v11;
	v8 =	vadd.f32 v8, v31  }
0x138: {  	v53 =	vperm.xlane v15, v3;
	v18 =	vadd.f32 v60, v18;
	v17 =	vadd.f32 v35, v17;
	v60 =	vld [tilespmem:s24+$0x3B0]  }
0x139: {  	v45 =	vld [tilespmem:s24+$0x440];
	v25 =	vmul.f32 v52, v13;
	v16 =	vadd.f32 v16, v58;
	v41 =	vmul.f32 v63, v12  }
0x13a: {  	v63 =	vld [tilespmem:s24+$0x3C0];
	v39 =	vperm.xlane v8, v2;
	v15 =	vadd.f32 v15, v53;
	v18 =	vadd.f32 v34, v18  }
0x13b: {  	v17 =	vadd.f32 v20, v17;
	v20 =	vmul.f32 v43, v11;
	v34 =	vld [tilespmem:s24+$0x3D0];
	v37 =	vperm.xlane v16, v3  }
0x13c: {  	v43 =	vld [tilespmem:s24+$0x420];
	v22 =	vadd.f32 v41, v40;
	v8 =	vadd.f32 v8, v39;
	v42 =	vperm.xlane v18, v0  }
0x13d: {  	v44 =	vperm.xlane v17, v0;
	v16 =	vadd.f32 v16, v37;
	v24 =	vmul.f32 v60, v10  }
0x13e: {  	v19 =	vadd.f32 v19, v22;
	v60 =	vmul.f32 v45, v13;
	v49 =	vperm.xlane v8, v3  }
0x13f: {  	v39 =	vld [tilespmem:s24+$0x350];
	v18 =	vadd.f32 v18, v42;
	v17 =	vadd.f32 v17, v44;
	v42 =	vmul.f32 v63, v13  }
0x140: {  	v36 =	vld [tilespmem:s24+$0x3E0];
	v19 =	vadd.f32 v23, v19;
	v23 =	vmul.f32 v54, v12;
	v22 =	vmul.f32 v34, v12  }
0x141: {  	v44 =	vld [tilespmem:s24+$0x430];
	v63 =	vmul.f32 v43, v11;
	v8 =	vadd.f32 v8, v49;
	v47 =	vperm.xlane v18, v1  }
0x142: {  	v49 =	vperm.xlane v17, v1;
	v50 =	vperm.xlane v19, v0;
	v23 =	vadd.f32 v23, v25  }
0x143: {  	v9 =	vsel vm5, v9, v8;
	v8 =	vsel vm1, v14, v8;
	v14 =	vadd.f32 v32, v26  }
0x144: {  	v21 =	vmul.f32 v39, v12;
	v18 =	vadd.f32 v18, v47;
	v17 =	vadd.f32 v17, v49  }
0x145: {  	v57 =	vld [tilespmem:s24+$0x3A0];
	v9 =	vsel vm6, v9, v15;
	v55 =	vadd.f32 v19, v50;
	v19 =	vmul.f32 v36, v11  }
0x146: {  	v40 =	vld [tilespmem:s24+$0x400];
	v21 =	vadd.f32 v21, v46;
	v36 =	vmul.f32 v44, v10;
	v26 =	vperm.xlane v14, v1  }
0x147: {  	v47 =	vld [tilespmem:s24+$0x450];
	v8 =	vsel vm2, v8, v15;
	v53 =	vperm.xlane v18, v2;
	v59 =	vperm.xlane v17, v2  }
0x148: {  	v34 =	vld [tilespmem:s24+$0x4B0];
	v9 =	vsel vm7, v9, v16;
	v20 =	vadd.f32 v20, v21;
	v14 =	vadd.f32 v14, v26  }
0x149: {  	v8 =	vsel vm3, v8, v16;
	v61 =	vperm.xlane v55, v1;
	v18 =	vadd.f32 v18, v53  }
0x14a: {  	v38 =	vld [tilespmem:s24+$0x3F0];
	v17 =	vadd.f32 v17, v59;
	v56 =	vadd.f32 v51, v20;
	v48 =	vperm.xlane v14, v2  }
0x14b: {  	v49 =	vld [tilespmem:s24+$0x460];
	v15 =	vadd.f32 v55, v61;
	v20 =	vmul.f32 v57, v11;
	v57 =	vmul.f32 v40, v13  }
0x14c: {  	v41 =	vld [tilespmem:s24+$0x410];
	v61 =	vmul.f32 v47, v12;
	v33 =	vperm.xlane v18, v3;
	v14 =	vadd.f32 v14, v48  }
0x14d: {  	v53 =	vld [tilespmem:s24+$0x490];
	v40 =	vmul.f32 v34, v10;
	v62 =	vperm.xlane v56, v0;
	v20 =	vadd.f32 v20, v23  }
0x14e: {  	v59 =	vld [tilespmem:s24+$0x4D0];
	v37 =	vperm.xlane v17, v3;
	v18 =	vadd.f32 v18, v33;
	v58 =	vperm.xlane v14, v3  }
0x14f: {  	v39 =	vperm.xlane v15, v2;
	v35 =	vadd.f32 v56, v62;
	v20 =	vadd.f32 v24, v20;
	v62 =	vld [tilespmem:s24+$0x4A0]  }
0x150: {  	v32 =	vld [tilespmem:s24+$0x4E0];
	v48 =	vmul.f32 v38, v10;
	v33 =	vmul.f32 v49, v11;
	v14 =	vadd.f32 v14, v58  }
0x151: {  	v17 =	vadd.f32 v17, v37;
	v27 =	vperm.xlane v35, v1;
	v54 =	vperm.xlane v20, v0  }
0x152: {  	v50 =	vld [tilespmem:s24+$0x470];
	v58 =	vmul.f32 v41, v12;
	v9 =	vsel vm8, v9, v14;
	v8 =	vsel vm4, v8, v14  }
0x153: {  	v14 =	vadd.f32 v15, v39;
	v15 =	vadd.f32 v22, v42;
	v22 =	vmul.f32 v53, v12  }
0x154: {  	v51 =	vld [tilespmem:s24+$0x480];
	v16 =	vadd.f32 v35, v27;
	v12 =	vmul.f32 v59, v12;
	v37 =	vmul.f32 v62, v11  }
0x155: {  	v56 =	vld [tilespmem:s24+$0x4C0];
	v11 =	vmul.f32 v32, v11;
	v62 =	vperm.xlane v7, v3  }
0x156: {  	v9 =	vsel vm9, v9, v18;
	v27 =	vperm.xlane v16, v2;
	v8 =	vsel vm5, v8, v18  }
0x157: {  	v18 =	vmul.f32 v50, v10;
	v46 =	vperm.xlane v14, v3;
	v15 =	vadd.f32 v19, v15  }
0x158: {  	v35 =	vld [tilespmem:s24+$0x4F0];
	v9 =	vsel vm10, v9, v17;
	v8 =	vsel vm6, v8, v17;
	v17 =	vadd.f32 v58, v57  }
0x159: {  	v19 =	vmul.f32 v51, v13;
	v7 =	vadd.f32 v7, v62;
	v14 =	vadd.f32 v14, v46  }
0x15a: {  	v13 =	vmul.f32 v56, v13;
	v16 =	vadd.f32 v16, v27;
	v15 =	vadd.f32 v48, v15  }
0x15b: {  	v17 =	vadd.f32 v63, v17;
	v19 =	vadd.f32 v22, v19;
	v9 =	vsel vm11, v9, v14  }
0x15c: {  	s31 =	sadd.s32 $0x1, s30;
	v8 =	vsel vm7, v8, v14;
	v14 =	vadd.f32 v20, v54;
	v20 =	vadd.f32 v61, v60  }
0x15d: {  	v12 =	vadd.f32 v12, v13;
	v10 =	vmul.f32 v35, v10;
	v63 =	vmov s31  }
0x15e: {  	v52 =	vperm.xlane v16, v3;
	v17 =	vadd.f32 v36, v17;
	v20 =	vadd.f32 v33, v20  }
0x15f: {  	v55 =	vperm.xlane v15, v0;
	v39 =	vadd.f32 v37, v19;
	v11 =	vadd.f32 v11, v12  }
0x160: {  	v61 =	vmov s30;
	v16 =	vadd.f32 v16, v52;
	v38 =	vadd.f32 v18, v20  }
0x161: {  	v15 =	vadd.f32 v15, v55;
	v41 =	vperm.xlane v17, v0;
	v18 =	vadd.f32 v40, v39  }
0x162: {  	v42 =	vperm.xlane v14, v1;
	v10 =	vadd.f32 v10, v11;
	v43 =	vperm.xlane v38, v0  }
0x163: {  	v8 =	vsel vm8, v8, v16;
	v12 =	vadd.f32 v17, v41;
	v46 =	vperm.xlane v18, v0  }
0x164: {  	v44 =	vperm.xlane v15, v1;
	v48 =	vperm.xlane v10, v0;
	v13 =	vadd.f32 v38, v43  }
0x165: {  	v45 =	vadd.f32 v14, v42;
	v47 =	vperm.xlane v12, v1;
	v14 =	vadd.f32 v18, v46  }
0x166: {  	v15 =	vadd.f32 v15, v44;
	v10 =	vadd.f32 v10, v48;
	v49 =	vperm.xlane v13, v1  }
0x167: {  	v20 =	vperm.xlane v45, v2;
	v12 =	vadd.f32 v12, v47;
	v51 =	vperm.xlane v14, v1  }
0x168: {  	v50 =	vperm.xlane v15, v2;
	v19 =	vperm.xlane v10, v1;
	v13 =	vadd.f32 v13, v49  }
0x169: {  	v11 =	vadd.f32 v45, v20;
	v52 =	vperm.xlane v12, v2;
	v14 =	vadd.f32 v14, v51  }
0x16a: {  	v15 =	vadd.f32 v15, v50;
	v10 =	vadd.f32 v10, v19;
	v53 =	vperm.xlane v13, v2  }
0x16b: {  	v20 =	vperm.xlane v11, v3;
	v12 =	vadd.f32 v12, v52;
	v55 =	vperm.xlane v14, v2  }
0x16c: {  	v54 =	vperm.xlane v15, v3;
	v19 =	vperm.xlane v10, v2;
	v13 =	vadd.f32 v13, v53  }
0x16d: {  	v11 =	vadd.f32 v11, v20;
	v56 =	vperm.xlane v12, v3;
	v14 =	vadd.f32 v14, v55  }
0x16e: {  	v15 =	vadd.f32 v15, v54;
	v10 =	vadd.f32 v10, v19;
	v57 =	vperm.xlane v13, v3  }
0x16f: {  	v8 =	vsel vm9, v8, v11;
	v12 =	vadd.f32 v12, v56;
	v58 =	vperm.xlane v14, v3  }
0x170: {  	p0 =	slt.u32 s30, $0xE;
	v8 =	vsel vm10, v8, v15;
	v59 =	vperm.xlane v10, v3;
	v13 =	vadd.f32 v13, v57  }
.Ltmp0:
0x171: {  	v9 =	vsel vm12, v9, v16;
	v8 =	vsel vm11, v8, v12;
	v60 =	vadd.f32 v14, v58;
	(pc) =	sbr.rel @p0 .LBB2_4-.Ltmp0, $4  }
0x172: {  	v9 =	vsel vm13, v9, v11;
	v10 =	vadd.f32 v10, v59;
	v8 =	vsel vm12, v8, v13  }
0x173: {  	vm15 =	veq.s32 v61, v4;
	v9 =	vsel vm14, v9, v15;
	v8 =	vsel vm13, v8, v60  }
0x174: {  	s21 =	sadd.s32 $0x80, s21;
	s22 =	sadd.s32 $0x80, s22;
	v5 =	vsel vm15, v6, v5;
	vm15 =	veq.s32 v63, v4;
	[tilespmem:s23+$0x0] =	vst v9;
	v8 =	vsel vm14, v8, v10  }
0x175: {  	s24 =	sadd.s32 $0xA00, s24;
	s30 =	sadd.s32 $0x2, s30;
	v5 =	vsel vm15, v7, v5;
	[tilespmem:s23+$0x4] =	vst v8;
	s23 =	sadd.s32 $0x28, s23  }
0x176: {  	s21 =	sshll.u32 s19, $0x4;
	s19 =	sadd.s32 $0x1, s19  }
0x177: {  	p0 =	sne.s32 s19, $0x4  }
.Ltmp1:
0x178: {  	_ = 	snop;
	(pc) =	sbr.rel @p0 .LBB2_3-.Ltmp1, $3  }
0x179: {  	_ =	sdelay $0x1  }
0x17a: {  	s29 =	sadd.s32 $0x400, s29;
	s21 =	sand.u32 $0x3FFFFFF0, s21  }
0x17b: {  	s28 =	sadd.s32 $0x400, s28;
	s26 =	sadd.s32 $0x140, s26;
	s25 =	sadd.s32 $0x5000, s25;
	[tilespmem:s21+$0x16580] =	vst v5  }
0x17c: {  	s19 =	rddreg [dreg:$0x3]  }
0x17d: {  	s18 =	sadd.s32 s19, s18  }
0x17e: {  	[hbm4b:s18+s4] =	stream.linear.scatter [tilespmem:s15], [sflag:$0x2], $0x40, $0x38;
	[tilespmem:$0x16AC0] =	vst v63  }
0x17f: {  	s17 =	sadd.s32 $0x1, s17;
	_ =	swait.ge [sflag:s12], $0x40  }
0x180: {  	p0 =	sne.s32 s17, $0x8;
	[sflag:s12] =	ssyncset.done $0x0  }
.Ltmp2:
0x181: {  	s31 =	sadd.s32 s9, s20;
	[sflag:s12] =	ssyncadd.s32 $0xFFFFFFC0;
	(pc) =	sbr.rel @p0 .LBB2_2-.Ltmp2, $4  }
0x182: {  	[hbm4b:s31+s4] =	stream.linear.scatter [tilespmem:s16], [sflag:$0x2], $0x500, $0x38;
	[tilespmem:$0x16AC0] =	vst v63  }
0x183: {  	_ =	swait.ge [sflag:s12], $0x500  }
0x184: {  	[sflag:s12] =	ssyncset.done $0x0  }
0x185: {  	[sflag:s12] =	ssyncadd.s32 $0xFFFFFB00  }
0x186: {  	s18 =	rddreg [dreg:$0x6]  }
0x187: {  	s17 =	rddreg [dreg:$0x5];
	s18 =	sadd.s32 $0x1, s18  }
0x188: {  	p0 =	sne.s32 s18, s17  }
.Ltmp3:
0x189: {  	_ = 	snop;
	(pc) =	sbr.rel @p0 .LBB2_1-.Ltmp3, $1  }
0x18a: {  	_ =	sdelay $0x3  }
0x18b: {  	_ =	sfence.sel $0x180000  }
0x18c: {  	[bflag:$0x0] =	sbarrier.arrive $0xFFFF  }
0x18d: {  	_ =	strace $0x90000047  }
0x18e: {  	s0 =	stileid.u32;
	[bflag:$0x2] =	sbarrier.arrive $0xFFFF  }
0x18f: {  	p0 =	sne.s32 s0, $0x0;
	s0 =	rddreg [dreg:$0x4]  }
0x190: {  	s0 =	sadd.s32 @!p0 $0x100000, s0  }
0x191: {  	[sflag:s0] =	ssyncadd.tile.s32 @!p0 $0x1;
	_ =	shalt  }
.Lfunc_end2:
_tile_overlayer_lowered:
.L_overlay_start_2:
0x192: {  	(tag) =	ssettag $0x2  }
0x193: {  	s0 =	rddreg [dreg:$0x0];
	s2 =	stileid.u32  }
0x194: {  	s1 =	rddreg [dreg:$0x1];
	p0 =	sne.s32 s2, $0x0  }
0x195: {  	s3 =	rddreg [dreg:$0x2];
	[bflag:$0x3] =	sbarrier.arrive $0xFFFF;
	s2 =	simm.s32 @!p0 $0x1C02  }
0x196: {  	[timem:s3], [sflag:s2] =	dma.local @!p0 [hbm:s0], s1  }
0x197: {  	s0 =	simm.s32 @!p0 $0x2  }
0x198: {  	_ =	swait.ge @!p0 [sflag:s0], s1  }
0x199: {  	s1 =	ssub.s32 @!p0 $0x0, s1;
	[sflag:s0] =	ssyncset.done @!p0 $0x0  }
0x19a: {  	[sflag:s0] =	ssyncadd.s32 @!p0 s1  }
0x19b: {  	[bflag:$0x3] =	sbarrier.arrive $0xFFFF  }
0x19c: {  	_ =	shalt  }

</sc_bundles>
